<compile_context>
chip_gen: v7x
topology: tpu7x:2x2x1
jax: 0.10.2.dev20260603
libtpu: 0.0.44.dev20260713+nightly
codegen_flags: <defaults>
</compile_context>

<pallas_src>
import functools

import jax
import jax.numpy as jnp
from jax import lax
from jax.experimental import pallas as pl
from jax.experimental.pallas import tpu as pltpu
from jax.experimental.pallas import tpu_sc as plsc

N = 10000
D = 128
E = 320000
EL = 100000

NC = 2
NS = 16
CH = 128
CH_PER_TILE = 80
CH_PER_CORE = CH_PER_TILE * NS
CH_TOTAL = CH_PER_CORE * NC
E_PAD = CH_TOTAL * CH - E
N_DUMP = 112
N_ACC = N + N_DUMP
ZR_PER_TILE = N_ACC // NS
RP = 624
R_TAIL = N - RP * NS

ELC = 25
ELP_PER_TILE = ELC * 128
ELP = ELP_PER_TILE * NC * NS

_mesh = lambda: plsc.VectorSubcoreMesh(core_axis_name="c", subcore_axis_name="s")


def _acc_to_out(acc_sh, out_hbm, s):
    ro = s * RP
    pltpu.sync_copy(acc_sh.at[pl.ds(ro, RP)], out_hbm.at[pl.ds(ro, RP)])

    @pl.when(s == NS - 1)
    def _tail():
        pltpu.sync_copy(acc_sh.at[pl.ds(RP * NS, R_TAIL)],
                        out_hbm.at[pl.ds(RP * NS, R_TAIL)])



CH_ROUND = CH_PER_TILE // 2


@functools.partial(
    pl.kernel, mesh=_mesh(),
    out_type=jax.ShapeDtypeStruct((NC, N, D), jnp.float32),
    scratch_types=[
        pltpu.VMEM((CH_ROUND, CH), jnp.int32),
        pltpu.VMEM((CH_ROUND, CH), jnp.int32),
        pltpu.VMEM((CH, D), jnp.float32),
        pltpu.VMEM((CH, D), jnp.float32),
        pltpu.VMEM_SHARED((N_ACC, D), jnp.float32),
        pltpu.SemaphoreType.DMA,
        pltpu.SemaphoreType.DMA,
    ],
)
def _seg_pass(src_hbm, dst_hbm, x_hbm, z128_hbm,
              agg_out,
              srcv, dstv, rows0, rows1, acc_sh, sem0, sem1):
    c = lax.axis_index("c")
    s = lax.axis_index("s")
    rz = s * ZR_PER_TILE
    pltpu.sync_copy(z128_hbm.at[pl.ds(rz, ZR_PER_TILE)],
                    acc_sh.at[pl.ds(rz, ZR_PER_TILE)])
    base_chunk = c * CH_PER_CORE + s * CH_PER_TILE
    plsc.subcore_barrier()

    for r in range(CH_PER_TILE // CH_ROUND):
        pltpu.sync_copy(
            src_hbm.at[pl.ds(base_chunk + r * CH_ROUND, CH_ROUND)], srcv)
        pltpu.sync_copy(
            dst_hbm.at[pl.ds(base_chunk + r * CH_ROUND, CH_ROUND)], dstv)
        pltpu.async_copy(x_hbm.at[srcv.at[0]], rows0, sem0)

        def body(t, carry):
            j = 2 * t
            pltpu.async_copy(x_hbm.at[srcv.at[j + 1]], rows1, sem1)
            pltpu.make_async_copy(x_hbm.at[pl.ds(0, CH)], rows0, sem0).wait()
            pltpu.sync_copy(rows0, acc_sh.at[dstv.at[j]], add=True)

            @pl.when(j + 2 < CH_ROUND)
            def _nx():
                pltpu.async_copy(x_hbm.at[srcv.at[j + 2]], rows0, sem0)

            pltpu.make_async_copy(x_hbm.at[pl.ds(0, CH)], rows1, sem1).wait()
            pltpu.sync_copy(rows1, acc_sh.at[dstv.at[j + 1]], add=True)
            return carry

        lax.fori_loop(0, CH_ROUND // 2, body, 0)

    plsc.subcore_barrier()
    _acc_to_out(acc_sh, agg_out.at[c], s)



@functools.partial(
    pl.kernel, mesh=_mesh(),
    out_type=jax.ShapeDtypeStruct((NC * N,), jnp.float32),
    scratch_types=[
        pltpu.VMEM((CH_PER_TILE, CH), jnp.int32),
        pltpu.VMEM((CH,), jnp.int32),
        pltpu.VMEM((CH,), jnp.float32),
        pltpu.VMEM((ZR_PER_TILE,), jnp.float32),
        pltpu.VMEM((RP,), jnp.float32),
        pltpu.VMEM_SHARED((N_ACC,), jnp.float32),
    ],
)
def _deg_pass(dst_hbm, deg_out, dstv, idxc, onesv, zb, ob, deg_sh):
    c = lax.axis_index("c")
    s = lax.axis_index("s")
    for k in range(CH // 16):
        onesv[pl.ds(k * 16, 16)] = jnp.full((16,), 1.0, jnp.float32)
    for k in range(ZR_PER_TILE // 16):
        zb[pl.ds(k * 16, 16)] = jnp.zeros((16,), jnp.float32)
    zb[pl.ds(ZR_PER_TILE - 16, 16)] = jnp.zeros((16,), jnp.float32)
    rz = s * ZR_PER_TILE
    pltpu.sync_copy(zb, deg_sh.at[pl.ds(rz, ZR_PER_TILE)])
    base_chunk = c * CH_PER_CORE + s * CH_PER_TILE
    pltpu.sync_copy(dst_hbm.at[pl.ds(base_chunk, CH_PER_TILE)], dstv)
    plsc.subcore_barrier()

    def body(j, carry):
        for k in range(CH // 16):
            idxc[pl.ds(k * 16, 16)] = dstv[j, pl.ds(k * 16, 16)]
        pltpu.sync_copy(onesv, deg_sh.at[idxc], add=True)
        return carry

    lax.fori_loop(0, CH_PER_TILE, body, 0)
    plsc.subcore_barrier()
    ro = s * RP
    pltpu.sync_copy(deg_sh.at[pl.ds(ro, RP)], ob)
    pltpu.sync_copy(ob, deg_out.at[pl.ds(c * N + ro, RP)])

    @pl.when(s == NS - 1)
    def _t():
        pltpu.sync_copy(deg_sh.at[pl.ds(RP * NS, R_TAIL)],
                        ob.at[pl.ds(0, R_TAIL)])
        pltpu.sync_copy(ob.at[pl.ds(0, R_TAIL)],
                        deg_out.at[pl.ds(c * N + RP * NS, R_TAIL)])



@functools.partial(
    pl.kernel, mesh=_mesh(),
    out_type=jax.ShapeDtypeStruct((NC * NS, ELC, 128), jnp.float32),
    scratch_types=[
        pltpu.VMEM((ELC, 128), jnp.int32),
        pltpu.VMEM((ELC, 128), jnp.int32),
        pltpu.VMEM((ELC, 128), jnp.float32),
        pltpu.VMEM((ELC, 128), jnp.float32),
        pltpu.VMEM((ELC, 128), jnp.float32),
        pltpu.VMEM((N,), jnp.float32),
        pltpu.VMEM_SHARED((N,), jnp.float32),
        pltpu.SemaphoreType.DMA,
    ],
)
def _head(s_hbm, el0_hbm, el1_hbm, out_hbm, i0v, i1v, v0, v1, ov, sbuf, s_sp,
          sem):
    c = lax.axis_index("c")
    s = lax.axis_index("s")
    w = s * NC + c
    @pl.when(s == 0)
    def _stage():
        pltpu.sync_copy(s_hbm, sbuf)
        pltpu.sync_copy(sbuf, s_sp)

    pltpu.sync_copy(el0_hbm.at[w], i0v)
    pltpu.sync_copy(el1_hbm.at[w], i1v)
    plsc.subcore_barrier()

    def fire(j, carry):
        pltpu.async_copy(s_sp.at[i0v.at[j]], v0.at[j], sem)
        pltpu.async_copy(s_sp.at[i1v.at[j]], v1.at[j], sem)
        return carry

    lax.fori_loop(0, ELC, fire, 0)
    pltpu.make_async_copy(out_hbm.at[w], v0, sem).wait()
    pltpu.make_async_copy(out_hbm.at[w], v1, sem).wait()

    def add_body(j, carry):
        for k in range(8):
            ov[j, pl.ds(k * 16, 16)] = (v0[j, pl.ds(k * 16, 16)] +
                                        v1[j, pl.ds(k * 16, 16)])
        return carry

    lax.fori_loop(0, ELC, add_body, 0)
    pltpu.sync_copy(ov, out_hbm.at[w])



BN = 2000


def _tc1_body(x_ref, agg_ref, d0_ref, d1_ref, ws_ref, wn_ref, b_ref, o_ref):
    deg = jnp.maximum(d0_ref[...] + d1_ref[...], 1.0)
    m = (agg_ref[0] + agg_ref[1]) / deg
    h = jnp.dot(x_ref[...], ws_ref[...], preferred_element_type=jnp.float32)
    h = h + jnp.dot(m, wn_ref[...], preferred_element_type=jnp.float32)
    h = h + b_ref[...]
    o_ref[...] = jnp.maximum(h, 0.0)


def _tc2_body(h_ref, agg_ref, d0_ref, d1_ref, ws_ref, wn_ref, b_ref, wc_ref,
              bc_ref, o_ref):
    u = jnp.dot(ws_ref[...], wc_ref[...], preferred_element_type=jnp.float32)
    v = jnp.dot(wn_ref[...], wc_ref[...], preferred_element_type=jnp.float32)
    deg = jnp.maximum(d0_ref[...] + d1_ref[...], 1.0)
    m = (agg_ref[0] + agg_ref[1]) / deg
    sv = jnp.dot(h_ref[...], u, preferred_element_type=jnp.float32)
    sv = sv + jnp.dot(m, v, preferred_element_type=jnp.float32)
    const = jnp.dot(b_ref[...], wc_ref[...], preferred_element_type=jnp.float32)
    o_ref[...] = sv + const + 0.5 * bc_ref[...]


def _tc1(x, agg, d0, d1, Ws1, Wn1, b1):
    return pl.pallas_call(
        _tc1_body,
        grid=(N // BN,),
        in_specs=[
            pl.BlockSpec((BN, D), lambda i: (i, 0)),
            pl.BlockSpec((NC, BN, D), lambda i: (0, i, 0)),
            pl.BlockSpec((BN, 1), lambda i: (i, 0)),
            pl.BlockSpec((BN, 1), lambda i: (i, 0)),
            pl.BlockSpec((D, D), lambda i: (0, 0)),
            pl.BlockSpec((D, D), lambda i: (0, 0)),
            pl.BlockSpec((1, D), lambda i: (0, 0)),
        ],
        out_specs=pl.BlockSpec((BN, D), lambda i: (i, 0)),
        out_shape=jax.ShapeDtypeStruct((N, D), jnp.float32),
    )(x, agg, d0, d1, Ws1, Wn1, b1)


def _tc2(h1, agg, d0, d1, Ws2, Wn2, b2, Wc, bc):
    return pl.pallas_call(
        _tc2_body,
        grid=(N // BN,),
        in_specs=[
            pl.BlockSpec((BN, D), lambda i: (i, 0)),
            pl.BlockSpec((NC, BN, D), lambda i: (0, i, 0)),
            pl.BlockSpec((BN, 1), lambda i: (i, 0)),
            pl.BlockSpec((BN, 1), lambda i: (i, 0)),
            pl.BlockSpec((D, D), lambda i: (0, 0)),
            pl.BlockSpec((D, D), lambda i: (0, 0)),
            pl.BlockSpec((1, D), lambda i: (0, 0)),
            pl.BlockSpec((D, 1), lambda i: (0, 0)),
            pl.BlockSpec((1, 1), lambda i: (0, 0)),
        ],
        out_specs=pl.BlockSpec((BN, 1), lambda i: (i, 0)),
        out_shape=jax.ShapeDtypeStruct((N, 1), jnp.float32),
    )(h1, agg, d0, d1, Ws2, Wn2, b2, Wc, bc)



def kernel(x, edge_index, edge_label_index, batch,
           Ws1, Wn1, b1, Ws2, Wn2, b2, Wc, bc):
    del batch
    pad_src = jnp.zeros((E_PAD,), jnp.int32)
    pad_dst = N + (jnp.arange(E_PAD, dtype=jnp.int32) % N_DUMP)
    src2d = jnp.concatenate([edge_index[0], pad_src]).reshape(CH_TOTAL, CH)
    dst2d = jnp.concatenate([edge_index[1], pad_dst]).reshape(CH_TOTAL, CH)
    z128 = jnp.zeros((N_ACC, D), jnp.float32)

    degflat = _deg_pass(dst2d)
    d0 = degflat[:N].reshape(N, 1)
    d1 = degflat[N:].reshape(N, 1)
    agg1 = _seg_pass(src2d, dst2d, x, z128)
    h1 = _tc1(x, agg1, d0, d1, Ws1, Wn1, b1.reshape(1, D))
    agg2 = _seg_pass(src2d, dst2d, h1, z128)
    s = _tc2(h1, agg2, d0, d1, Ws2, Wn2, b2.reshape(1, D), Wc,
             bc.reshape(1, 1))

    padl = jnp.zeros((ELP - EL,), jnp.int32)
    el0 = jnp.concatenate([edge_label_index[0], padl]).reshape(NC * NS, ELC,
                                                                128)
    el1 = jnp.concatenate([edge_label_index[1], padl]).reshape(NC * NS, ELC,
                                                                128)
    out = _head(s.reshape(N), el0, el1)
    return out.reshape(ELP)[:EL].reshape(EL, 1)

# --- scband reference (transcript-rebuilt; emitter-appended) ---
"""Pipeline reference for scband-gnnwrapper-23450521436531 (READ-ONLY COPY).

The authoritative reference and input builder live on the scoring server;
editing this copy changes nothing except your own understanding.
"""

import jax, jax.numpy as jnp
import numpy as np

N = 10000
E = 320000
EL = 100000
D = 128
H = 128


def setup_inputs(seed: int = 0) -> dict:
    key = jax.random.key(seed)
    ks = jax.random.split(key, 12)
    x = jax.random.normal(ks[0], (N, D), dtype=jnp.float32)
    edge_index = jax.random.randint(ks[1], (2, E), 0, N, dtype=jnp.int32)
    edge_label_index = jax.random.randint(ks[2], (2, EL), 0, N, dtype=jnp.int32)
    batch = jnp.zeros((N,), dtype=jnp.int32)
    s = 1.0 / np.sqrt(D)
    sh = 1.0 / np.sqrt(H)
    Ws1 = jax.random.normal(ks[3], (D, H), dtype=jnp.float32) * s
    Wn1 = jax.random.normal(ks[4], (D, H), dtype=jnp.float32) * s
    b1 = jnp.zeros((H,), dtype=jnp.float32)
    Ws2 = jax.random.normal(ks[5], (H, H), dtype=jnp.float32) * sh
    Wn2 = jax.random.normal(ks[6], (H, H), dtype=jnp.float32) * sh
    b2 = jnp.zeros((H,), dtype=jnp.float32)
    Wc = jax.random.normal(ks[7], (H, 1), dtype=jnp.float32) * sh
    bc = jnp.zeros((1,), dtype=jnp.float32)
    return {"x": x, "edge_index": edge_index, "edge_label_index": edge_label_index,
            "batch": batch, "Ws1": Ws1, "Wn1": Wn1, "b1": b1,
            "Ws2": Ws2, "Wn2": Wn2, "b2": b2, "Wc": Wc, "bc": bc}


def _mean_agg(h, src, dst):
    # SparseCore-friendly gather + scatter-add (segment_sum) mean aggregation
    msg = jnp.take(h, src, axis=0)
    agg = jax.ops.segment_sum(msg, dst, num_segments=N)
    deg = jax.ops.segment_sum(jnp.ones((src.shape[0],), jnp.float32), dst, num_segments=N)
    return agg / jnp.clip(deg, 1.0)[:, None]


def reference(x, edge_index, edge_label_index, batch, Ws1, Wn1, b1, Ws2, Wn2, b2, Wc, bc):
    src, dst = edge_index[0], edge_index[1]
    # GraphSAGE layer 1 (mean aggregator): h = x @ Ws + mean_neigh(x) @ Wn + b
    m1 = _mean_agg(x, src, dst)
    h = x @ Ws1 + m1 @ Wn1 + b1
    h = jax.nn.relu(h)
    # GraphSAGE layer 2 (no activation after last GNN layer, PyG BasicGNN convention)
    m2 = _mean_agg(h, src, dst)
    h = h @ Ws2 + m2 @ Wn2 + b2
    # link prediction head: gather endpoint embeddings, sum, 1-layer MLP classifier
    x1 = jnp.take(h, edge_label_index[0], axis=0)
    x2 = jnp.take(h, edge_label_index[1], axis=0)
    x_edge = x1 + x2
    out = x_edge @ Wc + bc
    return out

if __name__ == "__main__":
    import jax
    _d = setup_inputs()
    print(jax.jit(kernel)(*tuple(_d.values())))

</pallas_src>

<mosaic_0001>
#map = affine_map<(d0, d1) -> (0, 0)>
#map1 = affine_map<(d0, d1) -> (0)>
module attributes {stable_mosaic.version = 14 : i64} {
  func.func @_deg_pass(%arg0: i32, %arg1: i32, %arg2: memref<2560x128xi32, #tpu.memory_space<hbm>>, %arg3: memref<20000xf32, #tpu.memory_space<hbm>>, %arg4: memref<80x128xi32, #tpu.memory_space<vmem>>, %arg5: memref<128xi32, #tpu.memory_space<vmem>>, %arg6: memref<128xf32, #tpu.memory_space<vmem>>, %arg7: memref<632xf32, #tpu.memory_space<vmem>>, %arg8: memref<624xf32, #tpu.memory_space<vmem>>, %arg9: memref<10112xf32, #tpu.memory_space<vmem_shared>>) attributes {dimension_semantics = [#tpu.dimension_semantics<core_parallel>, #tpu.dimension_semantics<subcore_parallel>], iteration_bounds = array<i64: 2, 16>, scalar_prefetch = 0 : i64, scratch_operands = 6 : i64, tpu.core_type = #tpu.core_type<sc_vector_subcore>, window_params = [{transform_indices = #map}, {transform_indices = #map1}]} {
    %broadcast_in_dim3A = arith.constant 1.000000e+00 : f32
    %broadcast_in_dim3A_0 = vector.broadcast %broadcast_in_dim3A : f32 to vector<16xf32>
    %swap3A = arith.constant 0 : index
    %swap3A_1 = tpu.vector_load %arg6[%swap3A] {strides = array<i32>} : memref<128xf32, #tpu.memory_space<vmem>>, vector<16xf32>,
    %swap3A_2 = vector.shape_cast %swap3A_1 : vector<16xf32> to vector<16xf32>
    %swap3A_3 = vector.shape_cast %broadcast_in_dim3A_0 : vector<16xf32> to vector<16xf32>
    tpu.vector_store %arg6[%swap3A], %swap3A_3 {strides = array<i32>} : memref<128xf32, #tpu.memory_space<vmem>>, vector<16xf32>,
    %broadcast_in_dim3A_4 = arith.constant 1.000000e+00 : f32
    %broadcast_in_dim3A_5 = vector.broadcast %broadcast_in_dim3A_4 : f32 to vector<16xf32>
    %swap3A_6 = arith.constant 16 : index
    %swap3A_7 = tpu.vector_load %arg6[%swap3A_6] {strides = array<i32>} : memref<128xf32, #tpu.memory_space<vmem>>, vector<16xf32>,
    %swap3A_8 = vector.shape_cast %swap3A_7 : vector<16xf32> to vector<16xf32>
    %swap3A_9 = vector.shape_cast %broadcast_in_dim3A_5 : vector<16xf32> to vector<16xf32>
    tpu.vector_store %arg6[%swap3A_6], %swap3A_9 {strides = array<i32>} : memref<128xf32, #tpu.memory_space<vmem>>, vector<16xf32>,
    %broadcast_in_dim3A_10 = arith.constant 1.000000e+00 : f32
    %broadcast_in_dim3A_11 = vector.broadcast %broadcast_in_dim3A_10 : f32 to vector<16xf32>
    %swap3A_12 = arith.constant 32 : index
    %swap3A_13 = tpu.vector_load %arg6[%swap3A_12] {strides = array<i32>} : memref<128xf32, #tpu.memory_space<vmem>>, vector<16xf32>,
    %swap3A_14 = vector.shape_cast %swap3A_13 : vector<16xf32> to vector<16xf32>
    %swap3A_15 = vector.shape_cast %broadcast_in_dim3A_11 : vector<16xf32> to vector<16xf32>
    tpu.vector_store %arg6[%swap3A_12], %swap3A_15 {strides = array<i32>} : memref<128xf32, #tpu.memory_space<vmem>>, vector<16xf32>,
    %broadcast_in_dim3A_16 = arith.constant 1.000000e+00 : f32
    %broadcast_in_dim3A_17 = vector.broadcast %broadcast_in_dim3A_16 : f32 to vector<16xf32>
    %swap3A_18 = arith.constant 48 : index
    %swap3A_19 = tpu.vector_load %arg6[%swap3A_18] {strides = array<i32>} : memref<128xf32, #tpu.memory_space<vmem>>, vector<16xf32>,
    %swap3A_20 = vector.shape_cast %swap3A_19 : vector<16xf32> to vector<16xf32>
    %swap3A_21 = vector.shape_cast %broadcast_in_dim3A_17 : vector<16xf32> to vector<16xf32>
    tpu.vector_store %arg6[%swap3A_18], %swap3A_21 {strides = array<i32>} : memref<128xf32, #tpu.memory_space<vmem>>, vector<16xf32>,
    %broadcast_in_dim3A_22 = arith.constant 1.000000e+00 : f32
    %broadcast_in_dim3A_23 = vector.broadcast %broadcast_in_dim3A_22 : f32 to vector<16xf32>
    %swap3A_24 = arith.constant 64 : index
    %swap3A_25 = tpu.vector_load %arg6[%swap3A_24] {strides = array<i32>} : memref<128xf32, #tpu.memory_space<vmem>>, vector<16xf32>,
    %swap3A_26 = vector.shape_cast %swap3A_25 : vector<16xf32> to vector<16xf32>
    %swap3A_27 = vector.shape_cast %broadcast_in_dim3A_23 : vector<16xf32> to vector<16xf32>
    tpu.vector_store %arg6[%swap3A_24], %swap3A_27 {strides = array<i32>} : memref<128xf32, #tpu.memory_space<vmem>>, vector<16xf32>,
    %broadcast_in_dim3A_28 = arith.constant 1.000000e+00 : f32
    %broadcast_in_dim3A_29 = vector.broadcast %broadcast_in_dim3A_28 : f32 to vector<16xf32>
    %swap3A_30 = arith.constant 80 : index
    %swap3A_31 = tpu.vector_load %arg6[%swap3A_30] {strides = array<i32>} : memref<128xf32, #tpu.memory_space<vmem>>, vector<16xf32>,
    %swap3A_32 = vector.shape_cast %swap3A_31 : vector<16xf32> to vector<16xf32>
    %swap3A_33 = vector.shape_cast %broadcast_in_dim3A_29 : vector<16xf32> to vector<16xf32>
    tpu.vector_store %arg6[%swap3A_30], %swap3A_33 {strides = array<i32>} : memref<128xf32, #tpu.memory_space<vmem>>, vector<16xf32>,
    %broadcast_in_dim3A_34 = arith.constant 1.000000e+00 : f32
    %broadcast_in_dim3A_35 = vector.broadcast %broadcast_in_dim3A_34 : f32 to vector<16xf32>
    %swap3A_36 = arith.constant 96 : index
    %swap3A_37 = tpu.vector_load %arg6[%swap3A_36] {strides = array<i32>} : memref<128xf32, #tpu.memory_space<vmem>>, vector<16xf32>,
    %swap3A_38 = vector.shape_cast %swap3A_37 : vector<16xf32> to vector<16xf32>
    %swap3A_39 = vector.shape_cast %broadcast_in_dim3A_35 : vector<16xf32> to vector<16xf32>
    tpu.vector_store %arg6[%swap3A_36], %swap3A_39 {strides = array<i32>} : memref<128xf32, #tpu.memory_space<vmem>>, vector<16xf32>,
    %broadcast_in_dim3A_40 = arith.constant 1.000000e+00 : f32
    %broadcast_in_dim3A_41 = vector.broadcast %broadcast_in_dim3A_40 : f32 to vector<16xf32>
    %swap3A_42 = arith.constant 112 : index
    %swap3A_43 = tpu.vector_load %arg6[%swap3A_42] {strides = array<i32>} : memref<128xf32, #tpu.memory_space<vmem>>, vector<16xf32>,
    %swap3A_44 = vector.shape_cast %swap3A_43 : vector<16xf32> to vector<16xf32>
    %swap3A_45 = vector.shape_cast %broadcast_in_dim3A_41 : vector<16xf32> to vector<16xf32>
    tpu.vector_store %arg6[%swap3A_42], %swap3A_45 {strides = array<i32>} : memref<128xf32, #tpu.memory_space<vmem>>, vector<16xf32>,
    %broadcast_in_dim3A_46 = arith.constant 0.000000e+00 : f32
    %broadcast_in_dim3A_47 = vector.broadcast %broadcast_in_dim3A_46 : f32 to vector<16xf32>
    %swap3A_48 = arith.constant 0 : index
    %swap3A_49 = tpu.vector_load %arg7[%swap3A_48] {strides = array<i32>} : memref<632xf32, #tpu.memory_space<vmem>>, vector<16xf32>,
    %swap3A_50 = vector.shape_cast %swap3A_49 : vector<16xf32> to vector<16xf32>
    %swap3A_51 = vector.shape_cast %broadcast_in_dim3A_47 : vector<16xf32> to vector<16xf32>
    tpu.vector_store %arg7[%swap3A_48], %swap3A_51 {strides = array<i32>} : memref<632xf32, #tpu.memory_space<vmem>>, vector<16xf32>,
    %broadcast_in_dim3A_52 = arith.constant 0.000000e+00 : f32
    %broadcast_in_dim3A_53 = vector.broadcast %broadcast_in_dim3A_52 : f32 to vector<16xf32>
    %swap3A_54 = arith.constant 16 : index
    %swap3A_55 = tpu.vector_load %arg7[%swap3A_54] {strides = array<i32>} : memref<632xf32, #tpu.memory_space<vmem>>, vector<16xf32>,
    %swap3A_56 = vector.shape_cast %swap3A_55 : vector<16xf32> to vector<16xf32>
    %swap3A_57 = vector.shape_cast %broadcast_in_dim3A_53 : vector<16xf32> to vector<16xf32>
    tpu.vector_store %arg7[%swap3A_54], %swap3A_57 {strides = array<i32>} : memref<632xf32, #tpu.memory_space<vmem>>, vector<16xf32>,
    %broadcast_in_dim3A_58 = arith.constant 0.000000e+00 : f32
    %broadcast_in_dim3A_59 = vector.broadcast %broadcast_in_dim3A_58 : f32 to vector<16xf32>
    %swap3A_60 = arith.constant 32 : index
    %swap3A_61 = tpu.vector_load %arg7[%swap3A_60] {strides = array<i32>} : memref<632xf32, #tpu.memory_space<vmem>>, vector<16xf32>,
    %swap3A_62 = vector.shape_cast %swap3A_61 : vector<16xf32> to vector<16xf32>
    %swap3A_63 = vector.shape_cast %broadcast_in_dim3A_59 : vector<16xf32> to vector<16xf32>
    tpu.vector_store %arg7[%swap3A_60], %swap3A_63 {strides = array<i32>} : memref<632xf32, #tpu.memory_space<vmem>>, vector<16xf32>,
    %broadcast_in_dim3A_64 = arith.constant 0.000000e+00 : f32
    %broadcast_in_dim3A_65 = vector.broadcast %broadcast_in_dim3A_64 : f32 to vector<16xf32>
    %swap3A_66 = arith.constant 48 : index
    %swap3A_67 = tpu.vector_load %arg7[%swap3A_66] {strides = array<i32>} : memref<632xf32, #tpu.memory_space<vmem>>, vector<16xf32>,
    %swap3A_68 = vector.shape_cast %swap3A_67 : vector<16xf32> to vector<16xf32>
    %swap3A_69 = vector.shape_cast %broadcast_in_dim3A_65 : vector<16xf32> to vector<16xf32>
    tpu.vector_store %arg7[%swap3A_66], %swap3A_69 {strides = array<i32>} : memref<632xf32, #tpu.memory_space<vmem>>, vector<16xf32>,
    %broadcast_in_dim3A_70 = arith.constant 0.000000e+00 : f32
    %broadcast_in_dim3A_71 = vector.broadcast %broadcast_in_dim3A_70 : f32 to vector<16xf32>
    %swap3A_72 = arith.constant 64 : index
    %swap3A_73 = tpu.vector_load %arg7[%swap3A_72] {strides = array<i32>} : memref<632xf32, #tpu.memory_space<vmem>>, vector<16xf32>,
    %swap3A_74 = vector.shape_cast %swap3A_73 : vector<16xf32> to vector<16xf32>
    %swap3A_75 = vector.shape_cast %broadcast_in_dim3A_71 : vector<16xf32> to vector<16xf32>
    tpu.vector_store %arg7[%swap3A_72], %swap3A_75 {strides = array<i32>} : memref<632xf32, #tpu.memory_space<vmem>>, vector<16xf32>,
    %broadcast_in_dim3A_76 = arith.constant 0.000000e+00 : f32
    %broadcast_in_dim3A_77 = vector.broadcast %broadcast_in_dim3A_76 : f32 to vector<16xf32>
    %swap3A_78 = arith.constant 80 : index
    %swap3A_79 = tpu.vector_load %arg7[%swap3A_78] {strides = array<i32>} : memref<632xf32, #tpu.memory_space<vmem>>, vector<16xf32>,
    %swap3A_80 = vector.shape_cast %swap3A_79 : vector<16xf32> to vector<16xf32>
    %swap3A_81 = vector.shape_cast %broadcast_in_dim3A_77 : vector<16xf32> to vector<16xf32>
    tpu.vector_store %arg7[%swap3A_78], %swap3A_81 {strides = array<i32>} : memref<632xf32, #tpu.memory_space<vmem>>, vector<16xf32>,
    %broadcast_in_dim3A_82 = arith.constant 0.000000e+00 : f32
    %broadcast_in_dim3A_83 = vector.broadcast %broadcast_in_dim3A_82 : f32 to vector<16xf32>
    %swap3A_84 = arith.constant 96 : index
    %swap3A_85 = tpu.vector_load %arg7[%swap3A_84] {strides = array<i32>} : memref<632xf32, #tpu.memory_space<vmem>>, vector<16xf32>,
    %swap3A_86 = vector.shape_cast %swap3A_85 : vector<16xf32> to vector<16xf32>
    %swap3A_87 = vector.shape_cast %broadcast_in_dim3A_83 : vector<16xf32> to vector<16xf32>
    tpu.vector_store %arg7[%swap3A_84], %swap3A_87 {strides = array<i32>} : memref<632xf32, #tpu.memory_space<vmem>>, vector<16xf32>,
    %broadcast_in_dim3A_88 = arith.constant 0.000000e+00 : f32
    %broadcast_in_dim3A_89 = vector.broadcast %broadcast_in_dim3A_88 : f32 to vector<16xf32>
    %swap3A_90 = arith.constant 112 : index
    %swap3A_91 = tpu.vector_load %arg7[%swap3A_90] {strides = array<i32>} : memref<632xf32, #tpu.memory_space<vmem>>, vector<16xf32>,
    %swap3A_92 = vector.shape_cast %swap3A_91 : vector<16xf32> to vector<16xf32>
    %swap3A_93 = vector.shape_cast %broadcast_in_dim3A_89 : vector<16xf32> to vector<16xf32>
    tpu.vector_store %arg7[%swap3A_90], %swap3A_93 {strides = array<i32>} : memref<632xf32, #tpu.memory_space<vmem>>, vector<16xf32>,
    %broadcast_in_dim3A_94 = arith.constant 0.000000e+00 : f32
    %broadcast_in_dim3A_95 = vector.broadcast %broadcast_in_dim3A_94 : f32 to vector<16xf32>
    %swap3A_96 = arith.constant 128 : index
    %swap3A_97 = tpu.vector_load %arg7[%swap3A_96] {strides = array<i32>} : memref<632xf32, #tpu.memory_space<vmem>>, vector<16xf32>,
    %swap3A_98 = vector.shape_cast %swap3A_97 : vector<16xf32> to vector<16xf32>
    %swap3A_99 = vector.shape_cast %broadcast_in_dim3A_95 : vector<16xf32> to vector<16xf32>
    tpu.vector_store %arg7[%swap3A_96], %swap3A_99 {strides = array<i32>} : memref<632xf32, #tpu.memory_space<vmem>>, vector<16xf32>,
    %broadcast_in_dim3A_100 = arith.constant 0.000000e+00 : f32
    %broadcast_in_dim3A_101 = vector.broadcast %broadcast_in_dim3A_100 : f32 to vector<16xf32>
    %swap3A_102 = arith.constant 144 : index
    %swap3A_103 = tpu.vector_load %arg7[%swap3A_102] {strides = array<i32>} : memref<632xf32, #tpu.memory_space<vmem>>, vector<16xf32>,
    %swap3A_104 = vector.shape_cast %swap3A_103 : vector<16xf32> to vector<16xf32>
    %swap3A_105 = vector.shape_cast %broadcast_in_dim3A_101 : vector<16xf32> to vector<16xf32>
    tpu.vector_store %arg7[%swap3A_102], %swap3A_105 {strides = array<i32>} : memref<632xf32, #tpu.memory_space<vmem>>, vector<16xf32>,
    %broadcast_in_dim3A_106 = arith.constant 0.000000e+00 : f32
    %broadcast_in_dim3A_107 = vector.broadcast %broadcast_in_dim3A_106 : f32 to vector<16xf32>
    %swap3A_108 = arith.constant 160 : index
    %swap3A_109 = tpu.vector_load %arg7[%swap3A_108] {strides = array<i32>} : memref<632xf32, #tpu.memory_space<vmem>>, vector<16xf32>,
    %swap3A_110 = vector.shape_cast %swap3A_109 : vector<16xf32> to vector<16xf32>
    %swap3A_111 = vector.shape_cast %broadcast_in_dim3A_107 : vector<16xf32> to vector<16xf32>
    tpu.vector_store %arg7[%swap3A_108], %swap3A_111 {strides = array<i32>} : memref<632xf32, #tpu.memory_space<vmem>>, vector<16xf32>,
    %broadcast_in_dim3A_112 = arith.constant 0.000000e+00 : f32
    %broadcast_in_dim3A_113 = vector.broadcast %broadcast_in_dim3A_112 : f32 to vector<16xf32>
    %swap3A_114 = arith.constant 176 : index
    %swap3A_115 = tpu.vector_load %arg7[%swap3A_114] {strides = array<i32>} : memref<632xf32, #tpu.memory_space<vmem>>, vector<16xf32>,
    %swap3A_116 = vector.shape_cast %swap3A_115 : vector<16xf32> to vector<16xf32>
    %swap3A_117 = vector.shape_cast %broadcast_in_dim3A_113 : vector<16xf32> to vector<16xf32>
    tpu.vector_store %arg7[%swap3A_114], %swap3A_117 {strides = array<i32>} : memref<632xf32, #tpu.memory_space<vmem>>, vector<16xf32>,
    %broadcast_in_dim3A_118 = arith.constant 0.000000e+00 : f32
    %broadcast_in_dim3A_119 = vector.broadcast %broadcast_in_dim3A_118 : f32 to vector<16xf32>
    %swap3A_120 = arith.constant 192 : index
    %swap3A_121 = tpu.vector_load %arg7[%swap3A_120] {strides = array<i32>} : memref<632xf32, #tpu.memory_space<vmem>>, vector<16xf32>,
    %swap3A_122 = vector.shape_cast %swap3A_121 : vector<16xf32> to vector<16xf32>
    %swap3A_123 = vector.shape_cast %broadcast_in_dim3A_119 : vector<16xf32> to vector<16xf32>
    tpu.vector_store %arg7[%swap3A_120], %swap3A_123 {strides = array<i32>} : memref<632xf32, #tpu.memory_space<vmem>>, vector<16xf32>,
    %broadcast_in_dim3A_124 = arith.constant 0.000000e+00 : f32
    %broadcast_in_dim3A_125 = vector.broadcast %broadcast_in_dim3A_124 : f32 to vector<16xf32>
    %swap3A_126 = arith.constant 208 : index
    %swap3A_127 = tpu.vector_load %arg7[%swap3A_126] {strides = array<i32>} : memref<632xf32, #tpu.memory_space<vmem>>, vector<16xf32>,
    %swap3A_128 = vector.shape_cast %swap3A_127 : vector<16xf32> to vector<16xf32>
    %swap3A_129 = vector.shape_cast %broadcast_in_dim3A_125 : vector<16xf32> to vector<16xf32>
    tpu.vector_store %arg7[%swap3A_126], %swap3A_129 {strides = array<i32>} : memref<632xf32, #tpu.memory_space<vmem>>, vector<16xf32>,
    %broadcast_in_dim3A_130 = arith.constant 0.000000e+00 : f32
    %broadcast_in_dim3A_131 = vector.broadcast %broadcast_in_dim3A_130 : f32 to vector<16xf32>
    %swap3A_132 = arith.constant 224 : index
    %swap3A_133 = tpu.vector_load %arg7[%swap3A_132] {strides = array<i32>} : memref<632xf32, #tpu.memory_space<vmem>>, vector<16xf32>,
    %swap3A_134 = vector.shape_cast %swap3A_133 : vector<16xf32> to vector<16xf32>
    %swap3A_135 = vector.shape_cast %broadcast_in_dim3A_131 : vector<16xf32> to vector<16xf32>
    tpu.vector_store %arg7[%swap3A_132], %swap3A_135 {strides = array<i32>} : memref<632xf32, #tpu.memory_space<vmem>>, vector<16xf32>,
    %broadcast_in_dim3A_136 = arith.constant 0.000000e+00 : f32
    %broadcast_in_dim3A_137 = vector.broadcast %broadcast_in_dim3A_136 : f32 to vector<16xf32>
    %swap3A_138 = arith.constant 240 : index
    %swap3A_139 = tpu.vector_load %arg7[%swap3A_138] {strides = array<i32>} : memref<632xf32, #tpu.memory_space<vmem>>, vector<16xf32>,
    %swap3A_140 = vector.shape_cast %swap3A_139 : vector<16xf32> to vector<16xf32>
    %swap3A_141 = vector.shape_cast %broadcast_in_dim3A_137 : vector<16xf32> to vector<16xf32>
    tpu.vector_store %arg7[%swap3A_138], %swap3A_141 {strides = array<i32>} : memref<632xf32, #tpu.memory_space<vmem>>, vector<16xf32>,
    %broadcast_in_dim3A_142 = arith.constant 0.000000e+00 : f32
    %broadcast_in_dim3A_143 = vector.broadcast %broadcast_in_dim3A_142 : f32 to vector<16xf32>
    %swap3A_144 = arith.constant 256 : index
    %swap3A_145 = tpu.vector_load %arg7[%swap3A_144] {strides = array<i32>} : memref<632xf32, #tpu.memory_space<vmem>>, vector<16xf32>,
    %swap3A_146 = vector.shape_cast %swap3A_145 : vector<16xf32> to vector<16xf32>
    %swap3A_147 = vector.shape_cast %broadcast_in_dim3A_143 : vector<16xf32> to vector<16xf32>
    tpu.vector_store %arg7[%swap3A_144], %swap3A_147 {strides = array<i32>} : memref<632xf32, #tpu.memory_space<vmem>>, vector<16xf32>,
    %broadcast_in_dim3A_148 = arith.constant 0.000000e+00 : f32
    %broadcast_in_dim3A_149 = vector.broadcast %broadcast_in_dim3A_148 : f32 to vector<16xf32>
    %swap3A_150 = arith.constant 272 : index
    %swap3A_151 = tpu.vector_load %arg7[%swap3A_150] {strides = array<i32>} : memref<632xf32, #tpu.memory_space<vmem>>, vector<16xf32>,
    %swap3A_152 = vector.shape_cast %swap3A_151 : vector<16xf32> to vector<16xf32>
    %swap3A_153 = vector.shape_cast %broadcast_in_dim3A_149 : vector<16xf32> to vector<16xf32>
    tpu.vector_store %arg7[%swap3A_150], %swap3A_153 {strides = array<i32>} : memref<632xf32, #tpu.memory_space<vmem>>, vector<16xf32>,
    %broadcast_in_dim3A_154 = arith.constant 0.000000e+00 : f32
    %broadcast_in_dim3A_155 = vector.broadcast %broadcast_in_dim3A_154 : f32 to vector<16xf32>
    %swap3A_156 = arith.constant 288 : index
    %swap3A_157 = tpu.vector_load %arg7[%swap3A_156] {strides = array<i32>} : memref<632xf32, #tpu.memory_space<vmem>>, vector<16xf32>,
    %swap3A_158 = vector.shape_cast %swap3A_157 : vector<16xf32> to vector<16xf32>
    %swap3A_159 = vector.shape_cast %broadcast_in_dim3A_155 : vector<16xf32> to vector<16xf32>
    tpu.vector_store %arg7[%swap3A_156], %swap3A_159 {strides = array<i32>} : memref<632xf32, #tpu.memory_space<vmem>>, vector<16xf32>,
    %broadcast_in_dim3A_160 = arith.constant 0.000000e+00 : f32
    %broadcast_in_dim3A_161 = vector.broadcast %broadcast_in_dim3A_160 : f32 to vector<16xf32>
    %swap3A_162 = arith.constant 304 : index
    %swap3A_163 = tpu.vector_load %arg7[%swap3A_162] {strides = array<i32>} : memref<632xf32, #tpu.memory_space<vmem>>, vector<16xf32>,
    %swap3A_164 = vector.shape_cast %swap3A_163 : vector<16xf32> to vector<16xf32>
    %swap3A_165 = vector.shape_cast %broadcast_in_dim3A_161 : vector<16xf32> to vector<16xf32>
    tpu.vector_store %arg7[%swap3A_162], %swap3A_165 {strides = array<i32>} : memref<632xf32, #tpu.memory_space<vmem>>, vector<16xf32>,
    %broadcast_in_dim3A_166 = arith.constant 0.000000e+00 : f32
    %broadcast_in_dim3A_167 = vector.broadcast %broadcast_in_dim3A_166 : f32 to vector<16xf32>
    %swap3A_168 = arith.constant 320 : index
    %swap3A_169 = tpu.vector_load %arg7[%swap3A_168] {strides = array<i32>} : memref<632xf32, #tpu.memory_space<vmem>>, vector<16xf32>,
    %swap3A_170 = vector.shape_cast %swap3A_169 : vector<16xf32> to vector<16xf32>
    %swap3A_171 = vector.shape_cast %broadcast_in_dim3A_167 : vector<16xf32> to vector<16xf32>
    tpu.vector_store %arg7[%swap3A_168], %swap3A_171 {strides = array<i32>} : memref<632xf32, #tpu.memory_space<vmem>>, vector<16xf32>,
    %broadcast_in_dim3A_172 = arith.constant 0.000000e+00 : f32
    %broadcast_in_dim3A_173 = vector.broadcast %broadcast_in_dim3A_172 : f32 to vector<16xf32>
    %swap3A_174 = arith.constant 336 : index
    %swap3A_175 = tpu.vector_load %arg7[%swap3A_174] {strides = array<i32>} : memref<632xf32, #tpu.memory_space<vmem>>, vector<16xf32>,
    %swap3A_176 = vector.shape_cast %swap3A_175 : vector<16xf32> to vector<16xf32>
    %swap3A_177 = vector.shape_cast %broadcast_in_dim3A_173 : vector<16xf32> to vector<16xf32>
    tpu.vector_store %arg7[%swap3A_174], %swap3A_177 {strides = array<i32>} : memref<632xf32, #tpu.memory_space<vmem>>, vector<16xf32>,
    %broadcast_in_dim3A_178 = arith.constant 0.000000e+00 : f32
    %broadcast_in_dim3A_179 = vector.broadcast %broadcast_in_dim3A_178 : f32 to vector<16xf32>
    %swap3A_180 = arith.constant 352 : index
    %swap3A_181 = tpu.vector_load %arg7[%swap3A_180] {strides = array<i32>} : memref<632xf32, #tpu.memory_space<vmem>>, vector<16xf32>,
    %swap3A_182 = vector.shape_cast %swap3A_181 : vector<16xf32> to vector<16xf32>
    %swap3A_183 = vector.shape_cast %broadcast_in_dim3A_179 : vector<16xf32> to vector<16xf32>
    tpu.vector_store %arg7[%swap3A_180], %swap3A_183 {strides = array<i32>} : memref<632xf32, #tpu.memory_space<vmem>>, vector<16xf32>,
    %broadcast_in_dim3A_184 = arith.constant 0.000000e+00 : f32
    %broadcast_in_dim3A_185 = vector.broadcast %broadcast_in_dim3A_184 : f32 to vector<16xf32>
    %swap3A_186 = arith.constant 368 : index
    %swap3A_187 = tpu.vector_load %arg7[%swap3A_186] {strides = array<i32>} : memref<632xf32, #tpu.memory_space<vmem>>, vector<16xf32>,
    %swap3A_188 = vector.shape_cast %swap3A_187 : vector<16xf32> to vector<16xf32>
    %swap3A_189 = vector.shape_cast %broadcast_in_dim3A_185 : vector<16xf32> to vector<16xf32>
    tpu.vector_store %arg7[%swap3A_186], %swap3A_189 {strides = array<i32>} : memref<632xf32, #tpu.memory_space<vmem>>, vector<16xf32>,
    %broadcast_in_dim3A_190 = arith.constant 0.000000e+00 : f32
    %broadcast_in_dim3A_191 = vector.broadcast %broadcast_in_dim3A_190 : f32 to vector<16xf32>
    %swap3A_192 = arith.constant 384 : index
    %swap3A_193 = tpu.vector_load %arg7[%swap3A_192] {strides = array<i32>} : memref<632xf32, #tpu.memory_space<vmem>>, vector<16xf32>,
    %swap3A_194 = vector.shape_cast %swap3A_193 : vector<16xf32> to vector<16xf32>
    %swap3A_195 = vector.shape_cast %broadcast_in_dim3A_191 : vector<16xf32> to vector<16xf32>
    tpu.vector_store %arg7[%swap3A_192], %swap3A_195 {strides = array<i32>} : memref<632xf32, #tpu.memory_space<vmem>>, vector<16xf32>,
    %broadcast_in_dim3A_196 = arith.constant 0.000000e+00 : f32
    %broadcast_in_dim3A_197 = vector.broadcast %broadcast_in_dim3A_196 : f32 to vector<16xf32>
    %swap3A_198 = arith.constant 400 : index
    %swap3A_199 = tpu.vector_load %arg7[%swap3A_198] {strides = array<i32>} : memref<632xf32, #tpu.memory_space<vmem>>, vector<16xf32>,
    %swap3A_200 = vector.shape_cast %swap3A_199 : vector<16xf32> to vector<16xf32>
    %swap3A_201 = vector.shape_cast %broadcast_in_dim3A_197 : vector<16xf32> to vector<16xf32>
    tpu.vector_store %arg7[%swap3A_198], %swap3A_201 {strides = array<i32>} : memref<632xf32, #tpu.memory_space<vmem>>, vector<16xf32>,
    %broadcast_in_dim3A_202 = arith.constant 0.000000e+00 : f32
    %broadcast_in_dim3A_203 = vector.broadcast %broadcast_in_dim3A_202 : f32 to vector<16xf32>
    %swap3A_204 = arith.constant 416 : index
    %swap3A_205 = tpu.vector_load %arg7[%swap3A_204] {strides = array<i32>} : memref<632xf32, #tpu.memory_space<vmem>>, vector<16xf32>,
    %swap3A_206 = vector.shape_cast %swap3A_205 : vector<16xf32> to vector<16xf32>
    %swap3A_207 = vector.shape_cast %broadcast_in_dim3A_203 : vector<16xf32> to vector<16xf32>
    tpu.vector_store %arg7[%swap3A_204], %swap3A_207 {strides = array<i32>} : memref<632xf32, #tpu.memory_space<vmem>>, vector<16xf32>,
    %broadcast_in_dim3A_208 = arith.constant 0.000000e+00 : f32
    %broadcast_in_dim3A_209 = vector.broadcast %broadcast_in_dim3A_208 : f32 to vector<16xf32>
    %swap3A_210 = arith.constant 432 : index
    %swap3A_211 = tpu.vector_load %arg7[%swap3A_210] {strides = array<i32>} : memref<632xf32, #tpu.memory_space<vmem>>, vector<16xf32>,
    %swap3A_212 = vector.shape_cast %swap3A_211 : vector<16xf32> to vector<16xf32>
    %swap3A_213 = vector.shape_cast %broadcast_in_dim3A_209 : vector<16xf32> to vector<16xf32>
    tpu.vector_store %arg7[%swap3A_210], %swap3A_213 {strides = array<i32>} : memref<632xf32, #tpu.memory_space<vmem>>, vector<16xf32>,
    %broadcast_in_dim3A_214 = arith.constant 0.000000e+00 : f32
    %broadcast_in_dim3A_215 = vector.broadcast %broadcast_in_dim3A_214 : f32 to vector<16xf32>
    %swap3A_216 = arith.constant 448 : index
    %swap3A_217 = tpu.vector_load %arg7[%swap3A_216] {strides = array<i32>} : memref<632xf32, #tpu.memory_space<vmem>>, vector<16xf32>,
    %swap3A_218 = vector.shape_cast %swap3A_217 : vector<16xf32> to vector<16xf32>
    %swap3A_219 = vector.shape_cast %broadcast_in_dim3A_215 : vector<16xf32> to vector<16xf32>
    tpu.vector_store %arg7[%swap3A_216], %swap3A_219 {strides = array<i32>} : memref<632xf32, #tpu.memory_space<vmem>>, vector<16xf32>,
    %broadcast_in_dim3A_220 = arith.constant 0.000000e+00 : f32
    %broadcast_in_dim3A_221 = vector.broadcast %broadcast_in_dim3A_220 : f32 to vector<16xf32>
    %swap3A_222 = arith.constant 464 : index
    %swap3A_223 = tpu.vector_load %arg7[%swap3A_222] {strides = array<i32>} : memref<632xf32, #tpu.memory_space<vmem>>, vector<16xf32>,
    %swap3A_224 = vector.shape_cast %swap3A_223 : vector<16xf32> to vector<16xf32>
    %swap3A_225 = vector.shape_cast %broadcast_in_dim3A_221 : vector<16xf32> to vector<16xf32>
    tpu.vector_store %arg7[%swap3A_222], %swap3A_225 {strides = array<i32>} : memref<632xf32, #tpu.memory_space<vmem>>, vector<16xf32>,
    %broadcast_in_dim3A_226 = arith.constant 0.000000e+00 : f32
    %broadcast_in_dim3A_227 = vector.broadcast %broadcast_in_dim3A_226 : f32 to vector<16xf32>
    %swap3A_228 = arith.constant 480 : index
    %swap3A_229 = tpu.vector_load %arg7[%swap3A_228] {strides = array<i32>} : memref<632xf32, #tpu.memory_space<vmem>>, vector<16xf32>,
    %swap3A_230 = vector.shape_cast %swap3A_229 : vector<16xf32> to vector<16xf32>
    %swap3A_231 = vector.shape_cast %broadcast_in_dim3A_227 : vector<16xf32> to vector<16xf32>
    tpu.vector_store %arg7[%swap3A_228], %swap3A_231 {strides = array<i32>} : memref<632xf32, #tpu.memory_space<vmem>>, vector<16xf32>,
    %broadcast_in_dim3A_232 = arith.constant 0.000000e+00 : f32
    %broadcast_in_dim3A_233 = vector.broadcast %broadcast_in_dim3A_232 : f32 to vector<16xf32>
    %swap3A_234 = arith.constant 496 : index
    %swap3A_235 = tpu.vector_load %arg7[%swap3A_234] {strides = array<i32>} : memref<632xf32, #tpu.memory_space<vmem>>, vector<16xf32>,
    %swap3A_236 = vector.shape_cast %swap3A_235 : vector<16xf32> to vector<16xf32>
    %swap3A_237 = vector.shape_cast %broadcast_in_dim3A_233 : vector<16xf32> to vector<16xf32>
    tpu.vector_store %arg7[%swap3A_234], %swap3A_237 {strides = array<i32>} : memref<632xf32, #tpu.memory_space<vmem>>, vector<16xf32>,
    %broadcast_in_dim3A_238 = arith.constant 0.000000e+00 : f32
    %broadcast_in_dim3A_239 = vector.broadcast %broadcast_in_dim3A_238 : f32 to vector<16xf32>
    %swap3A_240 = arith.constant 512 : index
    %swap3A_241 = tpu.vector_load %arg7[%swap3A_240] {strides = array<i32>} : memref<632xf32, #tpu.memory_space<vmem>>, vector<16xf32>,
    %swap3A_242 = vector.shape_cast %swap3A_241 : vector<16xf32> to vector<16xf32>
    %swap3A_243 = vector.shape_cast %broadcast_in_dim3A_239 : vector<16xf32> to vector<16xf32>
    tpu.vector_store %arg7[%swap3A_240], %swap3A_243 {strides = array<i32>} : memref<632xf32, #tpu.memory_space<vmem>>, vector<16xf32>,
    %broadcast_in_dim3A_244 = arith.constant 0.000000e+00 : f32
    %broadcast_in_dim3A_245 = vector.broadcast %broadcast_in_dim3A_244 : f32 to vector<16xf32>
    %swap3A_246 = arith.constant 528 : index
    %swap3A_247 = tpu.vector_load %arg7[%swap3A_246] {strides = array<i32>} : memref<632xf32, #tpu.memory_space<vmem>>, vector<16xf32>,
    %swap3A_248 = vector.shape_cast %swap3A_247 : vector<16xf32> to vector<16xf32>
    %swap3A_249 = vector.shape_cast %broadcast_in_dim3A_245 : vector<16xf32> to vector<16xf32>
    tpu.vector_store %arg7[%swap3A_246], %swap3A_249 {strides = array<i32>} : memref<632xf32, #tpu.memory_space<vmem>>, vector<16xf32>,
    %broadcast_in_dim3A_250 = arith.constant 0.000000e+00 : f32
    %broadcast_in_dim3A_251 = vector.broadcast %broadcast_in_dim3A_250 : f32 to vector<16xf32>
    %swap3A_252 = arith.constant 544 : index
    %swap3A_253 = tpu.vector_load %arg7[%swap3A_252] {strides = array<i32>} : memref<632xf32, #tpu.memory_space<vmem>>, vector<16xf32>,
    %swap3A_254 = vector.shape_cast %swap3A_253 : vector<16xf32> to vector<16xf32>
    %swap3A_255 = vector.shape_cast %broadcast_in_dim3A_251 : vector<16xf32> to vector<16xf32>
    tpu.vector_store %arg7[%swap3A_252], %swap3A_255 {strides = array<i32>} : memref<632xf32, #tpu.memory_space<vmem>>, vector<16xf32>,
    %broadcast_in_dim3A_256 = arith.constant 0.000000e+00 : f32
    %broadcast_in_dim3A_257 = vector.broadcast %broadcast_in_dim3A_256 : f32 to vector<16xf32>
    %swap3A_258 = arith.constant 560 : index
    %swap3A_259 = tpu.vector_load %arg7[%swap3A_258] {strides = array<i32>} : memref<632xf32, #tpu.memory_space<vmem>>, vector<16xf32>,
    %swap3A_260 = vector.shape_cast %swap3A_259 : vector<16xf32> to vector<16xf32>
    %swap3A_261 = vector.shape_cast %broadcast_in_dim3A_257 : vector<16xf32> to vector<16xf32>
    tpu.vector_store %arg7[%swap3A_258], %swap3A_261 {strides = array<i32>} : memref<632xf32, #tpu.memory_space<vmem>>, vector<16xf32>,
    %broadcast_in_dim3A_262 = arith.constant 0.000000e+00 : f32
    %broadcast_in_dim3A_263 = vector.broadcast %broadcast_in_dim3A_262 : f32 to vector<16xf32>
    %swap3A_264 = arith.constant 576 : index
    %swap3A_265 = tpu.vector_load %arg7[%swap3A_264] {strides = array<i32>} : memref<632xf32, #tpu.memory_space<vmem>>, vector<16xf32>,
    %swap3A_266 = vector.shape_cast %swap3A_265 : vector<16xf32> to vector<16xf32>
    %swap3A_267 = vector.shape_cast %broadcast_in_dim3A_263 : vector<16xf32> to vector<16xf32>
    tpu.vector_store %arg7[%swap3A_264], %swap3A_267 {strides = array<i32>} : memref<632xf32, #tpu.memory_space<vmem>>, vector<16xf32>,
    %broadcast_in_dim3A_268 = arith.constant 0.000000e+00 : f32
    %broadcast_in_dim3A_269 = vector.broadcast %broadcast_in_dim3A_268 : f32 to vector<16xf32>
    %swap3A_270 = arith.constant 592 : index
    %swap3A_271 = tpu.vector_load %arg7[%swap3A_270] {strides = array<i32>} : memref<632xf32, #tpu.memory_space<vmem>>, vector<16xf32>,
    %swap3A_272 = vector.shape_cast %swap3A_271 : vector<16xf32> to vector<16xf32>
    %swap3A_273 = vector.shape_cast %broadcast_in_dim3A_269 : vector<16xf32> to vector<16xf32>
    tpu.vector_store %arg7[%swap3A_270], %swap3A_273 {strides = array<i32>} : memref<632xf32, #tpu.memory_space<vmem>>, vector<16xf32>,
    %broadcast_in_dim3A_274 = arith.constant 0.000000e+00 : f32
    %broadcast_in_dim3A_275 = vector.broadcast %broadcast_in_dim3A_274 : f32 to vector<16xf32>
    %swap3A_276 = arith.constant 608 : index
    %swap3A_277 = tpu.vector_load %arg7[%swap3A_276] {strides = array<i32>} : memref<632xf32, #tpu.memory_space<vmem>>, vector<16xf32>,
    %swap3A_278 = vector.shape_cast %swap3A_277 : vector<16xf32> to vector<16xf32>
    %swap3A_279 = vector.shape_cast %broadcast_in_dim3A_275 : vector<16xf32> to vector<16xf32>
    tpu.vector_store %arg7[%swap3A_276], %swap3A_279 {strides = array<i32>} : memref<632xf32, #tpu.memory_space<vmem>>, vector<16xf32>,
    %broadcast_in_dim3A_280 = arith.constant 0.000000e+00 : f32
    %broadcast_in_dim3A_281 = vector.broadcast %broadcast_in_dim3A_280 : f32 to vector<16xf32>
    %swap3A_282 = arith.constant 616 : index
    %swap3A_283 = tpu.vector_load %arg7[%swap3A_282] {strides = array<i32>} : memref<632xf32, #tpu.memory_space<vmem>>, vector<16xf32>,
    %swap3A_284 = vector.shape_cast %swap3A_283 : vector<16xf32> to vector<16xf32>
    %swap3A_285 = vector.shape_cast %broadcast_in_dim3A_281 : vector<16xf32> to vector<16xf32>
    tpu.vector_store %arg7[%swap3A_282], %swap3A_285 {strides = array<i32>} : memref<632xf32, #tpu.memory_space<vmem>>, vector<16xf32>,
    %mul3A = arith.constant 632 : i32
    %mul3A_286 = arith.muli %arg1, %mul3A : i32
    "tpu.region"() ({
      %run_scoped3A = tpu.sem_alloc : memref<!tpu.dma_semaphore, #tpu.memory_space<semaphore_mem>>
      %dma_start3A = tpu.memref_slice %arg9[%mul3A_286] : memref<10112xf32, #tpu.memory_space<vmem_shared>> -> memref<632xf32, #tpu.memory_space<vmem_shared>>
      %dma_start3A_304 = tpu.memref_slice %arg9[%mul3A_286] : memref<10112xf32, #tpu.memory_space<vmem_shared>> -> memref<632xf32, #tpu.memory_space<vmem_shared>>
      tpu.enqueue_dma source(%arg7 : memref<632xf32, #tpu.memory_space<vmem>>) target(%dma_start3A_304 : memref<632xf32, #tpu.memory_space<vmem_shared>>) target_semaphore(%run_scoped3A : memref<!tpu.dma_semaphore, #tpu.memory_space<semaphore_mem>>)
      %dma_wait3A = tpu.memref_slice %arg9[%mul3A_286] : memref<10112xf32, #tpu.memory_space<vmem_shared>> -> memref<632xf32, #tpu.memory_space<vmem_shared>>
      %dma_wait3A_305 = tpu.memref_slice %arg9[%mul3A_286] : memref<10112xf32, #tpu.memory_space<vmem_shared>> -> memref<632xf32, #tpu.memory_space<vmem_shared>>
      tpu.wait_dma2 semaphore(%run_scoped3A : memref<!tpu.dma_semaphore, #tpu.memory_space<semaphore_mem>>) src(%arg7 : memref<632xf32, #tpu.memory_space<vmem>>) dst(%dma_wait3A_305 : memref<632xf32, #tpu.memory_space<vmem_shared>>)
      tpu.yield
    }) : () -> ()
    %mul3A_287 = arith.constant 1280 : i32
    %mul3A_288 = arith.muli %arg0, %mul3A_287 : i32
    %mul3A_289 = arith.constant 80 : i32
    %mul3A_290 = arith.muli %arg1, %mul3A_289 : i32
    %add3A = arith.addi %mul3A_288, %mul3A_290 : i32
    "tpu.region"() ({
      %run_scoped3A = tpu.sem_alloc : memref<!tpu.dma_semaphore, #tpu.memory_space<semaphore_mem>>
      %dma_start3A = arith.constant 0 : i32
      %dma_start3A_304 = tpu.memref_slice %arg2[%add3A, %dma_start3A] : memref<2560x128xi32, #tpu.memory_space<hbm>> -> memref<80x128xi32, #tpu.memory_space<hbm>>
      %dma_start3A_305 = arith.constant 0 : i32
      %dma_start3A_306 = tpu.memref_slice %arg2[%add3A, %dma_start3A_305] : memref<2560x128xi32, #tpu.memory_space<hbm>> -> memref<80x128xi32, #tpu.memory_space<hbm>>
      tpu.enqueue_dma source(%dma_start3A_306 : memref<80x128xi32, #tpu.memory_space<hbm>>) target(%arg4 : memref<80x128xi32, #tpu.memory_space<vmem>>) target_semaphore(%run_scoped3A : memref<!tpu.dma_semaphore, #tpu.memory_space<semaphore_mem>>)
      %dma_wait3A = arith.constant 0 : i32
      %dma_wait3A_307 = tpu.memref_slice %arg2[%add3A, %dma_wait3A] : memref<2560x128xi32, #tpu.memory_space<hbm>> -> memref<80x128xi32, #tpu.memory_space<hbm>>
      %dma_wait3A_308 = arith.constant 0 : i32
      %dma_wait3A_309 = tpu.memref_slice %arg2[%add3A, %dma_wait3A_308] : memref<2560x128xi32, #tpu.memory_space<hbm>> -> memref<80x128xi32, #tpu.memory_space<hbm>>
      tpu.wait_dma2 semaphore(%run_scoped3A : memref<!tpu.dma_semaphore, #tpu.memory_space<semaphore_mem>>) src(%dma_wait3A_309 : memref<80x128xi32, #tpu.memory_space<hbm>>) dst(%arg4 : memref<80x128xi32, #tpu.memory_space<vmem>>)
      tpu.yield
    }) : () -> ()
    %barrier3A = arith.constant 0 : index
    tpu.barrier barrier_id(%barrier3A)
    %scan3A = arith.constant 0 : i32
    %scan3A_291 = arith.constant 0 : i32
    %scan3A_292 = arith.constant 80 : i32
    %scan3A_293 = arith.addi %scan3A_291, %scan3A_292 : i32
    %scan3A_294 = arith.constant 1 : i32
    scf.for %scan3A_304 = %scan3A_291 to %scan3A_293 step %scan3A_294  : i32 {
      %get3A = arith.index_cast %scan3A_304 : i32 to index
      %get3A_305 = arith.constant 0 : index
      %get3A_306 = tpu.vector_load %arg4[%get3A, %get3A_305] {strides = array<i32>} : memref<80x128xi32, #tpu.memory_space<vmem>>, vector<1x16xi32>,
      %get3A_307 = vector.shape_cast %get3A_306 : vector<1x16xi32> to vector<16xi32>
      %swap3A_308 = arith.constant 0 : index
      %swap3A_309 = tpu.vector_load %arg5[%swap3A_308] {strides = array<i32>} : memref<128xi32, #tpu.memory_space<vmem>>, vector<16xi32>,
      %swap3A_310 = vector.shape_cast %swap3A_309 : vector<16xi32> to vector<16xi32>
      %swap3A_311 = vector.shape_cast %get3A_307 : vector<16xi32> to vector<16xi32>
      tpu.vector_store %arg5[%swap3A_308], %swap3A_311 {strides = array<i32>} : memref<128xi32, #tpu.memory_space<vmem>>, vector<16xi32>,
      %get3A_312 = arith.index_cast %scan3A_304 : i32 to index
      %get3A_313 = arith.constant 16 : index
      %get3A_314 = tpu.vector_load %arg4[%get3A_312, %get3A_313] {strides = array<i32>} : memref<80x128xi32, #tpu.memory_space<vmem>>, vector<1x16xi32>,
      %get3A_315 = vector.shape_cast %get3A_314 : vector<1x16xi32> to vector<16xi32>
      %swap3A_316 = arith.constant 16 : index
      %swap3A_317 = tpu.vector_load %arg5[%swap3A_316] {strides = array<i32>} : memref<128xi32, #tpu.memory_space<vmem>>, vector<16xi32>,
      %swap3A_318 = vector.shape_cast %swap3A_317 : vector<16xi32> to vector<16xi32>
      %swap3A_319 = vector.shape_cast %get3A_315 : vector<16xi32> to vector<16xi32>
      tpu.vector_store %arg5[%swap3A_316], %swap3A_319 {strides = array<i32>} : memref<128xi32, #tpu.memory_space<vmem>>, vector<16xi32>,
      %get3A_320 = arith.index_cast %scan3A_304 : i32 to index
      %get3A_321 = arith.constant 32 : index
      %get3A_322 = tpu.vector_load %arg4[%get3A_320, %get3A_321] {strides = array<i32>} : memref<80x128xi32, #tpu.memory_space<vmem>>, vector<1x16xi32>,
      %get3A_323 = vector.shape_cast %get3A_322 : vector<1x16xi32> to vector<16xi32>
      %swap3A_324 = arith.constant 32 : index
      %swap3A_325 = tpu.vector_load %arg5[%swap3A_324] {strides = array<i32>} : memref<128xi32, #tpu.memory_space<vmem>>, vector<16xi32>,
      %swap3A_326 = vector.shape_cast %swap3A_325 : vector<16xi32> to vector<16xi32>
      %swap3A_327 = vector.shape_cast %get3A_323 : vector<16xi32> to vector<16xi32>
      tpu.vector_store %arg5[%swap3A_324], %swap3A_327 {strides = array<i32>} : memref<128xi32, #tpu.memory_space<vmem>>, vector<16xi32>,
      %get3A_328 = arith.index_cast %scan3A_304 : i32 to index
      %get3A_329 = arith.constant 48 : index
      %get3A_330 = tpu.vector_load %arg4[%get3A_328, %get3A_329] {strides = array<i32>} : memref<80x128xi32, #tpu.memory_space<vmem>>, vector<1x16xi32>,
      %get3A_331 = vector.shape_cast %get3A_330 : vector<1x16xi32> to vector<16xi32>
      %swap3A_332 = arith.constant 48 : index
      %swap3A_333 = tpu.vector_load %arg5[%swap3A_332] {strides = array<i32>} : memref<128xi32, #tpu.memory_space<vmem>>, vector<16xi32>,
      %swap3A_334 = vector.shape_cast %swap3A_333 : vector<16xi32> to vector<16xi32>
      %swap3A_335 = vector.shape_cast %get3A_331 : vector<16xi32> to vector<16xi32>
      tpu.vector_store %arg5[%swap3A_332], %swap3A_335 {strides = array<i32>} : memref<128xi32, #tpu.memory_space<vmem>>, vector<16xi32>,
      %get3A_336 = arith.index_cast %scan3A_304 : i32 to index
      %get3A_337 = arith.constant 64 : index
      %get3A_338 = tpu.vector_load %arg4[%get3A_336, %get3A_337] {strides = array<i32>} : memref<80x128xi32, #tpu.memory_space<vmem>>, vector<1x16xi32>,
      %get3A_339 = vector.shape_cast %get3A_338 : vector<1x16xi32> to vector<16xi32>
      %swap3A_340 = arith.constant 64 : index
      %swap3A_341 = tpu.vector_load %arg5[%swap3A_340] {strides = array<i32>} : memref<128xi32, #tpu.memory_space<vmem>>, vector<16xi32>,
      %swap3A_342 = vector.shape_cast %swap3A_341 : vector<16xi32> to vector<16xi32>
      %swap3A_343 = vector.shape_cast %get3A_339 : vector<16xi32> to vector<16xi32>
      tpu.vector_store %arg5[%swap3A_340], %swap3A_343 {strides = array<i32>} : memref<128xi32, #tpu.memory_space<vmem>>, vector<16xi32>,
      %get3A_344 = arith.index_cast %scan3A_304 : i32 to index
      %get3A_345 = arith.constant 80 : index
      %get3A_346 = tpu.vector_load %arg4[%get3A_344, %get3A_345] {strides = array<i32>} : memref<80x128xi32, #tpu.memory_space<vmem>>, vector<1x16xi32>,
      %get3A_347 = vector.shape_cast %get3A_346 : vector<1x16xi32> to vector<16xi32>
      %swap3A_348 = arith.constant 80 : index
      %swap3A_349 = tpu.vector_load %arg5[%swap3A_348] {strides = array<i32>} : memref<128xi32, #tpu.memory_space<vmem>>, vector<16xi32>,
      %swap3A_350 = vector.shape_cast %swap3A_349 : vector<16xi32> to vector<16xi32>
      %swap3A_351 = vector.shape_cast %get3A_347 : vector<16xi32> to vector<16xi32>
      tpu.vector_store %arg5[%swap3A_348], %swap3A_351 {strides = array<i32>} : memref<128xi32, #tpu.memory_space<vmem>>, vector<16xi32>,
      %get3A_352 = arith.index_cast %scan3A_304 : i32 to index
      %get3A_353 = arith.constant 96 : index
      %get3A_354 = tpu.vector_load %arg4[%get3A_352, %get3A_353] {strides = array<i32>} : memref<80x128xi32, #tpu.memory_space<vmem>>, vector<1x16xi32>,
      %get3A_355 = vector.shape_cast %get3A_354 : vector<1x16xi32> to vector<16xi32>
      %swap3A_356 = arith.constant 96 : index
      %swap3A_357 = tpu.vector_load %arg5[%swap3A_356] {strides = array<i32>} : memref<128xi32, #tpu.memory_space<vmem>>, vector<16xi32>,
      %swap3A_358 = vector.shape_cast %swap3A_357 : vector<16xi32> to vector<16xi32>
      %swap3A_359 = vector.shape_cast %get3A_355 : vector<16xi32> to vector<16xi32>
      tpu.vector_store %arg5[%swap3A_356], %swap3A_359 {strides = array<i32>} : memref<128xi32, #tpu.memory_space<vmem>>, vector<16xi32>,
      %get3A_360 = arith.index_cast %scan3A_304 : i32 to index
      %get3A_361 = arith.constant 112 : index
      %get3A_362 = tpu.vector_load %arg4[%get3A_360, %get3A_361] {strides = array<i32>} : memref<80x128xi32, #tpu.memory_space<vmem>>, vector<1x16xi32>,
      %get3A_363 = vector.shape_cast %get3A_362 : vector<1x16xi32> to vector<16xi32>
      %swap3A_364 = arith.constant 112 : index
      %swap3A_365 = tpu.vector_load %arg5[%swap3A_364] {strides = array<i32>} : memref<128xi32, #tpu.memory_space<vmem>>, vector<16xi32>,
      %swap3A_366 = vector.shape_cast %swap3A_365 : vector<16xi32> to vector<16xi32>
      %swap3A_367 = vector.shape_cast %get3A_363 : vector<16xi32> to vector<16xi32>
      tpu.vector_store %arg5[%swap3A_364], %swap3A_367 {strides = array<i32>} : memref<128xi32, #tpu.memory_space<vmem>>, vector<16xi32>,
      "tpu.region"() ({
        %run_scoped3A = tpu.sem_alloc : memref<!tpu.dma_semaphore, #tpu.memory_space<semaphore_mem>>
        %dma_start3A = arith.constant 0 : i32
        %dma_start3A_368 = tpu.memref_slice %arg9[%dma_start3A] : memref<10112xf32, #tpu.memory_space<vmem_shared>> -> memref<10112xf32, #tpu.memory_space<vmem_shared>>
        tpu.enqueue_indirect_dma source(%arg6 : memref<128xf32, #tpu.memory_space<vmem>>) target(%dma_start3A_368 : memref<10112xf32, #tpu.memory_space<vmem_shared>>) offsets(%arg5 : memref<128xi32, #tpu.memory_space<vmem>>) semaphore(%run_scoped3A : memref<!tpu.dma_semaphore, #tpu.memory_space<semaphore_mem>>) {add = true}
        %dma_wait3A = arith.constant 0 : i32
        %dma_wait3A_369 = tpu.memref_slice %arg9[%dma_wait3A] : memref<10112xf32, #tpu.memory_space<vmem_shared>> -> memref<10112xf32, #tpu.memory_space<vmem_shared>>
        tpu.wait_indirect_dma semaphore(%run_scoped3A : memref<!tpu.dma_semaphore, #tpu.memory_space<semaphore_mem>>) src(%arg6 : memref<128xf32, #tpu.memory_space<vmem>>) dst(%dma_wait3A_369 : memref<10112xf32, #tpu.memory_space<vmem_shared>>)
        tpu.yield
      }) : () -> ()
    }
    %scan3A_295 = arith.constant 80 : i32
    %barrier3A_296 = arith.constant 0 : index
    tpu.barrier barrier_id(%barrier3A_296)
    %mul3A_297 = arith.constant 624 : i32
    %mul3A_298 = arith.muli %arg1, %mul3A_297 : i32
    "tpu.region"() ({
      %run_scoped3A = tpu.sem_alloc : memref<!tpu.dma_semaphore, #tpu.memory_space<semaphore_mem>>
      %dma_start3A = tpu.memref_slice %arg9[%mul3A_298] : memref<10112xf32, #tpu.memory_space<vmem_shared>> -> memref<624xf32, #tpu.memory_space<vmem_shared>>
      %dma_start3A_304 = tpu.memref_slice %arg9[%mul3A_298] : memref<10112xf32, #tpu.memory_space<vmem_shared>> -> memref<624xf32, #tpu.memory_space<vmem_shared>>
      tpu.enqueue_dma source(%dma_start3A_304 : memref<624xf32, #tpu.memory_space<vmem_shared>>) target(%arg8 : memref<624xf32, #tpu.memory_space<vmem>>) target_semaphore(%run_scoped3A : memref<!tpu.dma_semaphore, #tpu.memory_space<semaphore_mem>>)
      %dma_wait3A = tpu.memref_slice %arg9[%mul3A_298] : memref<10112xf32, #tpu.memory_space<vmem_shared>> -> memref<624xf32, #tpu.memory_space<vmem_shared>>
      %dma_wait3A_305 = tpu.memref_slice %arg9[%mul3A_298] : memref<10112xf32, #tpu.memory_space<vmem_shared>> -> memref<624xf32, #tpu.memory_space<vmem_shared>>
      tpu.wait_dma2 semaphore(%run_scoped3A : memref<!tpu.dma_semaphore, #tpu.memory_space<semaphore_mem>>) src(%dma_wait3A_305 : memref<624xf32, #tpu.memory_space<vmem_shared>>) dst(%arg8 : memref<624xf32, #tpu.memory_space<vmem>>)
      tpu.yield
    }) : () -> ()
    %mul3A_299 = arith.constant 10000 : i32
    %mul3A_300 = arith.muli %arg0, %mul3A_299 : i32
    %add3A_301 = arith.addi %mul3A_300, %mul3A_298 : i32
    "tpu.region"() ({
      %run_scoped3A = tpu.sem_alloc : memref<!tpu.dma_semaphore, #tpu.memory_space<semaphore_mem>>
      %dma_start3A = tpu.memref_slice %arg3[%add3A_301] : memref<20000xf32, #tpu.memory_space<hbm>> -> memref<624xf32, #tpu.memory_space<hbm>>
      %dma_start3A_304 = tpu.memref_slice %arg3[%add3A_301] : memref<20000xf32, #tpu.memory_space<hbm>> -> memref<624xf32, #tpu.memory_space<hbm>>
      tpu.enqueue_dma source(%arg8 : memref<624xf32, #tpu.memory_space<vmem>>) target(%dma_start3A_304 : memref<624xf32, #tpu.memory_space<hbm>>) target_semaphore(%run_scoped3A : memref<!tpu.dma_semaphore, #tpu.memory_space<semaphore_mem>>)
      %dma_wait3A = tpu.memref_slice %arg3[%add3A_301] : memref<20000xf32, #tpu.memory_space<hbm>> -> memref<624xf32, #tpu.memory_space<hbm>>
      %dma_wait3A_305 = tpu.memref_slice %arg3[%add3A_301] : memref<20000xf32, #tpu.memory_space<hbm>> -> memref<624xf32, #tpu.memory_space<hbm>>
      tpu.wait_dma2 semaphore(%run_scoped3A : memref<!tpu.dma_semaphore, #tpu.memory_space<semaphore_mem>>) src(%arg8 : memref<624xf32, #tpu.memory_space<vmem>>) dst(%dma_wait3A_305 : memref<624xf32, #tpu.memory_space<hbm>>)
      tpu.yield
    }) : () -> ()
    %eq3A = arith.constant 15 : i32
    %eq3A_302 = arith.cmpi eq, %arg1, %eq3A : i32
    %convert_element_type3A = arith.extui %eq3A_302 : i1 to i32
    %cond3A = arith.constant 0 : i32
    %cond3A_303 = arith.cmpi ne, %convert_element_type3A, %cond3A : i32
    scf.if %cond3A_303 {
      "tpu.region"() ({
        %run_scoped3A = tpu.sem_alloc : memref<!tpu.dma_semaphore, #tpu.memory_space<semaphore_mem>>
        %dma_start3A = arith.constant 0 : i32
        %dma_start3A_308 = tpu.memref_slice %arg8[%dma_start3A] : memref<624xf32, #tpu.memory_space<vmem>> -> memref<16xf32, #tpu.memory_space<vmem>>
        %dma_start3A_309 = arith.constant 9984 : i32
        %dma_start3A_310 = tpu.memref_slice %arg9[%dma_start3A_309] : memref<10112xf32, #tpu.memory_space<vmem_shared>> -> memref<16xf32, #tpu.memory_space<vmem_shared>>
        %dma_start3A_311 = arith.constant 0 : i32
        %dma_start3A_312 = tpu.memref_slice %arg8[%dma_start3A_311] : memref<624xf32, #tpu.memory_space<vmem>> -> memref<16xf32, #tpu.memory_space<vmem>>
        %dma_start3A_313 = arith.constant 9984 : i32
        %dma_start3A_314 = tpu.memref_slice %arg9[%dma_start3A_313] : memref<10112xf32, #tpu.memory_space<vmem_shared>> -> memref<16xf32, #tpu.memory_space<vmem_shared>>
        tpu.enqueue_dma source(%dma_start3A_314 : memref<16xf32, #tpu.memory_space<vmem_shared>>) target(%dma_start3A_312 : memref<16xf32, #tpu.memory_space<vmem>>) target_semaphore(%run_scoped3A : memref<!tpu.dma_semaphore, #tpu.memory_space<semaphore_mem>>)
        %dma_wait3A = arith.constant 0 : i32
        %dma_wait3A_315 = tpu.memref_slice %arg8[%dma_wait3A] : memref<624xf32, #tpu.memory_space<vmem>> -> memref<16xf32, #tpu.memory_space<vmem>>
        %dma_wait3A_316 = arith.constant 9984 : i32
        %dma_wait3A_317 = tpu.memref_slice %arg9[%dma_wait3A_316] : memref<10112xf32, #tpu.memory_space<vmem_shared>> -> memref<16xf32, #tpu.memory_space<vmem_shared>>
        %dma_wait3A_318 = arith.constant 0 : i32
        %dma_wait3A_319 = tpu.memref_slice %arg8[%dma_wait3A_318] : memref<624xf32, #tpu.memory_space<vmem>> -> memref<16xf32, #tpu.memory_space<vmem>>
        %dma_wait3A_320 = arith.constant 9984 : i32
        %dma_wait3A_321 = tpu.memref_slice %arg9[%dma_wait3A_320] : memref<10112xf32, #tpu.memory_space<vmem_shared>> -> memref<16xf32, #tpu.memory_space<vmem_shared>>
        tpu.wait_dma2 semaphore(%run_scoped3A : memref<!tpu.dma_semaphore, #tpu.memory_space<semaphore_mem>>) src(%dma_wait3A_321 : memref<16xf32, #tpu.memory_space<vmem_shared>>) dst(%dma_wait3A_319 : memref<16xf32, #tpu.memory_space<vmem>>)
        tpu.yield
      }) : () -> ()
      %mul3A_304 = arith.constant 10000 : i32
      %mul3A_305 = arith.muli %arg0, %mul3A_304 : i32
      %add3A_306 = arith.constant 9984 : i32
      %add3A_307 = arith.addi %mul3A_305, %add3A_306 : i32
      "tpu.region"() ({
        %run_scoped3A = tpu.sem_alloc : memref<!tpu.dma_semaphore, #tpu.memory_space<semaphore_mem>>
        %dma_start3A = arith.constant 0 : i32
        %dma_start3A_308 = tpu.memref_slice %arg8[%dma_start3A] : memref<624xf32, #tpu.memory_space<vmem>> -> memref<16xf32, #tpu.memory_space<vmem>>
        %dma_start3A_309 = tpu.memref_slice %arg3[%add3A_307] : memref<20000xf32, #tpu.memory_space<hbm>> -> memref<16xf32, #tpu.memory_space<hbm>>
        %dma_start3A_310 = tpu.memref_slice %arg3[%add3A_307] : memref<20000xf32, #tpu.memory_space<hbm>> -> memref<16xf32, #tpu.memory_space<hbm>>
        %dma_start3A_311 = arith.constant 0 : i32
        %dma_start3A_312 = tpu.memref_slice %arg8[%dma_start3A_311] : memref<624xf32, #tpu.memory_space<vmem>> -> memref<16xf32, #tpu.memory_space<vmem>>
        tpu.enqueue_dma source(%dma_start3A_312 : memref<16xf32, #tpu.memory_space<vmem>>) target(%dma_start3A_310 : memref<16xf32, #tpu.memory_space<hbm>>) target_semaphore(%run_scoped3A : memref<!tpu.dma_semaphore, #tpu.memory_space<semaphore_mem>>)
        %dma_wait3A = arith.constant 0 : i32
        %dma_wait3A_313 = tpu.memref_slice %arg8[%dma_wait3A] : memref<624xf32, #tpu.memory_space<vmem>> -> memref<16xf32, #tpu.memory_space<vmem>>
        %dma_wait3A_314 = tpu.memref_slice %arg3[%add3A_307] : memref<20000xf32, #tpu.memory_space<hbm>> -> memref<16xf32, #tpu.memory_space<hbm>>
        %dma_wait3A_315 = tpu.memref_slice %arg3[%add3A_307] : memref<20000xf32, #tpu.memory_space<hbm>> -> memref<16xf32, #tpu.memory_space<hbm>>
        %dma_wait3A_316 = arith.constant 0 : i32
        %dma_wait3A_317 = tpu.memref_slice %arg8[%dma_wait3A_316] : memref<624xf32, #tpu.memory_space<vmem>> -> memref<16xf32, #tpu.memory_space<vmem>>
        tpu.wait_dma2 semaphore(%run_scoped3A : memref<!tpu.dma_semaphore, #tpu.memory_space<semaphore_mem>>) src(%dma_wait3A_317 : memref<16xf32, #tpu.memory_space<vmem>>) dst(%dma_wait3A_315 : memref<16xf32, #tpu.memory_space<hbm>>)
        tpu.yield
      }) : () -> ()
    } else {
    }
    return
  }
}

#map = affine_map<(d0, d1) -> (0, 0)>
#map1 = affine_map<(d0, d1) -> (0, 0, 0)>
module attributes {stable_mosaic.version = 14 : i64} {
  func.func @_seg_pass(%arg0: i32, %arg1: i32, %arg2: memref<2560x128xi32, #tpu.memory_space<hbm>>, %arg3: memref<2560x128xi32, #tpu.memory_space<hbm>>, %arg4: memref<10000x128xf32, #tpu.memory_space<hbm>>, %arg5: memref<10112x128xf32, #tpu.memory_space<hbm>>, %arg6: memref<2x10000x128xf32, #tpu.memory_space<hbm>>, %arg7: memref<40x128xi32, #tpu.memory_space<vmem>>, %arg8: memref<40x128xi32, #tpu.memory_space<vmem>>, %arg9: memref<128x128xf32, #tpu.memory_space<vmem>>, %arg10: memref<128x128xf32, #tpu.memory_space<vmem>>, %arg11: memref<10112x128xf32, #tpu.memory_space<vmem_shared>>, %arg12: memref<!tpu.dma_semaphore, #tpu.memory_space<semaphore_mem>>, %arg13: memref<!tpu.dma_semaphore, #tpu.memory_space<semaphore_mem>>) attributes {dimension_semantics = [#tpu.dimension_semantics<core_parallel>, #tpu.dimension_semantics<subcore_parallel>], iteration_bounds = array<i64: 2, 16>, scalar_prefetch = 0 : i64, scratch_operands = 7 : i64, tpu.core_type = #tpu.core_type<sc_vector_subcore>, window_params = [{transform_indices = #map}, {transform_indices = #map}, {transform_indices = #map}, {transform_indices = #map}, {transform_indices = #map1}]} {
    %mul3A = arith.constant 632 : i32
    %mul3A_0 = arith.muli %arg1, %mul3A : i32
    "tpu.region"() ({
      %run_scoped3A = tpu.sem_alloc : memref<!tpu.dma_semaphore, #tpu.memory_space<semaphore_mem>>
      %dma_start3A_42 = arith.constant 0 : i32
      %dma_start3A_43 = tpu.memref_slice %arg11[%mul3A_0, %dma_start3A_42] : memref<10112x128xf32, #tpu.memory_space<vmem_shared>> -> memref<632x128xf32, #tpu.memory_space<vmem_shared>>
      %dma_start3A_44 = arith.constant 0 : i32
      %dma_start3A_45 = tpu.memref_slice %arg5[%mul3A_0, %dma_start3A_44] : memref<10112x128xf32, #tpu.memory_space<hbm>> -> memref<632x128xf32, #tpu.memory_space<hbm>>
      tpu.enqueue_dma source(%dma_start3A_45 : memref<632x128xf32, #tpu.memory_space<hbm>>) target(%dma_start3A_43 : memref<632x128xf32, #tpu.memory_space<vmem_shared>>) target_semaphore(%run_scoped3A : memref<!tpu.dma_semaphore, #tpu.memory_space<semaphore_mem>>)
      %dma_wait3A = arith.constant 0 : i32
      %dma_wait3A_46 = tpu.memref_slice %arg11[%mul3A_0, %dma_wait3A] : memref<10112x128xf32, #tpu.memory_space<vmem_shared>> -> memref<632x128xf32, #tpu.memory_space<vmem_shared>>
      %dma_wait3A_47 = arith.constant 0 : i32
      %dma_wait3A_48 = tpu.memref_slice %arg5[%mul3A_0, %dma_wait3A_47] : memref<10112x128xf32, #tpu.memory_space<hbm>> -> memref<632x128xf32, #tpu.memory_space<hbm>>
      tpu.wait_dma2 semaphore(%run_scoped3A : memref<!tpu.dma_semaphore, #tpu.memory_space<semaphore_mem>>) src(%dma_wait3A_48 : memref<632x128xf32, #tpu.memory_space<hbm>>) dst(%dma_wait3A_46 : memref<632x128xf32, #tpu.memory_space<vmem_shared>>)
      tpu.yield
    }) : () -> ()
    %mul3A_1 = arith.constant 1280 : i32
    %mul3A_2 = arith.muli %arg0, %mul3A_1 : i32
    %mul3A_3 = arith.constant 80 : i32
    %mul3A_4 = arith.muli %arg1, %mul3A_3 : i32
    %add3A = arith.addi %mul3A_2, %mul3A_4 : i32
    %barrier3A = arith.constant 0 : index
    tpu.barrier barrier_id(%barrier3A)
    %add3A_5 = arith.constant 0 : i32
    %add3A_6 = arith.addi %add3A, %add3A_5 : i32
    "tpu.region"() ({
      %run_scoped3A = tpu.sem_alloc : memref<!tpu.dma_semaphore, #tpu.memory_space<semaphore_mem>>
      %dma_start3A_42 = arith.constant 0 : i32
      %dma_start3A_43 = tpu.memref_slice %arg2[%add3A_6, %dma_start3A_42] : memref<2560x128xi32, #tpu.memory_space<hbm>> -> memref<40x128xi32, #tpu.memory_space<hbm>>
      %dma_start3A_44 = arith.constant 0 : i32
      %dma_start3A_45 = tpu.memref_slice %arg2[%add3A_6, %dma_start3A_44] : memref<2560x128xi32, #tpu.memory_space<hbm>> -> memref<40x128xi32, #tpu.memory_space<hbm>>
      tpu.enqueue_dma source(%dma_start3A_45 : memref<40x128xi32, #tpu.memory_space<hbm>>) target(%arg7 : memref<40x128xi32, #tpu.memory_space<vmem>>) target_semaphore(%run_scoped3A : memref<!tpu.dma_semaphore, #tpu.memory_space<semaphore_mem>>)
      %dma_wait3A = arith.constant 0 : i32
      %dma_wait3A_46 = tpu.memref_slice %arg2[%add3A_6, %dma_wait3A] : memref<2560x128xi32, #tpu.memory_space<hbm>> -> memref<40x128xi32, #tpu.memory_space<hbm>>
      %dma_wait3A_47 = arith.constant 0 : i32
      %dma_wait3A_48 = tpu.memref_slice %arg2[%add3A_6, %dma_wait3A_47] : memref<2560x128xi32, #tpu.memory_space<hbm>> -> memref<40x128xi32, #tpu.memory_space<hbm>>
      tpu.wait_dma2 semaphore(%run_scoped3A : memref<!tpu.dma_semaphore, #tpu.memory_space<semaphore_mem>>) src(%dma_wait3A_48 : memref<40x128xi32, #tpu.memory_space<hbm>>) dst(%arg7 : memref<40x128xi32, #tpu.memory_space<vmem>>)
      tpu.yield
    }) : () -> ()
    %add3A_7 = arith.constant 0 : i32
    %add3A_8 = arith.addi %add3A, %add3A_7 : i32
    "tpu.region"() ({
      %run_scoped3A = tpu.sem_alloc : memref<!tpu.dma_semaphore, #tpu.memory_space<semaphore_mem>>
      %dma_start3A_42 = arith.constant 0 : i32
      %dma_start3A_43 = tpu.memref_slice %arg3[%add3A_8, %dma_start3A_42] : memref<2560x128xi32, #tpu.memory_space<hbm>> -> memref<40x128xi32, #tpu.memory_space<hbm>>
      %dma_start3A_44 = arith.constant 0 : i32
      %dma_start3A_45 = tpu.memref_slice %arg3[%add3A_8, %dma_start3A_44] : memref<2560x128xi32, #tpu.memory_space<hbm>> -> memref<40x128xi32, #tpu.memory_space<hbm>>
      tpu.enqueue_dma source(%dma_start3A_45 : memref<40x128xi32, #tpu.memory_space<hbm>>) target(%arg8 : memref<40x128xi32, #tpu.memory_space<vmem>>) target_semaphore(%run_scoped3A : memref<!tpu.dma_semaphore, #tpu.memory_space<semaphore_mem>>)
      %dma_wait3A = arith.constant 0 : i32
      %dma_wait3A_46 = tpu.memref_slice %arg3[%add3A_8, %dma_wait3A] : memref<2560x128xi32, #tpu.memory_space<hbm>> -> memref<40x128xi32, #tpu.memory_space<hbm>>
      %dma_wait3A_47 = arith.constant 0 : i32
      %dma_wait3A_48 = tpu.memref_slice %arg3[%add3A_8, %dma_wait3A_47] : memref<2560x128xi32, #tpu.memory_space<hbm>> -> memref<40x128xi32, #tpu.memory_space<hbm>>
      tpu.wait_dma2 semaphore(%run_scoped3A : memref<!tpu.dma_semaphore, #tpu.memory_space<semaphore_mem>>) src(%dma_wait3A_48 : memref<40x128xi32, #tpu.memory_space<hbm>>) dst(%arg8 : memref<40x128xi32, #tpu.memory_space<vmem>>)
      tpu.yield
    }) : () -> ()
    %dma_start3A = arith.constant 0 : i32
    %dma_start3A_9 = arith.constant 0 : i32
    %dma_start3A_10 = tpu.memref_slice %arg7[%dma_start3A, %dma_start3A_9] : memref<40x128xi32, #tpu.memory_space<vmem>> -> memref<1x128xi32, #tpu.memory_space<vmem>>
    %dma_start3A_11 = tpu.memref_squeeze %dma_start3A_10 : memref<1x128xi32, #tpu.memory_space<vmem>> -> memref<128xi32, #tpu.memory_space<vmem>>
    %dma_start3A_12 = arith.constant 0 : i32
    %dma_start3A_13 = arith.constant 0 : i32
    %dma_start3A_14 = tpu.memref_slice %arg4[%dma_start3A_12, %dma_start3A_13] : memref<10000x128xf32, #tpu.memory_space<hbm>> -> memref<10000x128xf32, #tpu.memory_space<hbm>>
    tpu.enqueue_indirect_dma source(%dma_start3A_14 : memref<10000x128xf32, #tpu.memory_space<hbm>>) target(%arg9 : memref<128x128xf32, #tpu.memory_space<vmem>>) offsets(%dma_start3A_11 : memref<128xi32, #tpu.memory_space<vmem>>) semaphore(%arg12 : memref<!tpu.dma_semaphore, #tpu.memory_space<semaphore_mem>>)
    %scan3A = arith.constant 0 : i32
    %scan3A_15 = arith.constant 0 : i32
    %scan3A_16 = arith.constant 20 : i32
    %scan3A_17 = arith.addi %scan3A_15, %scan3A_16 : i32
    %scan3A_18 = arith.constant 1 : i32
    scf.for %scan3A_42 = %scan3A_15 to %scan3A_17 step %scan3A_18  : i32 {
      %mul3A_43 = arith.constant 2 : i32
      %mul3A_44 = arith.muli %mul3A_43, %scan3A_42 : i32
      %add3A_45 = arith.constant 1 : i32
      %add3A_46 = arith.addi %mul3A_44, %add3A_45 : i32
      %dma_start3A_47 = arith.constant 0 : i32
      %dma_start3A_48 = tpu.memref_slice %arg7[%add3A_46, %dma_start3A_47] : memref<40x128xi32, #tpu.memory_space<vmem>> -> memref<1x128xi32, #tpu.memory_space<vmem>>
      %dma_start3A_49 = tpu.memref_squeeze %dma_start3A_48 : memref<1x128xi32, #tpu.memory_space<vmem>> -> memref<128xi32, #tpu.memory_space<vmem>>
      %dma_start3A_50 = arith.constant 0 : i32
      %dma_start3A_51 = arith.constant 0 : i32
      %dma_start3A_52 = tpu.memref_slice %arg4[%dma_start3A_50, %dma_start3A_51] : memref<10000x128xf32, #tpu.memory_space<hbm>> -> memref<10000x128xf32, #tpu.memory_space<hbm>>
      tpu.enqueue_indirect_dma source(%dma_start3A_52 : memref<10000x128xf32, #tpu.memory_space<hbm>>) target(%arg10 : memref<128x128xf32, #tpu.memory_space<vmem>>) offsets(%dma_start3A_49 : memref<128xi32, #tpu.memory_space<vmem>>) semaphore(%arg13 : memref<!tpu.dma_semaphore, #tpu.memory_space<semaphore_mem>>)
      %dma_wait3A = arith.constant 0 : i32
      %dma_wait3A_53 = arith.constant 0 : i32
      %dma_wait3A_54 = tpu.memref_slice %arg4[%dma_wait3A, %dma_wait3A_53] : memref<10000x128xf32, #tpu.memory_space<hbm>> -> memref<128x128xf32, #tpu.memory_space<hbm>>
      %dma_wait3A_55 = arith.constant 0 : i32
      %dma_wait3A_56 = arith.constant 0 : i32
      %dma_wait3A_57 = tpu.memref_slice %arg4[%dma_wait3A_55, %dma_wait3A_56] : memref<10000x128xf32, #tpu.memory_space<hbm>> -> memref<128x128xf32, #tpu.memory_space<hbm>>
      tpu.wait_dma2 semaphore(%arg12 : memref<!tpu.dma_semaphore, #tpu.memory_space<semaphore_mem>>) src(%dma_wait3A_57 : memref<128x128xf32, #tpu.memory_space<hbm>>) dst(%arg9 : memref<128x128xf32, #tpu.memory_space<vmem>>)
      "tpu.region"() ({
        %run_scoped3A = tpu.sem_alloc : memref<!tpu.dma_semaphore, #tpu.memory_space<semaphore_mem>>
        %dma_start3A_72 = arith.constant 0 : i32
        %dma_start3A_73 = tpu.memref_slice %arg8[%mul3A_44, %dma_start3A_72] : memref<40x128xi32, #tpu.memory_space<vmem>> -> memref<1x128xi32, #tpu.memory_space<vmem>>
        %dma_start3A_74 = tpu.memref_squeeze %dma_start3A_73 : memref<1x128xi32, #tpu.memory_space<vmem>> -> memref<128xi32, #tpu.memory_space<vmem>>
        %dma_start3A_75 = arith.constant 0 : i32
        %dma_start3A_76 = arith.constant 0 : i32
        %dma_start3A_77 = tpu.memref_slice %arg11[%dma_start3A_75, %dma_start3A_76] : memref<10112x128xf32, #tpu.memory_space<vmem_shared>> -> memref<10112x128xf32, #tpu.memory_space<vmem_shared>>
        tpu.enqueue_indirect_dma source(%arg9 : memref<128x128xf32, #tpu.memory_space<vmem>>) target(%dma_start3A_77 : memref<10112x128xf32, #tpu.memory_space<vmem_shared>>) offsets(%dma_start3A_74 : memref<128xi32, #tpu.memory_space<vmem>>) semaphore(%run_scoped3A : memref<!tpu.dma_semaphore, #tpu.memory_space<semaphore_mem>>) {add = true}
        %dma_wait3A_78 = arith.constant 0 : i32
        %dma_wait3A_79 = tpu.memref_slice %arg8[%mul3A_44, %dma_wait3A_78] : memref<40x128xi32, #tpu.memory_space<vmem>> -> memref<1x128xi32, #tpu.memory_space<vmem>>
        %dma_wait3A_80 = tpu.memref_squeeze %dma_wait3A_79 : memref<1x128xi32, #tpu.memory_space<vmem>> -> memref<128xi32, #tpu.memory_space<vmem>>
        %dma_wait3A_81 = arith.constant 0 : i32
        %dma_wait3A_82 = arith.constant 0 : i32
        %dma_wait3A_83 = tpu.memref_slice %arg11[%dma_wait3A_81, %dma_wait3A_82] : memref<10112x128xf32, #tpu.memory_space<vmem_shared>> -> memref<10112x128xf32, #tpu.memory_space<vmem_shared>>
        tpu.wait_indirect_dma semaphore(%run_scoped3A : memref<!tpu.dma_semaphore, #tpu.memory_space<semaphore_mem>>) src(%arg9 : memref<128x128xf32, #tpu.memory_space<vmem>>) dst(%dma_wait3A_83 : memref<10112x128xf32, #tpu.memory_space<vmem_shared>>)
        tpu.yield
      }) : () -> ()
      %add3A_58 = arith.constant 2 : i32
      %add3A_59 = arith.addi %mul3A_44, %add3A_58 : i32
      %lt3A = arith.constant 40 : i32
      %lt3A_60 = arith.cmpi slt, %add3A_59, %lt3A : i32
      %convert_element_type3A_61 = arith.extui %lt3A_60 : i1 to i32
      %cond3A_62 = arith.constant 0 : i32
      %cond3A_63 = arith.cmpi ne, %convert_element_type3A_61, %cond3A_62 : i32
      scf.if %cond3A_63 {
        %add3A_72 = arith.constant 2 : i32
        %add3A_73 = arith.addi %mul3A_44, %add3A_72 : i32
        %dma_start3A_74 = arith.constant 0 : i32
        %dma_start3A_75 = tpu.memref_slice %arg7[%add3A_73, %dma_start3A_74] : memref<40x128xi32, #tpu.memory_space<vmem>> -> memref<1x128xi32, #tpu.memory_space<vmem>>
        %dma_start3A_76 = tpu.memref_squeeze %dma_start3A_75 : memref<1x128xi32, #tpu.memory_space<vmem>> -> memref<128xi32, #tpu.memory_space<vmem>>
        %dma_start3A_77 = arith.constant 0 : i32
        %dma_start3A_78 = arith.constant 0 : i32
        %dma_start3A_79 = tpu.memref_slice %arg4[%dma_start3A_77, %dma_start3A_78] : memref<10000x128xf32, #tpu.memory_space<hbm>> -> memref<10000x128xf32, #tpu.memory_space<hbm>>
        tpu.enqueue_indirect_dma source(%dma_start3A_79 : memref<10000x128xf32, #tpu.memory_space<hbm>>) target(%arg9 : memref<128x128xf32, #tpu.memory_space<vmem>>) offsets(%dma_start3A_76 : memref<128xi32, #tpu.memory_space<vmem>>) semaphore(%arg12 : memref<!tpu.dma_semaphore, #tpu.memory_space<semaphore_mem>>)
      } else {
      }
      %dma_wait3A_64 = arith.constant 0 : i32
      %dma_wait3A_65 = arith.constant 0 : i32
      %dma_wait3A_66 = tpu.memref_slice %arg4[%dma_wait3A_64, %dma_wait3A_65] : memref<10000x128xf32, #tpu.memory_space<hbm>> -> memref<128x128xf32, #tpu.memory_space<hbm>>
      %dma_wait3A_67 = arith.constant 0 : i32
      %dma_wait3A_68 = arith.constant 0 : i32
      %dma_wait3A_69 = tpu.memref_slice %arg4[%dma_wait3A_67, %dma_wait3A_68] : memref<10000x128xf32, #tpu.memory_space<hbm>> -> memref<128x128xf32, #tpu.memory_space<hbm>>
      tpu.wait_dma2 semaphore(%arg13 : memref<!tpu.dma_semaphore, #tpu.memory_space<semaphore_mem>>) src(%dma_wait3A_69 : memref<128x128xf32, #tpu.memory_space<hbm>>) dst(%arg10 : memref<128x128xf32, #tpu.memory_space<vmem>>)
      %add3A_70 = arith.constant 1 : i32
      %add3A_71 = arith.addi %mul3A_44, %add3A_70 : i32
      "tpu.region"() ({
        %run_scoped3A = tpu.sem_alloc : memref<!tpu.dma_semaphore, #tpu.memory_space<semaphore_mem>>
        %dma_start3A_72 = arith.constant 0 : i32
        %dma_start3A_73 = tpu.memref_slice %arg8[%add3A_71, %dma_start3A_72] : memref<40x128xi32, #tpu.memory_space<vmem>> -> memref<1x128xi32, #tpu.memory_space<vmem>>
        %dma_start3A_74 = tpu.memref_squeeze %dma_start3A_73 : memref<1x128xi32, #tpu.memory_space<vmem>> -> memref<128xi32, #tpu.memory_space<vmem>>
        %dma_start3A_75 = arith.constant 0 : i32
        %dma_start3A_76 = arith.constant 0 : i32
        %dma_start3A_77 = tpu.memref_slice %arg11[%dma_start3A_75, %dma_start3A_76] : memref<10112x128xf32, #tpu.memory_space<vmem_shared>> -> memref<10112x128xf32, #tpu.memory_space<vmem_shared>>
        tpu.enqueue_indirect_dma source(%arg10 : memref<128x128xf32, #tpu.memory_space<vmem>>) target(%dma_start3A_77 : memref<10112x128xf32, #tpu.memory_space<vmem_shared>>) offsets(%dma_start3A_74 : memref<128xi32, #tpu.memory_space<vmem>>) semaphore(%run_scoped3A : memref<!tpu.dma_semaphore, #tpu.memory_space<semaphore_mem>>) {add = true}
        %dma_wait3A_78 = arith.constant 0 : i32
        %dma_wait3A_79 = tpu.memref_slice %arg8[%add3A_71, %dma_wait3A_78] : memref<40x128xi32, #tpu.memory_space<vmem>> -> memref<1x128xi32, #tpu.memory_space<vmem>>
        %dma_wait3A_80 = tpu.memref_squeeze %dma_wait3A_79 : memref<1x128xi32, #tpu.memory_space<vmem>> -> memref<128xi32, #tpu.memory_space<vmem>>
        %dma_wait3A_81 = arith.constant 0 : i32
        %dma_wait3A_82 = arith.constant 0 : i32
        %dma_wait3A_83 = tpu.memref_slice %arg11[%dma_wait3A_81, %dma_wait3A_82] : memref<10112x128xf32, #tpu.memory_space<vmem_shared>> -> memref<10112x128xf32, #tpu.memory_space<vmem_shared>>
        tpu.wait_indirect_dma semaphore(%run_scoped3A : memref<!tpu.dma_semaphore, #tpu.memory_space<semaphore_mem>>) src(%arg10 : memref<128x128xf32, #tpu.memory_space<vmem>>) dst(%dma_wait3A_83 : memref<10112x128xf32, #tpu.memory_space<vmem_shared>>)
        tpu.yield
      }) : () -> ()
    }
    %scan3A_19 = arith.constant 20 : i32
    %add3A_20 = arith.constant 40 : i32
    %add3A_21 = arith.addi %add3A, %add3A_20 : i32
    "tpu.region"() ({
      %run_scoped3A = tpu.sem_alloc : memref<!tpu.dma_semaphore, #tpu.memory_space<semaphore_mem>>
      %dma_start3A_42 = arith.constant 0 : i32
      %dma_start3A_43 = tpu.memref_slice %arg2[%add3A_21, %dma_start3A_42] : memref<2560x128xi32, #tpu.memory_space<hbm>> -> memref<40x128xi32, #tpu.memory_space<hbm>>
      %dma_start3A_44 = arith.constant 0 : i32
      %dma_start3A_45 = tpu.memref_slice %arg2[%add3A_21, %dma_start3A_44] : memref<2560x128xi32, #tpu.memory_space<hbm>> -> memref<40x128xi32, #tpu.memory_space<hbm>>
      tpu.enqueue_dma source(%dma_start3A_45 : memref<40x128xi32, #tpu.memory_space<hbm>>) target(%arg7 : memref<40x128xi32, #tpu.memory_space<vmem>>) target_semaphore(%run_scoped3A : memref<!tpu.dma_semaphore, #tpu.memory_space<semaphore_mem>>)
      %dma_wait3A = arith.constant 0 : i32
      %dma_wait3A_46 = tpu.memref_slice %arg2[%add3A_21, %dma_wait3A] : memref<2560x128xi32, #tpu.memory_space<hbm>> -> memref<40x128xi32, #tpu.memory_space<hbm>>
      %dma_wait3A_47 = arith.constant 0 : i32
      %dma_wait3A_48 = tpu.memref_slice %arg2[%add3A_21, %dma_wait3A_47] : memref<2560x128xi32, #tpu.memory_space<hbm>> -> memref<40x128xi32, #tpu.memory_space<hbm>>
      tpu.wait_dma2 semaphore(%run_scoped3A : memref<!tpu.dma_semaphore, #tpu.memory_space<semaphore_mem>>) src(%dma_wait3A_48 : memref<40x128xi32, #tpu.memory_space<hbm>>) dst(%arg7 : memref<40x128xi32, #tpu.memory_space<vmem>>)
      tpu.yield
    }) : () -> ()
    %add3A_22 = arith.constant 40 : i32
    %add3A_23 = arith.addi %add3A, %add3A_22 : i32
    "tpu.region"() ({
      %run_scoped3A = tpu.sem_alloc : memref<!tpu.dma_semaphore, #tpu.memory_space<semaphore_mem>>
      %dma_start3A_42 = arith.constant 0 : i32
      %dma_start3A_43 = tpu.memref_slice %arg3[%add3A_23, %dma_start3A_42] : memref<2560x128xi32, #tpu.memory_space<hbm>> -> memref<40x128xi32, #tpu.memory_space<hbm>>
      %dma_start3A_44 = arith.constant 0 : i32
      %dma_start3A_45 = tpu.memref_slice %arg3[%add3A_23, %dma_start3A_44] : memref<2560x128xi32, #tpu.memory_space<hbm>> -> memref<40x128xi32, #tpu.memory_space<hbm>>
      tpu.enqueue_dma source(%dma_start3A_45 : memref<40x128xi32, #tpu.memory_space<hbm>>) target(%arg8 : memref<40x128xi32, #tpu.memory_space<vmem>>) target_semaphore(%run_scoped3A : memref<!tpu.dma_semaphore, #tpu.memory_space<semaphore_mem>>)
      %dma_wait3A = arith.constant 0 : i32
      %dma_wait3A_46 = tpu.memref_slice %arg3[%add3A_23, %dma_wait3A] : memref<2560x128xi32, #tpu.memory_space<hbm>> -> memref<40x128xi32, #tpu.memory_space<hbm>>
      %dma_wait3A_47 = arith.constant 0 : i32
      %dma_wait3A_48 = tpu.memref_slice %arg3[%add3A_23, %dma_wait3A_47] : memref<2560x128xi32, #tpu.memory_space<hbm>> -> memref<40x128xi32, #tpu.memory_space<hbm>>
      tpu.wait_dma2 semaphore(%run_scoped3A : memref<!tpu.dma_semaphore, #tpu.memory_space<semaphore_mem>>) src(%dma_wait3A_48 : memref<40x128xi32, #tpu.memory_space<hbm>>) dst(%arg8 : memref<40x128xi32, #tpu.memory_space<vmem>>)
      tpu.yield
    }) : () -> ()
    %dma_start3A_24 = arith.constant 0 : i32
    %dma_start3A_25 = arith.constant 0 : i32
    %dma_start3A_26 = tpu.memref_slice %arg7[%dma_start3A_24, %dma_start3A_25] : memref<40x128xi32, #tpu.memory_space<vmem>> -> memref<1x128xi32, #tpu.memory_space<vmem>>
    %dma_start3A_27 = tpu.memref_squeeze %dma_start3A_26 : memref<1x128xi32, #tpu.memory_space<vmem>> -> memref<128xi32, #tpu.memory_space<vmem>>
    %dma_start3A_28 = arith.constant 0 : i32
    %dma_start3A_29 = arith.constant 0 : i32
    %dma_start3A_30 = tpu.memref_slice %arg4[%dma_start3A_28, %dma_start3A_29] : memref<10000x128xf32, #tpu.memory_space<hbm>> -> memref<10000x128xf32, #tpu.memory_space<hbm>>
    tpu.enqueue_indirect_dma source(%dma_start3A_30 : memref<10000x128xf32, #tpu.memory_space<hbm>>) target(%arg9 : memref<128x128xf32, #tpu.memory_space<vmem>>) offsets(%dma_start3A_27 : memref<128xi32, #tpu.memory_space<vmem>>) semaphore(%arg12 : memref<!tpu.dma_semaphore, #tpu.memory_space<semaphore_mem>>)
    %scan3A_31 = arith.constant 0 : i32
    %scan3A_32 = arith.constant 0 : i32
    %scan3A_33 = arith.constant 20 : i32
    %scan3A_34 = arith.addi %scan3A_32, %scan3A_33 : i32
    %scan3A_35 = arith.constant 1 : i32
    scf.for %scan3A_42 = %scan3A_32 to %scan3A_34 step %scan3A_35  : i32 {
      %mul3A_43 = arith.constant 2 : i32
      %mul3A_44 = arith.muli %mul3A_43, %scan3A_42 : i32
      %add3A_45 = arith.constant 1 : i32
      %add3A_46 = arith.addi %mul3A_44, %add3A_45 : i32
      %dma_start3A_47 = arith.constant 0 : i32
      %dma_start3A_48 = tpu.memref_slice %arg7[%add3A_46, %dma_start3A_47] : memref<40x128xi32, #tpu.memory_space<vmem>> -> memref<1x128xi32, #tpu.memory_space<vmem>>
      %dma_start3A_49 = tpu.memref_squeeze %dma_start3A_48 : memref<1x128xi32, #tpu.memory_space<vmem>> -> memref<128xi32, #tpu.memory_space<vmem>>
      %dma_start3A_50 = arith.constant 0 : i32
      %dma_start3A_51 = arith.constant 0 : i32
      %dma_start3A_52 = tpu.memref_slice %arg4[%dma_start3A_50, %dma_start3A_51] : memref<10000x128xf32, #tpu.memory_space<hbm>> -> memref<10000x128xf32, #tpu.memory_space<hbm>>
      tpu.enqueue_indirect_dma source(%dma_start3A_52 : memref<10000x128xf32, #tpu.memory_space<hbm>>) target(%arg10 : memref<128x128xf32, #tpu.memory_space<vmem>>) offsets(%dma_start3A_49 : memref<128xi32, #tpu.memory_space<vmem>>) semaphore(%arg13 : memref<!tpu.dma_semaphore, #tpu.memory_space<semaphore_mem>>)
      %dma_wait3A = arith.constant 0 : i32
      %dma_wait3A_53 = arith.constant 0 : i32
      %dma_wait3A_54 = tpu.memref_slice %arg4[%dma_wait3A, %dma_wait3A_53] : memref<10000x128xf32, #tpu.memory_space<hbm>> -> memref<128x128xf32, #tpu.memory_space<hbm>>
      %dma_wait3A_55 = arith.constant 0 : i32
      %dma_wait3A_56 = arith.constant 0 : i32
      %dma_wait3A_57 = tpu.memref_slice %arg4[%dma_wait3A_55, %dma_wait3A_56] : memref<10000x128xf32, #tpu.memory_space<hbm>> -> memref<128x128xf32, #tpu.memory_space<hbm>>
      tpu.wait_dma2 semaphore(%arg12 : memref<!tpu.dma_semaphore, #tpu.memory_space<semaphore_mem>>) src(%dma_wait3A_57 : memref<128x128xf32, #tpu.memory_space<hbm>>) dst(%arg9 : memref<128x128xf32, #tpu.memory_space<vmem>>)
      "tpu.region"() ({
        %run_scoped3A = tpu.sem_alloc : memref<!tpu.dma_semaphore, #tpu.memory_space<semaphore_mem>>
        %dma_start3A_72 = arith.constant 0 : i32
        %dma_start3A_73 = tpu.memref_slice %arg8[%mul3A_44, %dma_start3A_72] : memref<40x128xi32, #tpu.memory_space<vmem>> -> memref<1x128xi32, #tpu.memory_space<vmem>>
        %dma_start3A_74 = tpu.memref_squeeze %dma_start3A_73 : memref<1x128xi32, #tpu.memory_space<vmem>> -> memref<128xi32, #tpu.memory_space<vmem>>
        %dma_start3A_75 = arith.constant 0 : i32
        %dma_start3A_76 = arith.constant 0 : i32
        %dma_start3A_77 = tpu.memref_slice %arg11[%dma_start3A_75, %dma_start3A_76] : memref<10112x128xf32, #tpu.memory_space<vmem_shared>> -> memref<10112x128xf32, #tpu.memory_space<vmem_shared>>
        tpu.enqueue_indirect_dma source(%arg9 : memref<128x128xf32, #tpu.memory_space<vmem>>) target(%dma_start3A_77 : memref<10112x128xf32, #tpu.memory_space<vmem_shared>>) offsets(%dma_start3A_74 : memref<128xi32, #tpu.memory_space<vmem>>) semaphore(%run_scoped3A : memref<!tpu.dma_semaphore, #tpu.memory_space<semaphore_mem>>) {add = true}
        %dma_wait3A_78 = arith.constant 0 : i32
        %dma_wait3A_79 = tpu.memref_slice %arg8[%mul3A_44, %dma_wait3A_78] : memref<40x128xi32, #tpu.memory_space<vmem>> -> memref<1x128xi32, #tpu.memory_space<vmem>>
        %dma_wait3A_80 = tpu.memref_squeeze %dma_wait3A_79 : memref<1x128xi32, #tpu.memory_space<vmem>> -> memref<128xi32, #tpu.memory_space<vmem>>
        %dma_wait3A_81 = arith.constant 0 : i32
        %dma_wait3A_82 = arith.constant 0 : i32
        %dma_wait3A_83 = tpu.memref_slice %arg11[%dma_wait3A_81, %dma_wait3A_82] : memref<10112x128xf32, #tpu.memory_space<vmem_shared>> -> memref<10112x128xf32, #tpu.memory_space<vmem_shared>>
        tpu.wait_indirect_dma semaphore(%run_scoped3A : memref<!tpu.dma_semaphore, #tpu.memory_space<semaphore_mem>>) src(%arg9 : memref<128x128xf32, #tpu.memory_space<vmem>>) dst(%dma_wait3A_83 : memref<10112x128xf32, #tpu.memory_space<vmem_shared>>)
        tpu.yield
      }) : () -> ()
      %add3A_58 = arith.constant 2 : i32
      %add3A_59 = arith.addi %mul3A_44, %add3A_58 : i32
      %lt3A = arith.constant 40 : i32
      %lt3A_60 = arith.cmpi slt, %add3A_59, %lt3A : i32
      %convert_element_type3A_61 = arith.extui %lt3A_60 : i1 to i32
      %cond3A_62 = arith.constant 0 : i32
      %cond3A_63 = arith.cmpi ne, %convert_element_type3A_61, %cond3A_62 : i32
      scf.if %cond3A_63 {
        %add3A_72 = arith.constant 2 : i32
        %add3A_73 = arith.addi %mul3A_44, %add3A_72 : i32
        %dma_start3A_74 = arith.constant 0 : i32
        %dma_start3A_75 = tpu.memref_slice %arg7[%add3A_73, %dma_start3A_74] : memref<40x128xi32, #tpu.memory_space<vmem>> -> memref<1x128xi32, #tpu.memory_space<vmem>>
        %dma_start3A_76 = tpu.memref_squeeze %dma_start3A_75 : memref<1x128xi32, #tpu.memory_space<vmem>> -> memref<128xi32, #tpu.memory_space<vmem>>
        %dma_start3A_77 = arith.constant 0 : i32
        %dma_start3A_78 = arith.constant 0 : i32
        %dma_start3A_79 = tpu.memref_slice %arg4[%dma_start3A_77, %dma_start3A_78] : memref<10000x128xf32, #tpu.memory_space<hbm>> -> memref<10000x128xf32, #tpu.memory_space<hbm>>
        tpu.enqueue_indirect_dma source(%dma_start3A_79 : memref<10000x128xf32, #tpu.memory_space<hbm>>) target(%arg9 : memref<128x128xf32, #tpu.memory_space<vmem>>) offsets(%dma_start3A_76 : memref<128xi32, #tpu.memory_space<vmem>>) semaphore(%arg12 : memref<!tpu.dma_semaphore, #tpu.memory_space<semaphore_mem>>)
      } else {
      }
      %dma_wait3A_64 = arith.constant 0 : i32
      %dma_wait3A_65 = arith.constant 0 : i32
      %dma_wait3A_66 = tpu.memref_slice %arg4[%dma_wait3A_64, %dma_wait3A_65] : memref<10000x128xf32, #tpu.memory_space<hbm>> -> memref<128x128xf32, #tpu.memory_space<hbm>>
      %dma_wait3A_67 = arith.constant 0 : i32
      %dma_wait3A_68 = arith.constant 0 : i32
      %dma_wait3A_69 = tpu.memref_slice %arg4[%dma_wait3A_67, %dma_wait3A_68] : memref<10000x128xf32, #tpu.memory_space<hbm>> -> memref<128x128xf32, #tpu.memory_space<hbm>>
      tpu.wait_dma2 semaphore(%arg13 : memref<!tpu.dma_semaphore, #tpu.memory_space<semaphore_mem>>) src(%dma_wait3A_69 : memref<128x128xf32, #tpu.memory_space<hbm>>) dst(%arg10 : memref<128x128xf32, #tpu.memory_space<vmem>>)
      %add3A_70 = arith.constant 1 : i32
      %add3A_71 = arith.addi %mul3A_44, %add3A_70 : i32
      "tpu.region"() ({
        %run_scoped3A = tpu.sem_alloc : memref<!tpu.dma_semaphore, #tpu.memory_space<semaphore_mem>>
        %dma_start3A_72 = arith.constant 0 : i32
        %dma_start3A_73 = tpu.memref_slice %arg8[%add3A_71, %dma_start3A_72] : memref<40x128xi32, #tpu.memory_space<vmem>> -> memref<1x128xi32, #tpu.memory_space<vmem>>
        %dma_start3A_74 = tpu.memref_squeeze %dma_start3A_73 : memref<1x128xi32, #tpu.memory_space<vmem>> -> memref<128xi32, #tpu.memory_space<vmem>>
        %dma_start3A_75 = arith.constant 0 : i32
        %dma_start3A_76 = arith.constant 0 : i32
        %dma_start3A_77 = tpu.memref_slice %arg11[%dma_start3A_75, %dma_start3A_76] : memref<10112x128xf32, #tpu.memory_space<vmem_shared>> -> memref<10112x128xf32, #tpu.memory_space<vmem_shared>>
        tpu.enqueue_indirect_dma source(%arg10 : memref<128x128xf32, #tpu.memory_space<vmem>>) target(%dma_start3A_77 : memref<10112x128xf32, #tpu.memory_space<vmem_shared>>) offsets(%dma_start3A_74 : memref<128xi32, #tpu.memory_space<vmem>>) semaphore(%run_scoped3A : memref<!tpu.dma_semaphore, #tpu.memory_space<semaphore_mem>>) {add = true}
        %dma_wait3A_78 = arith.constant 0 : i32
        %dma_wait3A_79 = tpu.memref_slice %arg8[%add3A_71, %dma_wait3A_78] : memref<40x128xi32, #tpu.memory_space<vmem>> -> memref<1x128xi32, #tpu.memory_space<vmem>>
        %dma_wait3A_80 = tpu.memref_squeeze %dma_wait3A_79 : memref<1x128xi32, #tpu.memory_space<vmem>> -> memref<128xi32, #tpu.memory_space<vmem>>
        %dma_wait3A_81 = arith.constant 0 : i32
        %dma_wait3A_82 = arith.constant 0 : i32
        %dma_wait3A_83 = tpu.memref_slice %arg11[%dma_wait3A_81, %dma_wait3A_82] : memref<10112x128xf32, #tpu.memory_space<vmem_shared>> -> memref<10112x128xf32, #tpu.memory_space<vmem_shared>>
        tpu.wait_indirect_dma semaphore(%run_scoped3A : memref<!tpu.dma_semaphore, #tpu.memory_space<semaphore_mem>>) src(%arg10 : memref<128x128xf32, #tpu.memory_space<vmem>>) dst(%dma_wait3A_83 : memref<10112x128xf32, #tpu.memory_space<vmem_shared>>)
        tpu.yield
      }) : () -> ()
    }
    %scan3A_36 = arith.constant 20 : i32
    %barrier3A_37 = arith.constant 0 : index
    tpu.barrier barrier_id(%barrier3A_37)
    %mul3A_38 = arith.constant 624 : i32
    %mul3A_39 = arith.muli %arg1, %mul3A_38 : i32
    "tpu.region"() ({
      %run_scoped3A = tpu.sem_alloc : memref<!tpu.dma_semaphore, #tpu.memory_space<semaphore_mem>>
      %dma_start3A_42 = arith.constant 0 : i32
      %dma_start3A_43 = arith.constant 0 : i32
      %dma_start3A_44 = tpu.memref_slice %arg6[%arg0, %dma_start3A_42, %dma_start3A_43] : memref<2x10000x128xf32, #tpu.memory_space<hbm>> -> memref<1x10000x128xf32, #tpu.memory_space<hbm>>
      %dma_start3A_45 = tpu.memref_squeeze %dma_start3A_44 : memref<1x10000x128xf32, #tpu.memory_space<hbm>> -> memref<10000x128xf32, #tpu.memory_space<hbm>>
      %dma_start3A_46 = arith.constant 0 : i32
      %dma_start3A_47 = tpu.memref_slice %dma_start3A_45[%mul3A_39, %dma_start3A_46] : memref<10000x128xf32, #tpu.memory_space<hbm>> -> memref<624x128xf32, #tpu.memory_space<hbm>>
      %dma_start3A_48 = arith.constant 0 : i32
      %dma_start3A_49 = tpu.memref_slice %arg11[%mul3A_39, %dma_start3A_48] : memref<10112x128xf32, #tpu.memory_space<vmem_shared>> -> memref<624x128xf32, #tpu.memory_space<vmem_shared>>
      tpu.enqueue_dma source(%dma_start3A_49 : memref<624x128xf32, #tpu.memory_space<vmem_shared>>) target(%dma_start3A_47 : memref<624x128xf32, #tpu.memory_space<hbm>>) target_semaphore(%run_scoped3A : memref<!tpu.dma_semaphore, #tpu.memory_space<semaphore_mem>>)
      %dma_wait3A = arith.constant 0 : i32
      %dma_wait3A_50 = arith.constant 0 : i32
      %dma_wait3A_51 = tpu.memref_slice %arg6[%arg0, %dma_wait3A, %dma_wait3A_50] : memref<2x10000x128xf32, #tpu.memory_space<hbm>> -> memref<1x10000x128xf32, #tpu.memory_space<hbm>>
      %dma_wait3A_52 = tpu.memref_squeeze %dma_wait3A_51 : memref<1x10000x128xf32, #tpu.memory_space<hbm>> -> memref<10000x128xf32, #tpu.memory_space<hbm>>
      %dma_wait3A_53 = arith.constant 0 : i32
      %dma_wait3A_54 = tpu.memref_slice %dma_wait3A_52[%mul3A_39, %dma_wait3A_53] : memref<10000x128xf32, #tpu.memory_space<hbm>> -> memref<624x128xf32, #tpu.memory_space<hbm>>
      %dma_wait3A_55 = arith.constant 0 : i32
      %dma_wait3A_56 = tpu.memref_slice %arg11[%mul3A_39, %dma_wait3A_55] : memref<10112x128xf32, #tpu.memory_space<vmem_shared>> -> memref<624x128xf32, #tpu.memory_space<vmem_shared>>
      tpu.wait_dma2 semaphore(%run_scoped3A : memref<!tpu.dma_semaphore, #tpu.memory_space<semaphore_mem>>) src(%dma_wait3A_56 : memref<624x128xf32, #tpu.memory_space<vmem_shared>>) dst(%dma_wait3A_54 : memref<624x128xf32, #tpu.memory_space<hbm>>)
      tpu.yield
    }) : () -> ()
    %eq3A = arith.constant 15 : i32
    %eq3A_40 = arith.cmpi eq, %arg1, %eq3A : i32
    %convert_element_type3A = arith.extui %eq3A_40 : i1 to i32
    %cond3A = arith.constant 0 : i32
    %cond3A_41 = arith.cmpi ne, %convert_element_type3A, %cond3A : i32
    scf.if %cond3A_41 {
      "tpu.region"() ({
        %run_scoped3A = tpu.sem_alloc : memref<!tpu.dma_semaphore, #tpu.memory_space<semaphore_mem>>
        %dma_start3A_42 = arith.constant 0 : i32
        %dma_start3A_43 = arith.constant 0 : i32
        %dma_start3A_44 = tpu.memref_slice %arg6[%arg0, %dma_start3A_42, %dma_start3A_43] : memref<2x10000x128xf32, #tpu.memory_space<hbm>> -> memref<1x10000x128xf32, #tpu.memory_space<hbm>>
        %dma_start3A_45 = tpu.memref_squeeze %dma_start3A_44 : memref<1x10000x128xf32, #tpu.memory_space<hbm>> -> memref<10000x128xf32, #tpu.memory_space<hbm>>
        %dma_start3A_46 = arith.constant 9984 : i32
        %dma_start3A_47 = arith.constant 0 : i32
        %dma_start3A_48 = tpu.memref_slice %dma_start3A_45[%dma_start3A_46, %dma_start3A_47] : memref<10000x128xf32, #tpu.memory_space<hbm>> -> memref<16x128xf32, #tpu.memory_space<hbm>>
        %dma_start3A_49 = arith.constant 9984 : i32
        %dma_start3A_50 = arith.constant 0 : i32
        %dma_start3A_51 = tpu.memref_slice %arg11[%dma_start3A_49, %dma_start3A_50] : memref<10112x128xf32, #tpu.memory_space<vmem_shared>> -> memref<16x128xf32, #tpu.memory_space<vmem_shared>>
        tpu.enqueue_dma source(%dma_start3A_51 : memref<16x128xf32, #tpu.memory_space<vmem_shared>>) target(%dma_start3A_48 : memref<16x128xf32, #tpu.memory_space<hbm>>) target_semaphore(%run_scoped3A : memref<!tpu.dma_semaphore, #tpu.memory_space<semaphore_mem>>)
        %dma_wait3A = arith.constant 0 : i32
        %dma_wait3A_52 = arith.constant 0 : i32
        %dma_wait3A_53 = tpu.memref_slice %arg6[%arg0, %dma_wait3A, %dma_wait3A_52] : memref<2x10000x128xf32, #tpu.memory_space<hbm>> -> memref<1x10000x128xf32, #tpu.memory_space<hbm>>
        %dma_wait3A_54 = tpu.memref_squeeze %dma_wait3A_53 : memref<1x10000x128xf32, #tpu.memory_space<hbm>> -> memref<10000x128xf32, #tpu.memory_space<hbm>>
        %dma_wait3A_55 = arith.constant 9984 : i32
        %dma_wait3A_56 = arith.constant 0 : i32
        %dma_wait3A_57 = tpu.memref_slice %dma_wait3A_54[%dma_wait3A_55, %dma_wait3A_56] : memref<10000x128xf32, #tpu.memory_space<hbm>> -> memref<16x128xf32, #tpu.memory_space<hbm>>
        %dma_wait3A_58 = arith.constant 9984 : i32
        %dma_wait3A_59 = arith.constant 0 : i32
        %dma_wait3A_60 = tpu.memref_slice %arg11[%dma_wait3A_58, %dma_wait3A_59] : memref<10112x128xf32, #tpu.memory_space<vmem_shared>> -> memref<16x128xf32, #tpu.memory_space<vmem_shared>>
        tpu.wait_dma2 semaphore(%run_scoped3A : memref<!tpu.dma_semaphore, #tpu.memory_space<semaphore_mem>>) src(%dma_wait3A_60 : memref<16x128xf32, #tpu.memory_space<vmem_shared>>) dst(%dma_wait3A_57 : memref<16x128xf32, #tpu.memory_space<hbm>>)
        tpu.yield
      }) : () -> ()
    } else {
    }
    return
  }
}

#map = affine_map<(d0, d1) -> (0)>
#map1 = affine_map<(d0, d1) -> (0, 0, 0)>
module attributes {stable_mosaic.version = 14 : i64} {
  func.func @_head(%arg0: i32, %arg1: i32, %arg2: memref<10000xf32, #tpu.memory_space<hbm>>, %arg3: memref<32x25x128xi32, #tpu.memory_space<hbm>>, %arg4: memref<32x25x128xi32, #tpu.memory_space<hbm>>, %arg5: memref<32x25x128xf32, #tpu.memory_space<hbm>>, %arg6: memref<25x128xi32, #tpu.memory_space<vmem>>, %arg7: memref<25x128xi32, #tpu.memory_space<vmem>>, %arg8: memref<25x128xf32, #tpu.memory_space<vmem>>, %arg9: memref<25x128xf32, #tpu.memory_space<vmem>>, %arg10: memref<25x128xf32, #tpu.memory_space<vmem>>, %arg11: memref<10000xf32, #tpu.memory_space<vmem>>, %arg12: memref<10000xf32, #tpu.memory_space<vmem_shared>>, %arg13: memref<!tpu.dma_semaphore, #tpu.memory_space<semaphore_mem>>) attributes {dimension_semantics = [#tpu.dimension_semantics<core_parallel>, #tpu.dimension_semantics<subcore_parallel>], iteration_bounds = array<i64: 2, 16>, scalar_prefetch = 0 : i64, scratch_operands = 8 : i64, tpu.core_type = #tpu.core_type<sc_vector_subcore>, window_params = [{transform_indices = #map}, {transform_indices = #map1}, {transform_indices = #map1}, {transform_indices = #map1}]} {
    %mul3A = arith.constant 2 : i32
    %mul3A_0 = arith.muli %arg1, %mul3A : i32
    %add3A = arith.addi %mul3A_0, %arg0 : i32
    %eq3A = arith.constant 0 : i32
    %eq3A_1 = arith.cmpi eq, %arg1, %eq3A : i32
    %convert_element_type3A = arith.extui %eq3A_1 : i1 to i32
    %cond3A = arith.constant 0 : i32
    %cond3A_2 = arith.cmpi ne, %convert_element_type3A, %cond3A : i32
    scf.if %cond3A_2 {
      "tpu.region"() ({
        %run_scoped3A = tpu.sem_alloc : memref<!tpu.dma_semaphore, #tpu.memory_space<semaphore_mem>>
        tpu.enqueue_dma source(%arg2 : memref<10000xf32, #tpu.memory_space<hbm>>) target(%arg11 : memref<10000xf32, #tpu.memory_space<vmem>>) target_semaphore(%run_scoped3A : memref<!tpu.dma_semaphore, #tpu.memory_space<semaphore_mem>>)
        tpu.wait_dma2 semaphore(%run_scoped3A : memref<!tpu.dma_semaphore, #tpu.memory_space<semaphore_mem>>) src(%arg2 : memref<10000xf32, #tpu.memory_space<hbm>>) dst(%arg11 : memref<10000xf32, #tpu.memory_space<vmem>>)
        tpu.yield
      }) : () -> ()
      "tpu.region"() ({
        %run_scoped3A = tpu.sem_alloc : memref<!tpu.dma_semaphore, #tpu.memory_space<semaphore_mem>>
        tpu.enqueue_dma source(%arg11 : memref<10000xf32, #tpu.memory_space<vmem>>) target(%arg12 : memref<10000xf32, #tpu.memory_space<vmem_shared>>) target_semaphore(%run_scoped3A : memref<!tpu.dma_semaphore, #tpu.memory_space<semaphore_mem>>)
        tpu.wait_dma2 semaphore(%run_scoped3A : memref<!tpu.dma_semaphore, #tpu.memory_space<semaphore_mem>>) src(%arg11 : memref<10000xf32, #tpu.memory_space<vmem>>) dst(%arg12 : memref<10000xf32, #tpu.memory_space<vmem_shared>>)
        tpu.yield
      }) : () -> ()
    } else {
    }
    "tpu.region"() ({
      %run_scoped3A = tpu.sem_alloc : memref<!tpu.dma_semaphore, #tpu.memory_space<semaphore_mem>>
      %dma_start3A = arith.constant 0 : i32
      %dma_start3A_29 = arith.constant 0 : i32
      %dma_start3A_30 = tpu.memref_slice %arg3[%add3A, %dma_start3A, %dma_start3A_29] : memref<32x25x128xi32, #tpu.memory_space<hbm>> -> memref<1x25x128xi32, #tpu.memory_space<hbm>>
      %dma_start3A_31 = tpu.memref_squeeze %dma_start3A_30 : memref<1x25x128xi32, #tpu.memory_space<hbm>> -> memref<25x128xi32, #tpu.memory_space<hbm>>
      %dma_start3A_32 = arith.constant 0 : i32
      %dma_start3A_33 = arith.constant 0 : i32
      %dma_start3A_34 = tpu.memref_slice %arg3[%add3A, %dma_start3A_32, %dma_start3A_33] : memref<32x25x128xi32, #tpu.memory_space<hbm>> -> memref<1x25x128xi32, #tpu.memory_space<hbm>>
      %dma_start3A_35 = tpu.memref_squeeze %dma_start3A_34 : memref<1x25x128xi32, #tpu.memory_space<hbm>> -> memref<25x128xi32, #tpu.memory_space<hbm>>
      tpu.enqueue_dma source(%dma_start3A_35 : memref<25x128xi32, #tpu.memory_space<hbm>>) target(%arg6 : memref<25x128xi32, #tpu.memory_space<vmem>>) target_semaphore(%run_scoped3A : memref<!tpu.dma_semaphore, #tpu.memory_space<semaphore_mem>>)
      %dma_wait3A_36 = arith.constant 0 : i32
      %dma_wait3A_37 = arith.constant 0 : i32
      %dma_wait3A_38 = tpu.memref_slice %arg3[%add3A, %dma_wait3A_36, %dma_wait3A_37] : memref<32x25x128xi32, #tpu.memory_space<hbm>> -> memref<1x25x128xi32, #tpu.memory_space<hbm>>
      %dma_wait3A_39 = tpu.memref_squeeze %dma_wait3A_38 : memref<1x25x128xi32, #tpu.memory_space<hbm>> -> memref<25x128xi32, #tpu.memory_space<hbm>>
      %dma_wait3A_40 = arith.constant 0 : i32
      %dma_wait3A_41 = arith.constant 0 : i32
      %dma_wait3A_42 = tpu.memref_slice %arg3[%add3A, %dma_wait3A_40, %dma_wait3A_41] : memref<32x25x128xi32, #tpu.memory_space<hbm>> -> memref<1x25x128xi32, #tpu.memory_space<hbm>>
      %dma_wait3A_43 = tpu.memref_squeeze %dma_wait3A_42 : memref<1x25x128xi32, #tpu.memory_space<hbm>> -> memref<25x128xi32, #tpu.memory_space<hbm>>
      tpu.wait_dma2 semaphore(%run_scoped3A : memref<!tpu.dma_semaphore, #tpu.memory_space<semaphore_mem>>) src(%dma_wait3A_43 : memref<25x128xi32, #tpu.memory_space<hbm>>) dst(%arg6 : memref<25x128xi32, #tpu.memory_space<vmem>>)
      tpu.yield
    }) : () -> ()
    "tpu.region"() ({
      %run_scoped3A = tpu.sem_alloc : memref<!tpu.dma_semaphore, #tpu.memory_space<semaphore_mem>>
      %dma_start3A = arith.constant 0 : i32
      %dma_start3A_29 = arith.constant 0 : i32
      %dma_start3A_30 = tpu.memref_slice %arg4[%add3A, %dma_start3A, %dma_start3A_29] : memref<32x25x128xi32, #tpu.memory_space<hbm>> -> memref<1x25x128xi32, #tpu.memory_space<hbm>>
      %dma_start3A_31 = tpu.memref_squeeze %dma_start3A_30 : memref<1x25x128xi32, #tpu.memory_space<hbm>> -> memref<25x128xi32, #tpu.memory_space<hbm>>
      %dma_start3A_32 = arith.constant 0 : i32
      %dma_start3A_33 = arith.constant 0 : i32
      %dma_start3A_34 = tpu.memref_slice %arg4[%add3A, %dma_start3A_32, %dma_start3A_33] : memref<32x25x128xi32, #tpu.memory_space<hbm>> -> memref<1x25x128xi32, #tpu.memory_space<hbm>>
      %dma_start3A_35 = tpu.memref_squeeze %dma_start3A_34 : memref<1x25x128xi32, #tpu.memory_space<hbm>> -> memref<25x128xi32, #tpu.memory_space<hbm>>
      tpu.enqueue_dma source(%dma_start3A_35 : memref<25x128xi32, #tpu.memory_space<hbm>>) target(%arg7 : memref<25x128xi32, #tpu.memory_space<vmem>>) target_semaphore(%run_scoped3A : memref<!tpu.dma_semaphore, #tpu.memory_space<semaphore_mem>>)
      %dma_wait3A_36 = arith.constant 0 : i32
      %dma_wait3A_37 = arith.constant 0 : i32
      %dma_wait3A_38 = tpu.memref_slice %arg4[%add3A, %dma_wait3A_36, %dma_wait3A_37] : memref<32x25x128xi32, #tpu.memory_space<hbm>> -> memref<1x25x128xi32, #tpu.memory_space<hbm>>
      %dma_wait3A_39 = tpu.memref_squeeze %dma_wait3A_38 : memref<1x25x128xi32, #tpu.memory_space<hbm>> -> memref<25x128xi32, #tpu.memory_space<hbm>>
      %dma_wait3A_40 = arith.constant 0 : i32
      %dma_wait3A_41 = arith.constant 0 : i32
      %dma_wait3A_42 = tpu.memref_slice %arg4[%add3A, %dma_wait3A_40, %dma_wait3A_41] : memref<32x25x128xi32, #tpu.memory_space<hbm>> -> memref<1x25x128xi32, #tpu.memory_space<hbm>>
      %dma_wait3A_43 = tpu.memref_squeeze %dma_wait3A_42 : memref<1x25x128xi32, #tpu.memory_space<hbm>> -> memref<25x128xi32, #tpu.memory_space<hbm>>
      tpu.wait_dma2 semaphore(%run_scoped3A : memref<!tpu.dma_semaphore, #tpu.memory_space<semaphore_mem>>) src(%dma_wait3A_43 : memref<25x128xi32, #tpu.memory_space<hbm>>) dst(%arg7 : memref<25x128xi32, #tpu.memory_space<vmem>>)
      tpu.yield
    }) : () -> ()
    %barrier3A = arith.constant 0 : index
    tpu.barrier barrier_id(%barrier3A)
    %scan3A = arith.constant 0 : i32
    %scan3A_3 = arith.constant 0 : i32
    %scan3A_4 = arith.constant 25 : i32
    %scan3A_5 = arith.addi %scan3A_3, %scan3A_4 : i32
    %scan3A_6 = arith.constant 1 : i32
    scf.for %scan3A_29 = %scan3A_3 to %scan3A_5 step %scan3A_6  : i32 {
      %dma_start3A = arith.constant 0 : i32
      %dma_start3A_30 = tpu.memref_slice %arg8[%scan3A_29, %dma_start3A] : memref<25x128xf32, #tpu.memory_space<vmem>> -> memref<1x128xf32, #tpu.memory_space<vmem>>
      %dma_start3A_31 = tpu.memref_squeeze %dma_start3A_30 : memref<1x128xf32, #tpu.memory_space<vmem>> -> memref<128xf32, #tpu.memory_space<vmem>>
      %dma_start3A_32 = arith.constant 0 : i32
      %dma_start3A_33 = tpu.memref_slice %arg6[%scan3A_29, %dma_start3A_32] : memref<25x128xi32, #tpu.memory_space<vmem>> -> memref<1x128xi32, #tpu.memory_space<vmem>>
      %dma_start3A_34 = tpu.memref_squeeze %dma_start3A_33 : memref<1x128xi32, #tpu.memory_space<vmem>> -> memref<128xi32, #tpu.memory_space<vmem>>
      %dma_start3A_35 = arith.constant 0 : i32
      %dma_start3A_36 = tpu.memref_slice %arg12[%dma_start3A_35] : memref<10000xf32, #tpu.memory_space<vmem_shared>> -> memref<10000xf32, #tpu.memory_space<vmem_shared>>
      tpu.enqueue_indirect_dma source(%dma_start3A_36 : memref<10000xf32, #tpu.memory_space<vmem_shared>>) target(%dma_start3A_31 : memref<128xf32, #tpu.memory_space<vmem>>) offsets(%dma_start3A_34 : memref<128xi32, #tpu.memory_space<vmem>>) semaphore(%arg13 : memref<!tpu.dma_semaphore, #tpu.memory_space<semaphore_mem>>)
      %dma_start3A_37 = arith.constant 0 : i32
      %dma_start3A_38 = tpu.memref_slice %arg9[%scan3A_29, %dma_start3A_37] : memref<25x128xf32, #tpu.memory_space<vmem>> -> memref<1x128xf32, #tpu.memory_space<vmem>>
      %dma_start3A_39 = tpu.memref_squeeze %dma_start3A_38 : memref<1x128xf32, #tpu.memory_space<vmem>> -> memref<128xf32, #tpu.memory_space<vmem>>
      %dma_start3A_40 = arith.constant 0 : i32
      %dma_start3A_41 = tpu.memref_slice %arg7[%scan3A_29, %dma_start3A_40] : memref<25x128xi32, #tpu.memory_space<vmem>> -> memref<1x128xi32, #tpu.memory_space<vmem>>
      %dma_start3A_42 = tpu.memref_squeeze %dma_start3A_41 : memref<1x128xi32, #tpu.memory_space<vmem>> -> memref<128xi32, #tpu.memory_space<vmem>>
      %dma_start3A_43 = arith.constant 0 : i32
      %dma_start3A_44 = tpu.memref_slice %arg12[%dma_start3A_43] : memref<10000xf32, #tpu.memory_space<vmem_shared>> -> memref<10000xf32, #tpu.memory_space<vmem_shared>>
      tpu.enqueue_indirect_dma source(%dma_start3A_44 : memref<10000xf32, #tpu.memory_space<vmem_shared>>) target(%dma_start3A_39 : memref<128xf32, #tpu.memory_space<vmem>>) offsets(%dma_start3A_42 : memref<128xi32, #tpu.memory_space<vmem>>) semaphore(%arg13 : memref<!tpu.dma_semaphore, #tpu.memory_space<semaphore_mem>>)
    }
    %scan3A_7 = arith.constant 25 : i32
    %dma_wait3A = arith.constant 0 : i32
    %dma_wait3A_8 = arith.constant 0 : i32
    %dma_wait3A_9 = tpu.memref_slice %arg5[%add3A, %dma_wait3A, %dma_wait3A_8] : memref<32x25x128xf32, #tpu.memory_space<hbm>> -> memref<1x25x128xf32, #tpu.memory_space<hbm>>
    %dma_wait3A_10 = tpu.memref_squeeze %dma_wait3A_9 : memref<1x25x128xf32, #tpu.memory_space<hbm>> -> memref<25x128xf32, #tpu.memory_space<hbm>>
    %dma_wait3A_11 = arith.constant 0 : i32
    %dma_wait3A_12 = arith.constant 0 : i32
    %dma_wait3A_13 = tpu.memref_slice %arg5[%add3A, %dma_wait3A_11, %dma_wait3A_12] : memref<32x25x128xf32, #tpu.memory_space<hbm>> -> memref<1x25x128xf32, #tpu.memory_space<hbm>>
    %dma_wait3A_14 = tpu.memref_squeeze %dma_wait3A_13 : memref<1x25x128xf32, #tpu.memory_space<hbm>> -> memref<25x128xf32, #tpu.memory_space<hbm>>
    tpu.wait_dma2 semaphore(%arg13 : memref<!tpu.dma_semaphore, #tpu.memory_space<semaphore_mem>>) src(%dma_wait3A_14 : memref<25x128xf32, #tpu.memory_space<hbm>>) dst(%arg8 : memref<25x128xf32, #tpu.memory_space<vmem>>)
    %dma_wait3A_15 = arith.constant 0 : i32
    %dma_wait3A_16 = arith.constant 0 : i32
    %dma_wait3A_17 = tpu.memref_slice %arg5[%add3A, %dma_wait3A_15, %dma_wait3A_16] : memref<32x25x128xf32, #tpu.memory_space<hbm>> -> memref<1x25x128xf32, #tpu.memory_space<hbm>>
    %dma_wait3A_18 = tpu.memref_squeeze %dma_wait3A_17 : memref<1x25x128xf32, #tpu.memory_space<hbm>> -> memref<25x128xf32, #tpu.memory_space<hbm>>
    %dma_wait3A_19 = arith.constant 0 : i32
    %dma_wait3A_20 = arith.constant 0 : i32
    %dma_wait3A_21 = tpu.memref_slice %arg5[%add3A, %dma_wait3A_19, %dma_wait3A_20] : memref<32x25x128xf32, #tpu.memory_space<hbm>> -> memref<1x25x128xf32, #tpu.memory_space<hbm>>
    %dma_wait3A_22 = tpu.memref_squeeze %dma_wait3A_21 : memref<1x25x128xf32, #tpu.memory_space<hbm>> -> memref<25x128xf32, #tpu.memory_space<hbm>>
    tpu.wait_dma2 semaphore(%arg13 : memref<!tpu.dma_semaphore, #tpu.memory_space<semaphore_mem>>) src(%dma_wait3A_22 : memref<25x128xf32, #tpu.memory_space<hbm>>) dst(%arg9 : memref<25x128xf32, #tpu.memory_space<vmem>>)
    %scan3A_23 = arith.constant 0 : i32
    %scan3A_24 = arith.constant 0 : i32
    %scan3A_25 = arith.constant 25 : i32
    %scan3A_26 = arith.addi %scan3A_24, %scan3A_25 : i32
    %scan3A_27 = arith.constant 1 : i32
    scf.for %scan3A_29 = %scan3A_24 to %scan3A_26 step %scan3A_27  : i32 {
      %get3A = arith.index_cast %scan3A_29 : i32 to index
      %get3A_30 = arith.constant 0 : index
      %get3A_31 = tpu.vector_load %arg8[%get3A, %get3A_30] {strides = array<i32>} : memref<25x128xf32, #tpu.memory_space<vmem>>, vector<1x16xf32>,
      %get3A_32 = vector.shape_cast %get3A_31 : vector<1x16xf32> to vector<16xf32>
      %get3A_33 = arith.index_cast %scan3A_29 : i32 to index
      %get3A_34 = arith.constant 0 : index
      %get3A_35 = tpu.vector_load %arg9[%get3A_33, %get3A_34] {strides = array<i32>} : memref<25x128xf32, #tpu.memory_space<vmem>>, vector<1x16xf32>,
      %get3A_36 = vector.shape_cast %get3A_35 : vector<1x16xf32> to vector<16xf32>
      %add3A_37 = arith.addf %get3A_32, %get3A_36 : vector<16xf32>
      %swap3A = arith.index_cast %scan3A_29 : i32 to index
      %swap3A_38 = arith.constant 0 : index
      %swap3A_39 = tpu.vector_load %arg10[%swap3A, %swap3A_38] {strides = array<i32>} : memref<25x128xf32, #tpu.memory_space<vmem>>, vector<1x16xf32>,
      %swap3A_40 = vector.shape_cast %swap3A_39 : vector<1x16xf32> to vector<16xf32>
      %swap3A_41 = vector.shape_cast %add3A_37 : vector<16xf32> to vector<1x16xf32>
      tpu.vector_store %arg10[%swap3A, %swap3A_38], %swap3A_41 {strides = array<i32>} : memref<25x128xf32, #tpu.memory_space<vmem>>, vector<1x16xf32>,
      %get3A_42 = arith.index_cast %scan3A_29 : i32 to index
      %get3A_43 = arith.constant 16 : index
      %get3A_44 = tpu.vector_load %arg8[%get3A_42, %get3A_43] {strides = array<i32>} : memref<25x128xf32, #tpu.memory_space<vmem>>, vector<1x16xf32>,
      %get3A_45 = vector.shape_cast %get3A_44 : vector<1x16xf32> to vector<16xf32>
      %get3A_46 = arith.index_cast %scan3A_29 : i32 to index
      %get3A_47 = arith.constant 16 : index
      %get3A_48 = tpu.vector_load %arg9[%get3A_46, %get3A_47] {strides = array<i32>} : memref<25x128xf32, #tpu.memory_space<vmem>>, vector<1x16xf32>,
      %get3A_49 = vector.shape_cast %get3A_48 : vector<1x16xf32> to vector<16xf32>
      %add3A_50 = arith.addf %get3A_45, %get3A_49 : vector<16xf32>
      %swap3A_51 = arith.index_cast %scan3A_29 : i32 to index
      %swap3A_52 = arith.constant 16 : index
      %swap3A_53 = tpu.vector_load %arg10[%swap3A_51, %swap3A_52] {strides = array<i32>} : memref<25x128xf32, #tpu.memory_space<vmem>>, vector<1x16xf32>,
      %swap3A_54 = vector.shape_cast %swap3A_53 : vector<1x16xf32> to vector<16xf32>
      %swap3A_55 = vector.shape_cast %add3A_50 : vector<16xf32> to vector<1x16xf32>
      tpu.vector_store %arg10[%swap3A_51, %swap3A_52], %swap3A_55 {strides = array<i32>} : memref<25x128xf32, #tpu.memory_space<vmem>>, vector<1x16xf32>,
      %get3A_56 = arith.index_cast %scan3A_29 : i32 to index
      %get3A_57 = arith.constant 32 : index
      %get3A_58 = tpu.vector_load %arg8[%get3A_56, %get3A_57] {strides = array<i32>} : memref<25x128xf32, #tpu.memory_space<vmem>>, vector<1x16xf32>,
      %get3A_59 = vector.shape_cast %get3A_58 : vector<1x16xf32> to vector<16xf32>
      %get3A_60 = arith.index_cast %scan3A_29 : i32 to index
      %get3A_61 = arith.constant 32 : index
      %get3A_62 = tpu.vector_load %arg9[%get3A_60, %get3A_61] {strides = array<i32>} : memref<25x128xf32, #tpu.memory_space<vmem>>, vector<1x16xf32>,
      %get3A_63 = vector.shape_cast %get3A_62 : vector<1x16xf32> to vector<16xf32>
      %add3A_64 = arith.addf %get3A_59, %get3A_63 : vector<16xf32>
      %swap3A_65 = arith.index_cast %scan3A_29 : i32 to index
      %swap3A_66 = arith.constant 32 : index
      %swap3A_67 = tpu.vector_load %arg10[%swap3A_65, %swap3A_66] {strides = array<i32>} : memref<25x128xf32, #tpu.memory_space<vmem>>, vector<1x16xf32>,
      %swap3A_68 = vector.shape_cast %swap3A_67 : vector<1x16xf32> to vector<16xf32>
      %swap3A_69 = vector.shape_cast %add3A_64 : vector<16xf32> to vector<1x16xf32>
      tpu.vector_store %arg10[%swap3A_65, %swap3A_66], %swap3A_69 {strides = array<i32>} : memref<25x128xf32, #tpu.memory_space<vmem>>, vector<1x16xf32>,
      %get3A_70 = arith.index_cast %scan3A_29 : i32 to index
      %get3A_71 = arith.constant 48 : index
      %get3A_72 = tpu.vector_load %arg8[%get3A_70, %get3A_71] {strides = array<i32>} : memref<25x128xf32, #tpu.memory_space<vmem>>, vector<1x16xf32>,
      %get3A_73 = vector.shape_cast %get3A_72 : vector<1x16xf32> to vector<16xf32>
      %get3A_74 = arith.index_cast %scan3A_29 : i32 to index
      %get3A_75 = arith.constant 48 : index
      %get3A_76 = tpu.vector_load %arg9[%get3A_74, %get3A_75] {strides = array<i32>} : memref<25x128xf32, #tpu.memory_space<vmem>>, vector<1x16xf32>,
      %get3A_77 = vector.shape_cast %get3A_76 : vector<1x16xf32> to vector<16xf32>
      %add3A_78 = arith.addf %get3A_73, %get3A_77 : vector<16xf32>
      %swap3A_79 = arith.index_cast %scan3A_29 : i32 to index
      %swap3A_80 = arith.constant 48 : index
      %swap3A_81 = tpu.vector_load %arg10[%swap3A_79, %swap3A_80] {strides = array<i32>} : memref<25x128xf32, #tpu.memory_space<vmem>>, vector<1x16xf32>,
      %swap3A_82 = vector.shape_cast %swap3A_81 : vector<1x16xf32> to vector<16xf32>
      %swap3A_83 = vector.shape_cast %add3A_78 : vector<16xf32> to vector<1x16xf32>
      tpu.vector_store %arg10[%swap3A_79, %swap3A_80], %swap3A_83 {strides = array<i32>} : memref<25x128xf32, #tpu.memory_space<vmem>>, vector<1x16xf32>,
      %get3A_84 = arith.index_cast %scan3A_29 : i32 to index
      %get3A_85 = arith.constant 64 : index
      %get3A_86 = tpu.vector_load %arg8[%get3A_84, %get3A_85] {strides = array<i32>} : memref<25x128xf32, #tpu.memory_space<vmem>>, vector<1x16xf32>,
      %get3A_87 = vector.shape_cast %get3A_86 : vector<1x16xf32> to vector<16xf32>
      %get3A_88 = arith.index_cast %scan3A_29 : i32 to index
      %get3A_89 = arith.constant 64 : index
      %get3A_90 = tpu.vector_load %arg9[%get3A_88, %get3A_89] {strides = array<i32>} : memref<25x128xf32, #tpu.memory_space<vmem>>, vector<1x16xf32>,
      %get3A_91 = vector.shape_cast %get3A_90 : vector<1x16xf32> to vector<16xf32>
      %add3A_92 = arith.addf %get3A_87, %get3A_91 : vector<16xf32>
      %swap3A_93 = arith.index_cast %scan3A_29 : i32 to index
      %swap3A_94 = arith.constant 64 : index
      %swap3A_95 = tpu.vector_load %arg10[%swap3A_93, %swap3A_94] {strides = array<i32>} : memref<25x128xf32, #tpu.memory_space<vmem>>, vector<1x16xf32>,
      %swap3A_96 = vector.shape_cast %swap3A_95 : vector<1x16xf32> to vector<16xf32>
      %swap3A_97 = vector.shape_cast %add3A_92 : vector<16xf32> to vector<1x16xf32>
      tpu.vector_store %arg10[%swap3A_93, %swap3A_94], %swap3A_97 {strides = array<i32>} : memref<25x128xf32, #tpu.memory_space<vmem>>, vector<1x16xf32>,
      %get3A_98 = arith.index_cast %scan3A_29 : i32 to index
      %get3A_99 = arith.constant 80 : index
      %get3A_100 = tpu.vector_load %arg8[%get3A_98, %get3A_99] {strides = array<i32>} : memref<25x128xf32, #tpu.memory_space<vmem>>, vector<1x16xf32>,
      %get3A_101 = vector.shape_cast %get3A_100 : vector<1x16xf32> to vector<16xf32>
      %get3A_102 = arith.index_cast %scan3A_29 : i32 to index
      %get3A_103 = arith.constant 80 : index
      %get3A_104 = tpu.vector_load %arg9[%get3A_102, %get3A_103] {strides = array<i32>} : memref<25x128xf32, #tpu.memory_space<vmem>>, vector<1x16xf32>,
      %get3A_105 = vector.shape_cast %get3A_104 : vector<1x16xf32> to vector<16xf32>
      %add3A_106 = arith.addf %get3A_101, %get3A_105 : vector<16xf32>
      %swap3A_107 = arith.index_cast %scan3A_29 : i32 to index
      %swap3A_108 = arith.constant 80 : index
      %swap3A_109 = tpu.vector_load %arg10[%swap3A_107, %swap3A_108] {strides = array<i32>} : memref<25x128xf32, #tpu.memory_space<vmem>>, vector<1x16xf32>,
      %swap3A_110 = vector.shape_cast %swap3A_109 : vector<1x16xf32> to vector<16xf32>
      %swap3A_111 = vector.shape_cast %add3A_106 : vector<16xf32> to vector<1x16xf32>
      tpu.vector_store %arg10[%swap3A_107, %swap3A_108], %swap3A_111 {strides = array<i32>} : memref<25x128xf32, #tpu.memory_space<vmem>>, vector<1x16xf32>,
      %get3A_112 = arith.index_cast %scan3A_29 : i32 to index
      %get3A_113 = arith.constant 96 : index
      %get3A_114 = tpu.vector_load %arg8[%get3A_112, %get3A_113] {strides = array<i32>} : memref<25x128xf32, #tpu.memory_space<vmem>>, vector<1x16xf32>,
      %get3A_115 = vector.shape_cast %get3A_114 : vector<1x16xf32> to vector<16xf32>
      %get3A_116 = arith.index_cast %scan3A_29 : i32 to index
      %get3A_117 = arith.constant 96 : index
      %get3A_118 = tpu.vector_load %arg9[%get3A_116, %get3A_117] {strides = array<i32>} : memref<25x128xf32, #tpu.memory_space<vmem>>, vector<1x16xf32>,
      %get3A_119 = vector.shape_cast %get3A_118 : vector<1x16xf32> to vector<16xf32>
      %add3A_120 = arith.addf %get3A_115, %get3A_119 : vector<16xf32>
      %swap3A_121 = arith.index_cast %scan3A_29 : i32 to index
      %swap3A_122 = arith.constant 96 : index
      %swap3A_123 = tpu.vector_load %arg10[%swap3A_121, %swap3A_122] {strides = array<i32>} : memref<25x128xf32, #tpu.memory_space<vmem>>, vector<1x16xf32>,
      %swap3A_124 = vector.shape_cast %swap3A_123 : vector<1x16xf32> to vector<16xf32>
      %swap3A_125 = vector.shape_cast %add3A_120 : vector<16xf32> to vector<1x16xf32>
      tpu.vector_store %arg10[%swap3A_121, %swap3A_122], %swap3A_125 {strides = array<i32>} : memref<25x128xf32, #tpu.memory_space<vmem>>, vector<1x16xf32>,
      %get3A_126 = arith.index_cast %scan3A_29 : i32 to index
      %get3A_127 = arith.constant 112 : index
      %get3A_128 = tpu.vector_load %arg8[%get3A_126, %get3A_127] {strides = array<i32>} : memref<25x128xf32, #tpu.memory_space<vmem>>, vector<1x16xf32>,
      %get3A_129 = vector.shape_cast %get3A_128 : vector<1x16xf32> to vector<16xf32>
      %get3A_130 = arith.index_cast %scan3A_29 : i32 to index
      %get3A_131 = arith.constant 112 : index
      %get3A_132 = tpu.vector_load %arg9[%get3A_130, %get3A_131] {strides = array<i32>} : memref<25x128xf32, #tpu.memory_space<vmem>>, vector<1x16xf32>,
      %get3A_133 = vector.shape_cast %get3A_132 : vector<1x16xf32> to vector<16xf32>
      %add3A_134 = arith.addf %get3A_129, %get3A_133 : vector<16xf32>
      %swap3A_135 = arith.index_cast %scan3A_29 : i32 to index
      %swap3A_136 = arith.constant 112 : index
      %swap3A_137 = tpu.vector_load %arg10[%swap3A_135, %swap3A_136] {strides = array<i32>} : memref<25x128xf32, #tpu.memory_space<vmem>>, vector<1x16xf32>,
      %swap3A_138 = vector.shape_cast %swap3A_137 : vector<1x16xf32> to vector<16xf32>
      %swap3A_139 = vector.shape_cast %add3A_134 : vector<16xf32> to vector<1x16xf32>
      tpu.vector_store %arg10[%swap3A_135, %swap3A_136], %swap3A_139 {strides = array<i32>} : memref<25x128xf32, #tpu.memory_space<vmem>>, vector<1x16xf32>,
    }
    %scan3A_28 = arith.constant 25 : i32
    "tpu.region"() ({
      %run_scoped3A = tpu.sem_alloc : memref<!tpu.dma_semaphore, #tpu.memory_space<semaphore_mem>>
      %dma_start3A = arith.constant 0 : i32
      %dma_start3A_29 = arith.constant 0 : i32
      %dma_start3A_30 = tpu.memref_slice %arg5[%add3A, %dma_start3A, %dma_start3A_29] : memref<32x25x128xf32, #tpu.memory_space<hbm>> -> memref<1x25x128xf32, #tpu.memory_space<hbm>>
      %dma_start3A_31 = tpu.memref_squeeze %dma_start3A_30 : memref<1x25x128xf32, #tpu.memory_space<hbm>> -> memref<25x128xf32, #tpu.memory_space<hbm>>
      %dma_start3A_32 = arith.constant 0 : i32
      %dma_start3A_33 = arith.constant 0 : i32
      %dma_start3A_34 = tpu.memref_slice %arg5[%add3A, %dma_start3A_32, %dma_start3A_33] : memref<32x25x128xf32, #tpu.memory_space<hbm>> -> memref<1x25x128xf32, #tpu.memory_space<hbm>>
      %dma_start3A_35 = tpu.memref_squeeze %dma_start3A_34 : memref<1x25x128xf32, #tpu.memory_space<hbm>> -> memref<25x128xf32, #tpu.memory_space<hbm>>
      tpu.enqueue_dma source(%arg10 : memref<25x128xf32, #tpu.memory_space<vmem>>) target(%dma_start3A_35 : memref<25x128xf32, #tpu.memory_space<hbm>>) target_semaphore(%run_scoped3A : memref<!tpu.dma_semaphore, #tpu.memory_space<semaphore_mem>>)
      %dma_wait3A_36 = arith.constant 0 : i32
      %dma_wait3A_37 = arith.constant 0 : i32
      %dma_wait3A_38 = tpu.memref_slice %arg5[%add3A, %dma_wait3A_36, %dma_wait3A_37] : memref<32x25x128xf32, #tpu.memory_space<hbm>> -> memref<1x25x128xf32, #tpu.memory_space<hbm>>
      %dma_wait3A_39 = tpu.memref_squeeze %dma_wait3A_38 : memref<1x25x128xf32, #tpu.memory_space<hbm>> -> memref<25x128xf32, #tpu.memory_space<hbm>>
      %dma_wait3A_40 = arith.constant 0 : i32
      %dma_wait3A_41 = arith.constant 0 : i32
      %dma_wait3A_42 = tpu.memref_slice %arg5[%add3A, %dma_wait3A_40, %dma_wait3A_41] : memref<32x25x128xf32, #tpu.memory_space<hbm>> -> memref<1x25x128xf32, #tpu.memory_space<hbm>>
      %dma_wait3A_43 = tpu.memref_squeeze %dma_wait3A_42 : memref<1x25x128xf32, #tpu.memory_space<hbm>> -> memref<25x128xf32, #tpu.memory_space<hbm>>
      tpu.wait_dma2 semaphore(%run_scoped3A : memref<!tpu.dma_semaphore, #tpu.memory_space<semaphore_mem>>) src(%arg10 : memref<25x128xf32, #tpu.memory_space<vmem>>) dst(%dma_wait3A_43 : memref<25x128xf32, #tpu.memory_space<hbm>>)
      tpu.yield
    }) : () -> ()
    return
  }
}

#map = affine_map<(d0, d1) -> (0, 0)>
#map1 = affine_map<(d0, d1) -> (0, 0, 0)>
module attributes {stable_mosaic.version = 14 : i64} {
  func.func @_seg_pass(%arg0: i32, %arg1: i32, %arg2: memref<2560x128xi32, #tpu.memory_space<hbm>>, %arg3: memref<2560x128xi32, #tpu.memory_space<hbm>>, %arg4: memref<10000x128xf32, #tpu.memory_space<hbm>>, %arg5: memref<10112x128xf32, #tpu.memory_space<hbm>>, %arg6: memref<2x10000x128xf32, #tpu.memory_space<hbm>>, %arg7: memref<40x128xi32, #tpu.memory_space<vmem>>, %arg8: memref<40x128xi32, #tpu.memory_space<vmem>>, %arg9: memref<128x128xf32, #tpu.memory_space<vmem>>, %arg10: memref<128x128xf32, #tpu.memory_space<vmem>>, %arg11: memref<10112x128xf32, #tpu.memory_space<vmem_shared>>, %arg12: memref<!tpu.dma_semaphore, #tpu.memory_space<semaphore_mem>>, %arg13: memref<!tpu.dma_semaphore, #tpu.memory_space<semaphore_mem>>) attributes {dimension_semantics = [#tpu.dimension_semantics<core_parallel>, #tpu.dimension_semantics<subcore_parallel>], iteration_bounds = array<i64: 2, 16>, scalar_prefetch = 0 : i64, scratch_operands = 7 : i64, tpu.core_type = #tpu.core_type<sc_vector_subcore>, window_params = [{transform_indices = #map}, {transform_indices = #map}, {transform_indices = #map}, {transform_indices = #map}, {transform_indices = #map1}]} {
    %mul3A = arith.constant 632 : i32
    %mul3A_0 = arith.muli %arg1, %mul3A : i32
    "tpu.region"() ({
      %run_scoped3A = tpu.sem_alloc : memref<!tpu.dma_semaphore, #tpu.memory_space<semaphore_mem>>
      %dma_start3A_42 = arith.constant 0 : i32
      %dma_start3A_43 = tpu.memref_slice %arg11[%mul3A_0, %dma_start3A_42] : memref<10112x128xf32, #tpu.memory_space<vmem_shared>> -> memref<632x128xf32, #tpu.memory_space<vmem_shared>>
      %dma_start3A_44 = arith.constant 0 : i32
      %dma_start3A_45 = tpu.memref_slice %arg5[%mul3A_0, %dma_start3A_44] : memref<10112x128xf32, #tpu.memory_space<hbm>> -> memref<632x128xf32, #tpu.memory_space<hbm>>
      tpu.enqueue_dma source(%dma_start3A_45 : memref<632x128xf32, #tpu.memory_space<hbm>>) target(%dma_start3A_43 : memref<632x128xf32, #tpu.memory_space<vmem_shared>>) target_semaphore(%run_scoped3A : memref<!tpu.dma_semaphore, #tpu.memory_space<semaphore_mem>>)
      %dma_wait3A = arith.constant 0 : i32
      %dma_wait3A_46 = tpu.memref_slice %arg11[%mul3A_0, %dma_wait3A] : memref<10112x128xf32, #tpu.memory_space<vmem_shared>> -> memref<632x128xf32, #tpu.memory_space<vmem_shared>>
      %dma_wait3A_47 = arith.constant 0 : i32
      %dma_wait3A_48 = tpu.memref_slice %arg5[%mul3A_0, %dma_wait3A_47] : memref<10112x128xf32, #tpu.memory_space<hbm>> -> memref<632x128xf32, #tpu.memory_space<hbm>>
      tpu.wait_dma2 semaphore(%run_scoped3A : memref<!tpu.dma_semaphore, #tpu.memory_space<semaphore_mem>>) src(%dma_wait3A_48 : memref<632x128xf32, #tpu.memory_space<hbm>>) dst(%dma_wait3A_46 : memref<632x128xf32, #tpu.memory_space<vmem_shared>>)
      tpu.yield
    }) : () -> ()
    %mul3A_1 = arith.constant 1280 : i32
    %mul3A_2 = arith.muli %arg0, %mul3A_1 : i32
    %mul3A_3 = arith.constant 80 : i32
    %mul3A_4 = arith.muli %arg1, %mul3A_3 : i32
    %add3A = arith.addi %mul3A_2, %mul3A_4 : i32
    %barrier3A = arith.constant 0 : index
    tpu.barrier barrier_id(%barrier3A)
    %add3A_5 = arith.constant 0 : i32
    %add3A_6 = arith.addi %add3A, %add3A_5 : i32
    "tpu.region"() ({
      %run_scoped3A = tpu.sem_alloc : memref<!tpu.dma_semaphore, #tpu.memory_space<semaphore_mem>>
      %dma_start3A_42 = arith.constant 0 : i32
      %dma_start3A_43 = tpu.memref_slice %arg2[%add3A_6, %dma_start3A_42] : memref<2560x128xi32, #tpu.memory_space<hbm>> -> memref<40x128xi32, #tpu.memory_space<hbm>>
      %dma_start3A_44 = arith.constant 0 : i32
      %dma_start3A_45 = tpu.memref_slice %arg2[%add3A_6, %dma_start3A_44] : memref<2560x128xi32, #tpu.memory_space<hbm>> -> memref<40x128xi32, #tpu.memory_space<hbm>>
      tpu.enqueue_dma source(%dma_start3A_45 : memref<40x128xi32, #tpu.memory_space<hbm>>) target(%arg7 : memref<40x128xi32, #tpu.memory_space<vmem>>) target_semaphore(%run_scoped3A : memref<!tpu.dma_semaphore, #tpu.memory_space<semaphore_mem>>)
      %dma_wait3A = arith.constant 0 : i32
      %dma_wait3A_46 = tpu.memref_slice %arg2[%add3A_6, %dma_wait3A] : memref<2560x128xi32, #tpu.memory_space<hbm>> -> memref<40x128xi32, #tpu.memory_space<hbm>>
      %dma_wait3A_47 = arith.constant 0 : i32
      %dma_wait3A_48 = tpu.memref_slice %arg2[%add3A_6, %dma_wait3A_47] : memref<2560x128xi32, #tpu.memory_space<hbm>> -> memref<40x128xi32, #tpu.memory_space<hbm>>
      tpu.wait_dma2 semaphore(%run_scoped3A : memref<!tpu.dma_semaphore, #tpu.memory_space<semaphore_mem>>) src(%dma_wait3A_48 : memref<40x128xi32, #tpu.memory_space<hbm>>) dst(%arg7 : memref<40x128xi32, #tpu.memory_space<vmem>>)
      tpu.yield
    }) : () -> ()
    %add3A_7 = arith.constant 0 : i32
    %add3A_8 = arith.addi %add3A, %add3A_7 : i32
    "tpu.region"() ({
      %run_scoped3A = tpu.sem_alloc : memref<!tpu.dma_semaphore, #tpu.memory_space<semaphore_mem>>
      %dma_start3A_42 = arith.constant 0 : i32
      %dma_start3A_43 = tpu.memref_slice %arg3[%add3A_8, %dma_start3A_42] : memref<2560x128xi32, #tpu.memory_space<hbm>> -> memref<40x128xi32, #tpu.memory_space<hbm>>
      %dma_start3A_44 = arith.constant 0 : i32
      %dma_start3A_45 = tpu.memref_slice %arg3[%add3A_8, %dma_start3A_44] : memref<2560x128xi32, #tpu.memory_space<hbm>> -> memref<40x128xi32, #tpu.memory_space<hbm>>
      tpu.enqueue_dma source(%dma_start3A_45 : memref<40x128xi32, #tpu.memory_space<hbm>>) target(%arg8 : memref<40x128xi32, #tpu.memory_space<vmem>>) target_semaphore(%run_scoped3A : memref<!tpu.dma_semaphore, #tpu.memory_space<semaphore_mem>>)
      %dma_wait3A = arith.constant 0 : i32
      %dma_wait3A_46 = tpu.memref_slice %arg3[%add3A_8, %dma_wait3A] : memref<2560x128xi32, #tpu.memory_space<hbm>> -> memref<40x128xi32, #tpu.memory_space<hbm>>
      %dma_wait3A_47 = arith.constant 0 : i32
      %dma_wait3A_48 = tpu.memref_slice %arg3[%add3A_8, %dma_wait3A_47] : memref<2560x128xi32, #tpu.memory_space<hbm>> -> memref<40x128xi32, #tpu.memory_space<hbm>>
      tpu.wait_dma2 semaphore(%run_scoped3A : memref<!tpu.dma_semaphore, #tpu.memory_space<semaphore_mem>>) src(%dma_wait3A_48 : memref<40x128xi32, #tpu.memory_space<hbm>>) dst(%arg8 : memref<40x128xi32, #tpu.memory_space<vmem>>)
      tpu.yield
    }) : () -> ()
    %dma_start3A = arith.constant 0 : i32
    %dma_start3A_9 = arith.constant 0 : i32
    %dma_start3A_10 = tpu.memref_slice %arg7[%dma_start3A, %dma_start3A_9] : memref<40x128xi32, #tpu.memory_space<vmem>> -> memref<1x128xi32, #tpu.memory_space<vmem>>
    %dma_start3A_11 = tpu.memref_squeeze %dma_start3A_10 : memref<1x128xi32, #tpu.memory_space<vmem>> -> memref<128xi32, #tpu.memory_space<vmem>>
    %dma_start3A_12 = arith.constant 0 : i32
    %dma_start3A_13 = arith.constant 0 : i32
    %dma_start3A_14 = tpu.memref_slice %arg4[%dma_start3A_12, %dma_start3A_13] : memref<10000x128xf32, #tpu.memory_space<hbm>> -> memref<10000x128xf32, #tpu.memory_space<hbm>>
    tpu.enqueue_indirect_dma source(%dma_start3A_14 : memref<10000x128xf32, #tpu.memory_space<hbm>>) target(%arg9 : memref<128x128xf32, #tpu.memory_space<vmem>>) offsets(%dma_start3A_11 : memref<128xi32, #tpu.memory_space<vmem>>) semaphore(%arg12 : memref<!tpu.dma_semaphore, #tpu.memory_space<semaphore_mem>>)
    %scan3A = arith.constant 0 : i32
    %scan3A_15 = arith.constant 0 : i32
    %scan3A_16 = arith.constant 20 : i32
    %scan3A_17 = arith.addi %scan3A_15, %scan3A_16 : i32
    %scan3A_18 = arith.constant 1 : i32
    scf.for %scan3A_42 = %scan3A_15 to %scan3A_17 step %scan3A_18  : i32 {
      %mul3A_43 = arith.constant 2 : i32
      %mul3A_44 = arith.muli %mul3A_43, %scan3A_42 : i32
      %add3A_45 = arith.constant 1 : i32
      %add3A_46 = arith.addi %mul3A_44, %add3A_45 : i32
      %dma_start3A_47 = arith.constant 0 : i32
      %dma_start3A_48 = tpu.memref_slice %arg7[%add3A_46, %dma_start3A_47] : memref<40x128xi32, #tpu.memory_space<vmem>> -> memref<1x128xi32, #tpu.memory_space<vmem>>
      %dma_start3A_49 = tpu.memref_squeeze %dma_start3A_48 : memref<1x128xi32, #tpu.memory_space<vmem>> -> memref<128xi32, #tpu.memory_space<vmem>>
      %dma_start3A_50 = arith.constant 0 : i32
      %dma_start3A_51 = arith.constant 0 : i32
      %dma_start3A_52 = tpu.memref_slice %arg4[%dma_start3A_50, %dma_start3A_51] : memref<10000x128xf32, #tpu.memory_space<hbm>> -> memref<10000x128xf32, #tpu.memory_space<hbm>>
      tpu.enqueue_indirect_dma source(%dma_start3A_52 : memref<10000x128xf32, #tpu.memory_space<hbm>>) target(%arg10 : memref<128x128xf32, #tpu.memory_space<vmem>>) offsets(%dma_start3A_49 : memref<128xi32, #tpu.memory_space<vmem>>) semaphore(%arg13 : memref<!tpu.dma_semaphore, #tpu.memory_space<semaphore_mem>>)
      %dma_wait3A = arith.constant 0 : i32
      %dma_wait3A_53 = arith.constant 0 : i32
      %dma_wait3A_54 = tpu.memref_slice %arg4[%dma_wait3A, %dma_wait3A_53] : memref<10000x128xf32, #tpu.memory_space<hbm>> -> memref<128x128xf32, #tpu.memory_space<hbm>>
      %dma_wait3A_55 = arith.constant 0 : i32
      %dma_wait3A_56 = arith.constant 0 : i32
      %dma_wait3A_57 = tpu.memref_slice %arg4[%dma_wait3A_55, %dma_wait3A_56] : memref<10000x128xf32, #tpu.memory_space<hbm>> -> memref<128x128xf32, #tpu.memory_space<hbm>>
      tpu.wait_dma2 semaphore(%arg12 : memref<!tpu.dma_semaphore, #tpu.memory_space<semaphore_mem>>) src(%dma_wait3A_57 : memref<128x128xf32, #tpu.memory_space<hbm>>) dst(%arg9 : memref<128x128xf32, #tpu.memory_space<vmem>>)
      "tpu.region"() ({
        %run_scoped3A = tpu.sem_alloc : memref<!tpu.dma_semaphore, #tpu.memory_space<semaphore_mem>>
        %dma_start3A_72 = arith.constant 0 : i32
        %dma_start3A_73 = tpu.memref_slice %arg8[%mul3A_44, %dma_start3A_72] : memref<40x128xi32, #tpu.memory_space<vmem>> -> memref<1x128xi32, #tpu.memory_space<vmem>>
        %dma_start3A_74 = tpu.memref_squeeze %dma_start3A_73 : memref<1x128xi32, #tpu.memory_space<vmem>> -> memref<128xi32, #tpu.memory_space<vmem>>
        %dma_start3A_75 = arith.constant 0 : i32
        %dma_start3A_76 = arith.constant 0 : i32
        %dma_start3A_77 = tpu.memref_slice %arg11[%dma_start3A_75, %dma_start3A_76] : memref<10112x128xf32, #tpu.memory_space<vmem_shared>> -> memref<10112x128xf32, #tpu.memory_space<vmem_shared>>
        tpu.enqueue_indirect_dma source(%arg9 : memref<128x128xf32, #tpu.memory_space<vmem>>) target(%dma_start3A_77 : memref<10112x128xf32, #tpu.memory_space<vmem_shared>>) offsets(%dma_start3A_74 : memref<128xi32, #tpu.memory_space<vmem>>) semaphore(%run_scoped3A : memref<!tpu.dma_semaphore, #tpu.memory_space<semaphore_mem>>) {add = true}
        %dma_wait3A_78 = arith.constant 0 : i32
        %dma_wait3A_79 = tpu.memref_slice %arg8[%mul3A_44, %dma_wait3A_78] : memref<40x128xi32, #tpu.memory_space<vmem>> -> memref<1x128xi32, #tpu.memory_space<vmem>>
        %dma_wait3A_80 = tpu.memref_squeeze %dma_wait3A_79 : memref<1x128xi32, #tpu.memory_space<vmem>> -> memref<128xi32, #tpu.memory_space<vmem>>
        %dma_wait3A_81 = arith.constant 0 : i32
        %dma_wait3A_82 = arith.constant 0 : i32
        %dma_wait3A_83 = tpu.memref_slice %arg11[%dma_wait3A_81, %dma_wait3A_82] : memref<10112x128xf32, #tpu.memory_space<vmem_shared>> -> memref<10112x128xf32, #tpu.memory_space<vmem_shared>>
        tpu.wait_indirect_dma semaphore(%run_scoped3A : memref<!tpu.dma_semaphore, #tpu.memory_space<semaphore_mem>>) src(%arg9 : memref<128x128xf32, #tpu.memory_space<vmem>>) dst(%dma_wait3A_83 : memref<10112x128xf32, #tpu.memory_space<vmem_shared>>)
        tpu.yield
      }) : () -> ()
      %add3A_58 = arith.constant 2 : i32
      %add3A_59 = arith.addi %mul3A_44, %add3A_58 : i32
      %lt3A = arith.constant 40 : i32
      %lt3A_60 = arith.cmpi slt, %add3A_59, %lt3A : i32
      %convert_element_type3A_61 = arith.extui %lt3A_60 : i1 to i32
      %cond3A_62 = arith.constant 0 : i32
      %cond3A_63 = arith.cmpi ne, %convert_element_type3A_61, %cond3A_62 : i32
      scf.if %cond3A_63 {
        %add3A_72 = arith.constant 2 : i32
        %add3A_73 = arith.addi %mul3A_44, %add3A_72 : i32
        %dma_start3A_74 = arith.constant 0 : i32
        %dma_start3A_75 = tpu.memref_slice %arg7[%add3A_73, %dma_start3A_74] : memref<40x128xi32, #tpu.memory_space<vmem>> -> memref<1x128xi32, #tpu.memory_space<vmem>>
        %dma_start3A_76 = tpu.memref_squeeze %dma_start3A_75 : memref<1x128xi32, #tpu.memory_space<vmem>> -> memref<128xi32, #tpu.memory_space<vmem>>
        %dma_start3A_77 = arith.constant 0 : i32
        %dma_start3A_78 = arith.constant 0 : i32
        %dma_start3A_79 = tpu.memref_slice %arg4[%dma_start3A_77, %dma_start3A_78] : memref<10000x128xf32, #tpu.memory_space<hbm>> -> memref<10000x128xf32, #tpu.memory_space<hbm>>
        tpu.enqueue_indirect_dma source(%dma_start3A_79 : memref<10000x128xf32, #tpu.memory_space<hbm>>) target(%arg9 : memref<128x128xf32, #tpu.memory_space<vmem>>) offsets(%dma_start3A_76 : memref<128xi32, #tpu.memory_space<vmem>>) semaphore(%arg12 : memref<!tpu.dma_semaphore, #tpu.memory_space<semaphore_mem>>)
      } else {
      }
      %dma_wait3A_64 = arith.constant 0 : i32
      %dma_wait3A_65 = arith.constant 0 : i32
      %dma_wait3A_66 = tpu.memref_slice %arg4[%dma_wait3A_64, %dma_wait3A_65] : memref<10000x128xf32, #tpu.memory_space<hbm>> -> memref<128x128xf32, #tpu.memory_space<hbm>>
      %dma_wait3A_67 = arith.constant 0 : i32
      %dma_wait3A_68 = arith.constant 0 : i32
      %dma_wait3A_69 = tpu.memref_slice %arg4[%dma_wait3A_67, %dma_wait3A_68] : memref<10000x128xf32, #tpu.memory_space<hbm>> -> memref<128x128xf32, #tpu.memory_space<hbm>>
      tpu.wait_dma2 semaphore(%arg13 : memref<!tpu.dma_semaphore, #tpu.memory_space<semaphore_mem>>) src(%dma_wait3A_69 : memref<128x128xf32, #tpu.memory_space<hbm>>) dst(%arg10 : memref<128x128xf32, #tpu.memory_space<vmem>>)
      %add3A_70 = arith.constant 1 : i32
      %add3A_71 = arith.addi %mul3A_44, %add3A_70 : i32
      "tpu.region"() ({
        %run_scoped3A = tpu.sem_alloc : memref<!tpu.dma_semaphore, #tpu.memory_space<semaphore_mem>>
        %dma_start3A_72 = arith.constant 0 : i32
        %dma_start3A_73 = tpu.memref_slice %arg8[%add3A_71, %dma_start3A_72] : memref<40x128xi32, #tpu.memory_space<vmem>> -> memref<1x128xi32, #tpu.memory_space<vmem>>
        %dma_start3A_74 = tpu.memref_squeeze %dma_start3A_73 : memref<1x128xi32, #tpu.memory_space<vmem>> -> memref<128xi32, #tpu.memory_space<vmem>>
        %dma_start3A_75 = arith.constant 0 : i32
        %dma_start3A_76 = arith.constant 0 : i32
        %dma_start3A_77 = tpu.memref_slice %arg11[%dma_start3A_75, %dma_start3A_76] : memref<10112x128xf32, #tpu.memory_space<vmem_shared>> -> memref<10112x128xf32, #tpu.memory_space<vmem_shared>>
        tpu.enqueue_indirect_dma source(%arg10 : memref<128x128xf32, #tpu.memory_space<vmem>>) target(%dma_start3A_77 : memref<10112x128xf32, #tpu.memory_space<vmem_shared>>) offsets(%dma_start3A_74 : memref<128xi32, #tpu.memory_space<vmem>>) semaphore(%run_scoped3A : memref<!tpu.dma_semaphore, #tpu.memory_space<semaphore_mem>>) {add = true}
        %dma_wait3A_78 = arith.constant 0 : i32
        %dma_wait3A_79 = tpu.memref_slice %arg8[%add3A_71, %dma_wait3A_78] : memref<40x128xi32, #tpu.memory_space<vmem>> -> memref<1x128xi32, #tpu.memory_space<vmem>>
        %dma_wait3A_80 = tpu.memref_squeeze %dma_wait3A_79 : memref<1x128xi32, #tpu.memory_space<vmem>> -> memref<128xi32, #tpu.memory_space<vmem>>
        %dma_wait3A_81 = arith.constant 0 : i32
        %dma_wait3A_82 = arith.constant 0 : i32
        %dma_wait3A_83 = tpu.memref_slice %arg11[%dma_wait3A_81, %dma_wait3A_82] : memref<10112x128xf32, #tpu.memory_space<vmem_shared>> -> memref<10112x128xf32, #tpu.memory_space<vmem_shared>>
        tpu.wait_indirect_dma semaphore(%run_scoped3A : memref<!tpu.dma_semaphore, #tpu.memory_space<semaphore_mem>>) src(%arg10 : memref<128x128xf32, #tpu.memory_space<vmem>>) dst(%dma_wait3A_83 : memref<10112x128xf32, #tpu.memory_space<vmem_shared>>)
        tpu.yield
      }) : () -> ()
    }
    %scan3A_19 = arith.constant 20 : i32
    %add3A_20 = arith.constant 40 : i32
    %add3A_21 = arith.addi %add3A, %add3A_20 : i32
    "tpu.region"() ({
      %run_scoped3A = tpu.sem_alloc : memref<!tpu.dma_semaphore, #tpu.memory_space<semaphore_mem>>
      %dma_start3A_42 = arith.constant 0 : i32
      %dma_start3A_43 = tpu.memref_slice %arg2[%add3A_21, %dma_start3A_42] : memref<2560x128xi32, #tpu.memory_space<hbm>> -> memref<40x128xi32, #tpu.memory_space<hbm>>
      %dma_start3A_44 = arith.constant 0 : i32
      %dma_start3A_45 = tpu.memref_slice %arg2[%add3A_21, %dma_start3A_44] : memref<2560x128xi32, #tpu.memory_space<hbm>> -> memref<40x128xi32, #tpu.memory_space<hbm>>
      tpu.enqueue_dma source(%dma_start3A_45 : memref<40x128xi32, #tpu.memory_space<hbm>>) target(%arg7 : memref<40x128xi32, #tpu.memory_space<vmem>>) target_semaphore(%run_scoped3A : memref<!tpu.dma_semaphore, #tpu.memory_space<semaphore_mem>>)
      %dma_wait3A = arith.constant 0 : i32
      %dma_wait3A_46 = tpu.memref_slice %arg2[%add3A_21, %dma_wait3A] : memref<2560x128xi32, #tpu.memory_space<hbm>> -> memref<40x128xi32, #tpu.memory_space<hbm>>
      %dma_wait3A_47 = arith.constant 0 : i32
      %dma_wait3A_48 = tpu.memref_slice %arg2[%add3A_21, %dma_wait3A_47] : memref<2560x128xi32, #tpu.memory_space<hbm>> -> memref<40x128xi32, #tpu.memory_space<hbm>>
      tpu.wait_dma2 semaphore(%run_scoped3A : memref<!tpu.dma_semaphore, #tpu.memory_space<semaphore_mem>>) src(%dma_wait3A_48 : memref<40x128xi32, #tpu.memory_space<hbm>>) dst(%arg7 : memref<40x128xi32, #tpu.memory_space<vmem>>)
      tpu.yield
    }) : () -> ()
    %add3A_22 = arith.constant 40 : i32
    %add3A_23 = arith.addi %add3A, %add3A_22 : i32
    "tpu.region"() ({
      %run_scoped3A = tpu.sem_alloc : memref<!tpu.dma_semaphore, #tpu.memory_space<semaphore_mem>>
      %dma_start3A_42 = arith.constant 0 : i32
      %dma_start3A_43 = tpu.memref_slice %arg3[%add3A_23, %dma_start3A_42] : memref<2560x128xi32, #tpu.memory_space<hbm>> -> memref<40x128xi32, #tpu.memory_space<hbm>>
      %dma_start3A_44 = arith.constant 0 : i32
      %dma_start3A_45 = tpu.memref_slice %arg3[%add3A_23, %dma_start3A_44] : memref<2560x128xi32, #tpu.memory_space<hbm>> -> memref<40x128xi32, #tpu.memory_space<hbm>>
      tpu.enqueue_dma source(%dma_start3A_45 : memref<40x128xi32, #tpu.memory_space<hbm>>) target(%arg8 : memref<40x128xi32, #tpu.memory_space<vmem>>) target_semaphore(%run_scoped3A : memref<!tpu.dma_semaphore, #tpu.memory_space<semaphore_mem>>)
      %dma_wait3A = arith.constant 0 : i32
      %dma_wait3A_46 = tpu.memref_slice %arg3[%add3A_23, %dma_wait3A] : memref<2560x128xi32, #tpu.memory_space<hbm>> -> memref<40x128xi32, #tpu.memory_space<hbm>>
      %dma_wait3A_47 = arith.constant 0 : i32
      %dma_wait3A_48 = tpu.memref_slice %arg3[%add3A_23, %dma_wait3A_47] : memref<2560x128xi32, #tpu.memory_space<hbm>> -> memref<40x128xi32, #tpu.memory_space<hbm>>
      tpu.wait_dma2 semaphore(%run_scoped3A : memref<!tpu.dma_semaphore, #tpu.memory_space<semaphore_mem>>) src(%dma_wait3A_48 : memref<40x128xi32, #tpu.memory_space<hbm>>) dst(%arg8 : memref<40x128xi32, #tpu.memory_space<vmem>>)
      tpu.yield
    }) : () -> ()
    %dma_start3A_24 = arith.constant 0 : i32
    %dma_start3A_25 = arith.constant 0 : i32
    %dma_start3A_26 = tpu.memref_slice %arg7[%dma_start3A_24, %dma_start3A_25] : memref<40x128xi32, #tpu.memory_space<vmem>> -> memref<1x128xi32, #tpu.memory_space<vmem>>
    %dma_start3A_27 = tpu.memref_squeeze %dma_start3A_26 : memref<1x128xi32, #tpu.memory_space<vmem>> -> memref<128xi32, #tpu.memory_space<vmem>>
    %dma_start3A_28 = arith.constant 0 : i32
    %dma_start3A_29 = arith.constant 0 : i32
    %dma_start3A_30 = tpu.memref_slice %arg4[%dma_start3A_28, %dma_start3A_29] : memref<10000x128xf32, #tpu.memory_space<hbm>> -> memref<10000x128xf32, #tpu.memory_space<hbm>>
    tpu.enqueue_indirect_dma source(%dma_start3A_30 : memref<10000x128xf32, #tpu.memory_space<hbm>>) target(%arg9 : memref<128x128xf32, #tpu.memory_space<vmem>>) offsets(%dma_start3A_27 : memref<128xi32, #tpu.memory_space<vmem>>) semaphore(%arg12 : memref<!tpu.dma_semaphore, #tpu.memory_space<semaphore_mem>>)
    %scan3A_31 = arith.constant 0 : i32
    %scan3A_32 = arith.constant 0 : i32
    %scan3A_33 = arith.constant 20 : i32
    %scan3A_34 = arith.addi %scan3A_32, %scan3A_33 : i32
    %scan3A_35 = arith.constant 1 : i32
    scf.for %scan3A_42 = %scan3A_32 to %scan3A_34 step %scan3A_35  : i32 {
      %mul3A_43 = arith.constant 2 : i32
      %mul3A_44 = arith.muli %mul3A_43, %scan3A_42 : i32
      %add3A_45 = arith.constant 1 : i32
      %add3A_46 = arith.addi %mul3A_44, %add3A_45 : i32
      %dma_start3A_47 = arith.constant 0 : i32
      %dma_start3A_48 = tpu.memref_slice %arg7[%add3A_46, %dma_start3A_47] : memref<40x128xi32, #tpu.memory_space<vmem>> -> memref<1x128xi32, #tpu.memory_space<vmem>>
      %dma_start3A_49 = tpu.memref_squeeze %dma_start3A_48 : memref<1x128xi32, #tpu.memory_space<vmem>> -> memref<128xi32, #tpu.memory_space<vmem>>
      %dma_start3A_50 = arith.constant 0 : i32
      %dma_start3A_51 = arith.constant 0 : i32
      %dma_start3A_52 = tpu.memref_slice %arg4[%dma_start3A_50, %dma_start3A_51] : memref<10000x128xf32, #tpu.memory_space<hbm>> -> memref<10000x128xf32, #tpu.memory_space<hbm>>
      tpu.enqueue_indirect_dma source(%dma_start3A_52 : memref<10000x128xf32, #tpu.memory_space<hbm>>) target(%arg10 : memref<128x128xf32, #tpu.memory_space<vmem>>) offsets(%dma_start3A_49 : memref<128xi32, #tpu.memory_space<vmem>>) semaphore(%arg13 : memref<!tpu.dma_semaphore, #tpu.memory_space<semaphore_mem>>)
      %dma_wait3A = arith.constant 0 : i32
      %dma_wait3A_53 = arith.constant 0 : i32
      %dma_wait3A_54 = tpu.memref_slice %arg4[%dma_wait3A, %dma_wait3A_53] : memref<10000x128xf32, #tpu.memory_space<hbm>> -> memref<128x128xf32, #tpu.memory_space<hbm>>
      %dma_wait3A_55 = arith.constant 0 : i32
      %dma_wait3A_56 = arith.constant 0 : i32
      %dma_wait3A_57 = tpu.memref_slice %arg4[%dma_wait3A_55, %dma_wait3A_56] : memref<10000x128xf32, #tpu.memory_space<hbm>> -> memref<128x128xf32, #tpu.memory_space<hbm>>
      tpu.wait_dma2 semaphore(%arg12 : memref<!tpu.dma_semaphore, #tpu.memory_space<semaphore_mem>>) src(%dma_wait3A_57 : memref<128x128xf32, #tpu.memory_space<hbm>>) dst(%arg9 : memref<128x128xf32, #tpu.memory_space<vmem>>)
      "tpu.region"() ({
        %run_scoped3A = tpu.sem_alloc : memref<!tpu.dma_semaphore, #tpu.memory_space<semaphore_mem>>
        %dma_start3A_72 = arith.constant 0 : i32
        %dma_start3A_73 = tpu.memref_slice %arg8[%mul3A_44, %dma_start3A_72] : memref<40x128xi32, #tpu.memory_space<vmem>> -> memref<1x128xi32, #tpu.memory_space<vmem>>
        %dma_start3A_74 = tpu.memref_squeeze %dma_start3A_73 : memref<1x128xi32, #tpu.memory_space<vmem>> -> memref<128xi32, #tpu.memory_space<vmem>>
        %dma_start3A_75 = arith.constant 0 : i32
        %dma_start3A_76 = arith.constant 0 : i32
        %dma_start3A_77 = tpu.memref_slice %arg11[%dma_start3A_75, %dma_start3A_76] : memref<10112x128xf32, #tpu.memory_space<vmem_shared>> -> memref<10112x128xf32, #tpu.memory_space<vmem_shared>>
        tpu.enqueue_indirect_dma source(%arg9 : memref<128x128xf32, #tpu.memory_space<vmem>>) target(%dma_start3A_77 : memref<10112x128xf32, #tpu.memory_space<vmem_shared>>) offsets(%dma_start3A_74 : memref<128xi32, #tpu.memory_space<vmem>>) semaphore(%run_scoped3A : memref<!tpu.dma_semaphore, #tpu.memory_space<semaphore_mem>>) {add = true}
        %dma_wait3A_78 = arith.constant 0 : i32
        %dma_wait3A_79 = tpu.memref_slice %arg8[%mul3A_44, %dma_wait3A_78] : memref<40x128xi32, #tpu.memory_space<vmem>> -> memref<1x128xi32, #tpu.memory_space<vmem>>
        %dma_wait3A_80 = tpu.memref_squeeze %dma_wait3A_79 : memref<1x128xi32, #tpu.memory_space<vmem>> -> memref<128xi32, #tpu.memory_space<vmem>>
        %dma_wait3A_81 = arith.constant 0 : i32
        %dma_wait3A_82 = arith.constant 0 : i32
        %dma_wait3A_83 = tpu.memref_slice %arg11[%dma_wait3A_81, %dma_wait3A_82] : memref<10112x128xf32, #tpu.memory_space<vmem_shared>> -> memref<10112x128xf32, #tpu.memory_space<vmem_shared>>
        tpu.wait_indirect_dma semaphore(%run_scoped3A : memref<!tpu.dma_semaphore, #tpu.memory_space<semaphore_mem>>) src(%arg9 : memref<128x128xf32, #tpu.memory_space<vmem>>) dst(%dma_wait3A_83 : memref<10112x128xf32, #tpu.memory_space<vmem_shared>>)
        tpu.yield
      }) : () -> ()
      %add3A_58 = arith.constant 2 : i32
      %add3A_59 = arith.addi %mul3A_44, %add3A_58 : i32
      %lt3A = arith.constant 40 : i32
      %lt3A_60 = arith.cmpi slt, %add3A_59, %lt3A : i32
      %convert_element_type3A_61 = arith.extui %lt3A_60 : i1 to i32
      %cond3A_62 = arith.constant 0 : i32
      %cond3A_63 = arith.cmpi ne, %convert_element_type3A_61, %cond3A_62 : i32
      scf.if %cond3A_63 {
        %add3A_72 = arith.constant 2 : i32
        %add3A_73 = arith.addi %mul3A_44, %add3A_72 : i32
        %dma_start3A_74 = arith.constant 0 : i32
        %dma_start3A_75 = tpu.memref_slice %arg7[%add3A_73, %dma_start3A_74] : memref<40x128xi32, #tpu.memory_space<vmem>> -> memref<1x128xi32, #tpu.memory_space<vmem>>
        %dma_start3A_76 = tpu.memref_squeeze %dma_start3A_75 : memref<1x128xi32, #tpu.memory_space<vmem>> -> memref<128xi32, #tpu.memory_space<vmem>>
        %dma_start3A_77 = arith.constant 0 : i32
        %dma_start3A_78 = arith.constant 0 : i32
        %dma_start3A_79 = tpu.memref_slice %arg4[%dma_start3A_77, %dma_start3A_78] : memref<10000x128xf32, #tpu.memory_space<hbm>> -> memref<10000x128xf32, #tpu.memory_space<hbm>>
        tpu.enqueue_indirect_dma source(%dma_start3A_79 : memref<10000x128xf32, #tpu.memory_space<hbm>>) target(%arg9 : memref<128x128xf32, #tpu.memory_space<vmem>>) offsets(%dma_start3A_76 : memref<128xi32, #tpu.memory_space<vmem>>) semaphore(%arg12 : memref<!tpu.dma_semaphore, #tpu.memory_space<semaphore_mem>>)
      } else {
      }
      %dma_wait3A_64 = arith.constant 0 : i32
      %dma_wait3A_65 = arith.constant 0 : i32
      %dma_wait3A_66 = tpu.memref_slice %arg4[%dma_wait3A_64, %dma_wait3A_65] : memref<10000x128xf32, #tpu.memory_space<hbm>> -> memref<128x128xf32, #tpu.memory_space<hbm>>
      %dma_wait3A_67 = arith.constant 0 : i32
      %dma_wait3A_68 = arith.constant 0 : i32
      %dma_wait3A_69 = tpu.memref_slice %arg4[%dma_wait3A_67, %dma_wait3A_68] : memref<10000x128xf32, #tpu.memory_space<hbm>> -> memref<128x128xf32, #tpu.memory_space<hbm>>
      tpu.wait_dma2 semaphore(%arg13 : memref<!tpu.dma_semaphore, #tpu.memory_space<semaphore_mem>>) src(%dma_wait3A_69 : memref<128x128xf32, #tpu.memory_space<hbm>>) dst(%arg10 : memref<128x128xf32, #tpu.memory_space<vmem>>)
      %add3A_70 = arith.constant 1 : i32
      %add3A_71 = arith.addi %mul3A_44, %add3A_70 : i32
      "tpu.region"() ({
        %run_scoped3A = tpu.sem_alloc : memref<!tpu.dma_semaphore, #tpu.memory_space<semaphore_mem>>
        %dma_start3A_72 = arith.constant 0 : i32
        %dma_start3A_73 = tpu.memref_slice %arg8[%add3A_71, %dma_start3A_72] : memref<40x128xi32, #tpu.memory_space<vmem>> -> memref<1x128xi32, #tpu.memory_space<vmem>>
        %dma_start3A_74 = tpu.memref_squeeze %dma_start3A_73 : memref<1x128xi32, #tpu.memory_space<vmem>> -> memref<128xi32, #tpu.memory_space<vmem>>
        %dma_start3A_75 = arith.constant 0 : i32
        %dma_start3A_76 = arith.constant 0 : i32
        %dma_start3A_77 = tpu.memref_slice %arg11[%dma_start3A_75, %dma_start3A_76] : memref<10112x128xf32, #tpu.memory_space<vmem_shared>> -> memref<10112x128xf32, #tpu.memory_space<vmem_shared>>
        tpu.enqueue_indirect_dma source(%arg10 : memref<128x128xf32, #tpu.memory_space<vmem>>) target(%dma_start3A_77 : memref<10112x128xf32, #tpu.memory_space<vmem_shared>>) offsets(%dma_start3A_74 : memref<128xi32, #tpu.memory_space<vmem>>) semaphore(%run_scoped3A : memref<!tpu.dma_semaphore, #tpu.memory_space<semaphore_mem>>) {add = true}
        %dma_wait3A_78 = arith.constant 0 : i32
        %dma_wait3A_79 = tpu.memref_slice %arg8[%add3A_71, %dma_wait3A_78] : memref<40x128xi32, #tpu.memory_space<vmem>> -> memref<1x128xi32, #tpu.memory_space<vmem>>
        %dma_wait3A_80 = tpu.memref_squeeze %dma_wait3A_79 : memref<1x128xi32, #tpu.memory_space<vmem>> -> memref<128xi32, #tpu.memory_space<vmem>>
        %dma_wait3A_81 = arith.constant 0 : i32
        %dma_wait3A_82 = arith.constant 0 : i32
        %dma_wait3A_83 = tpu.memref_slice %arg11[%dma_wait3A_81, %dma_wait3A_82] : memref<10112x128xf32, #tpu.memory_space<vmem_shared>> -> memref<10112x128xf32, #tpu.memory_space<vmem_shared>>
        tpu.wait_indirect_dma semaphore(%run_scoped3A : memref<!tpu.dma_semaphore, #tpu.memory_space<semaphore_mem>>) src(%arg10 : memref<128x128xf32, #tpu.memory_space<vmem>>) dst(%dma_wait3A_83 : memref<10112x128xf32, #tpu.memory_space<vmem_shared>>)
        tpu.yield
      }) : () -> ()
    }
    %scan3A_36 = arith.constant 20 : i32
    %barrier3A_37 = arith.constant 0 : index
    tpu.barrier barrier_id(%barrier3A_37)
    %mul3A_38 = arith.constant 624 : i32
    %mul3A_39 = arith.muli %arg1, %mul3A_38 : i32
    "tpu.region"() ({
      %run_scoped3A = tpu.sem_alloc : memref<!tpu.dma_semaphore, #tpu.memory_space<semaphore_mem>>
      %dma_start3A_42 = arith.constant 0 : i32
      %dma_start3A_43 = arith.constant 0 : i32
      %dma_start3A_44 = tpu.memref_slice %arg6[%arg0, %dma_start3A_42, %dma_start3A_43] : memref<2x10000x128xf32, #tpu.memory_space<hbm>> -> memref<1x10000x128xf32, #tpu.memory_space<hbm>>
      %dma_start3A_45 = tpu.memref_squeeze %dma_start3A_44 : memref<1x10000x128xf32, #tpu.memory_space<hbm>> -> memref<10000x128xf32, #tpu.memory_space<hbm>>
      %dma_start3A_46 = arith.constant 0 : i32
      %dma_start3A_47 = tpu.memref_slice %dma_start3A_45[%mul3A_39, %dma_start3A_46] : memref<10000x128xf32, #tpu.memory_space<hbm>> -> memref<624x128xf32, #tpu.memory_space<hbm>>
      %dma_start3A_48 = arith.constant 0 : i32
      %dma_start3A_49 = tpu.memref_slice %arg11[%mul3A_39, %dma_start3A_48] : memref<10112x128xf32, #tpu.memory_space<vmem_shared>> -> memref<624x128xf32, #tpu.memory_space<vmem_shared>>
      tpu.enqueue_dma source(%dma_start3A_49 : memref<624x128xf32, #tpu.memory_space<vmem_shared>>) target(%dma_start3A_47 : memref<624x128xf32, #tpu.memory_space<hbm>>) target_semaphore(%run_scoped3A : memref<!tpu.dma_semaphore, #tpu.memory_space<semaphore_mem>>)
      %dma_wait3A = arith.constant 0 : i32
      %dma_wait3A_50 = arith.constant 0 : i32
      %dma_wait3A_51 = tpu.memref_slice %arg6[%arg0, %dma_wait3A, %dma_wait3A_50] : memref<2x10000x128xf32, #tpu.memory_space<hbm>> -> memref<1x10000x128xf32, #tpu.memory_space<hbm>>
      %dma_wait3A_52 = tpu.memref_squeeze %dma_wait3A_51 : memref<1x10000x128xf32, #tpu.memory_space<hbm>> -> memref<10000x128xf32, #tpu.memory_space<hbm>>
      %dma_wait3A_53 = arith.constant 0 : i32
      %dma_wait3A_54 = tpu.memref_slice %dma_wait3A_52[%mul3A_39, %dma_wait3A_53] : memref<10000x128xf32, #tpu.memory_space<hbm>> -> memref<624x128xf32, #tpu.memory_space<hbm>>
      %dma_wait3A_55 = arith.constant 0 : i32
      %dma_wait3A_56 = tpu.memref_slice %arg11[%mul3A_39, %dma_wait3A_55] : memref<10112x128xf32, #tpu.memory_space<vmem_shared>> -> memref<624x128xf32, #tpu.memory_space<vmem_shared>>
      tpu.wait_dma2 semaphore(%run_scoped3A : memref<!tpu.dma_semaphore, #tpu.memory_space<semaphore_mem>>) src(%dma_wait3A_56 : memref<624x128xf32, #tpu.memory_space<vmem_shared>>) dst(%dma_wait3A_54 : memref<624x128xf32, #tpu.memory_space<hbm>>)
      tpu.yield
    }) : () -> ()
    %eq3A = arith.constant 15 : i32
    %eq3A_40 = arith.cmpi eq, %arg1, %eq3A : i32
    %convert_element_type3A = arith.extui %eq3A_40 : i1 to i32
    %cond3A = arith.constant 0 : i32
    %cond3A_41 = arith.cmpi ne, %convert_element_type3A, %cond3A : i32
    scf.if %cond3A_41 {
      "tpu.region"() ({
        %run_scoped3A = tpu.sem_alloc : memref<!tpu.dma_semaphore, #tpu.memory_space<semaphore_mem>>
        %dma_start3A_42 = arith.constant 0 : i32
        %dma_start3A_43 = arith.constant 0 : i32
        %dma_start3A_44 = tpu.memref_slice %arg6[%arg0, %dma_start3A_42, %dma_start3A_43] : memref<2x10000x128xf32, #tpu.memory_space<hbm>> -> memref<1x10000x128xf32, #tpu.memory_space<hbm>>
        %dma_start3A_45 = tpu.memref_squeeze %dma_start3A_44 : memref<1x10000x128xf32, #tpu.memory_space<hbm>> -> memref<10000x128xf32, #tpu.memory_space<hbm>>
        %dma_start3A_46 = arith.constant 9984 : i32
        %dma_start3A_47 = arith.constant 0 : i32
        %dma_start3A_48 = tpu.memref_slice %dma_start3A_45[%dma_start3A_46, %dma_start3A_47] : memref<10000x128xf32, #tpu.memory_space<hbm>> -> memref<16x128xf32, #tpu.memory_space<hbm>>
        %dma_start3A_49 = arith.constant 9984 : i32
        %dma_start3A_50 = arith.constant 0 : i32
        %dma_start3A_51 = tpu.memref_slice %arg11[%dma_start3A_49, %dma_start3A_50] : memref<10112x128xf32, #tpu.memory_space<vmem_shared>> -> memref<16x128xf32, #tpu.memory_space<vmem_shared>>
        tpu.enqueue_dma source(%dma_start3A_51 : memref<16x128xf32, #tpu.memory_space<vmem_shared>>) target(%dma_start3A_48 : memref<16x128xf32, #tpu.memory_space<hbm>>) target_semaphore(%run_scoped3A : memref<!tpu.dma_semaphore, #tpu.memory_space<semaphore_mem>>)
        %dma_wait3A = arith.constant 0 : i32
        %dma_wait3A_52 = arith.constant 0 : i32
        %dma_wait3A_53 = tpu.memref_slice %arg6[%arg0, %dma_wait3A, %dma_wait3A_52] : memref<2x10000x128xf32, #tpu.memory_space<hbm>> -> memref<1x10000x128xf32, #tpu.memory_space<hbm>>
        %dma_wait3A_54 = tpu.memref_squeeze %dma_wait3A_53 : memref<1x10000x128xf32, #tpu.memory_space<hbm>> -> memref<10000x128xf32, #tpu.memory_space<hbm>>
        %dma_wait3A_55 = arith.constant 9984 : i32
        %dma_wait3A_56 = arith.constant 0 : i32
        %dma_wait3A_57 = tpu.memref_slice %dma_wait3A_54[%dma_wait3A_55, %dma_wait3A_56] : memref<10000x128xf32, #tpu.memory_space<hbm>> -> memref<16x128xf32, #tpu.memory_space<hbm>>
        %dma_wait3A_58 = arith.constant 9984 : i32
        %dma_wait3A_59 = arith.constant 0 : i32
        %dma_wait3A_60 = tpu.memref_slice %arg11[%dma_wait3A_58, %dma_wait3A_59] : memref<10112x128xf32, #tpu.memory_space<vmem_shared>> -> memref<16x128xf32, #tpu.memory_space<vmem_shared>>
        tpu.wait_dma2 semaphore(%run_scoped3A : memref<!tpu.dma_semaphore, #tpu.memory_space<semaphore_mem>>) src(%dma_wait3A_60 : memref<16x128xf32, #tpu.memory_space<vmem_shared>>) dst(%dma_wait3A_57 : memref<16x128xf32, #tpu.memory_space<hbm>>)
        tpu.yield
      }) : () -> ()
    } else {
    }
    return
  }
}

module attributes {stable_mosaic.version = 14 : i64} {
  func.func @_tc1_body(%arg0: i32, %arg1: memref<2000x128xf32, #tpu.memory_space<vmem>>, %arg2: memref<2x2000x128xf32, #tpu.memory_space<vmem>>, %arg3: memref<2000x1xf32, #tpu.memory_space<vmem>>, %arg4: memref<2000x1xf32, #tpu.memory_space<vmem>>, %arg5: memref<128x128xf32, #tpu.memory_space<vmem>>, %arg6: memref<128x128xf32, #tpu.memory_space<vmem>>, %arg7: memref<1x128xf32, #tpu.memory_space<vmem>>, %arg8: memref<2000x128xf32, #tpu.memory_space<vmem>>) attributes {dimension_semantics = [#tpu.dimension_semantics<arbitrary>], iteration_bounds = array<i64: 5>, scalar_prefetch = 0 : i64, scratch_operands = 0 : i64, tpu.core_type = #tpu.core_type<tc>, window_params = [{transform_indices = @transform_0, window_bounds = array<i64: 2000, 128>}, {transform_indices = @transform_1, window_bounds = array<i64: 2, 2000, 128>}, {transform_indices = @transform_2, window_bounds = array<i64: 2000, 1>}, {transform_indices = @transform_3, window_bounds = array<i64: 2000, 1>}, {pipeline_mode = #tpu.pipeline_mode<synchronous>, transform_indices = @transform_4, window_bounds = array<i64: 128, 128>}, {pipeline_mode = #tpu.pipeline_mode<synchronous>, transform_indices = @transform_5, window_bounds = array<i64: 128, 128>}, {pipeline_mode = #tpu.pipeline_mode<synchronous>, transform_indices = @transform_6, window_bounds = array<i64: 1, 128>}, {transform_indices = @transform_7, window_bounds = array<i64: 2000, 128>}]} {
    %get3A = arith.constant 0 : index
    %get3A_0 = arith.constant 0 : index
    %get3A_1 = vector.load %arg3[%get3A, %get3A_0] : memref<2000x1xf32, #tpu.memory_space<vmem>>, vector<2000x1xf32>
    %get3A_2 = arith.constant 0 : index
    %get3A_3 = arith.constant 0 : index
    %get3A_4 = vector.load %arg4[%get3A_2, %get3A_3] : memref<2000x1xf32, #tpu.memory_space<vmem>>, vector<2000x1xf32>
    %add3A = arith.addf %get3A_1, %get3A_4 : vector<2000x1xf32>
    %max3A = arith.constant 1.000000e+00 : f32
    %max3A_5 = vector.broadcast %max3A : f32 to vector<2000x1xf32>
    %max3A_6 = arith.maximumf %add3A, %max3A_5 : vector<2000x1xf32>
    %get3A_7 = arith.constant 0 : index
    %get3A_8 = arith.constant 0 : index
    %get3A_9 = arith.constant 0 : index
    %get3A_10 = vector.load %arg2[%get3A_7, %get3A_8, %get3A_9] : memref<2x2000x128xf32, #tpu.memory_space<vmem>>, vector<1x2000x128xf32>
    %get3A_11 = vector.shape_cast %get3A_10 : vector<1x2000x128xf32> to vector<2000x128xf32>
    %get3A_12 = arith.constant 1 : index
    %get3A_13 = arith.constant 0 : index
    %get3A_14 = arith.constant 0 : index
    %get3A_15 = vector.load %arg2[%get3A_12, %get3A_13, %get3A_14] : memref<2x2000x128xf32, #tpu.memory_space<vmem>>, vector<1x2000x128xf32>
    %get3A_16 = vector.shape_cast %get3A_15 : vector<1x2000x128xf32> to vector<2000x128xf32>
    %add3A_17 = arith.addf %get3A_11, %get3A_16 : vector<2000x128xf32>
    %div3A = vector.broadcast %max3A_6 : vector<2000x1xf32> to vector<2000x128xf32>
    %div3A_18 = arith.divf %add3A_17, %div3A : vector<2000x128xf32>
    %get3A_19 = arith.constant 0 : index
    %get3A_20 = arith.constant 0 : index
    %get3A_21 = vector.load %arg1[%get3A_19, %get3A_20] : memref<2000x128xf32, #tpu.memory_space<vmem>>, vector<2000x128xf32>
    %get3A_22 = arith.constant 0 : index
    %get3A_23 = arith.constant 0 : index
    %get3A_24 = vector.load %arg5[%get3A_22, %get3A_23] : memref<128x128xf32, #tpu.memory_space<vmem>>, vector<128x128xf32>
    %dot_general3A = arith.constant dense<0.000000e+00> : vector<2000x128xf32>
    %dot_general3A_25 = tpu.matmul %get3A_21, %get3A_24, %dot_general3A {dimension_numbers = #tpu.dot_dimension_numbers<[1], [0], [0], [1], [0, 0, 1, 1], [], []>, transpose_lhs_hint = false} : vector<2000x128xf32>, vector<128x128xf32>, vector<2000x128xf32> -> vector<2000x128xf32>
    %get3A_26 = arith.constant 0 : index
    %get3A_27 = arith.constant 0 : index
    %get3A_28 = vector.load %arg6[%get3A_26, %get3A_27] : memref<128x128xf32, #tpu.memory_space<vmem>>, vector<128x128xf32>
    %dot_general3A_29 = arith.constant dense<0.000000e+00> : vector<2000x128xf32>
    %dot_general3A_30 = tpu.matmul %div3A_18, %get3A_28, %dot_general3A_29 {dimension_numbers = #tpu.dot_dimension_numbers<[1], [0], [0], [1], [0, 0, 1, 1], [], []>, transpose_lhs_hint = false} : vector<2000x128xf32>, vector<128x128xf32>, vector<2000x128xf32> -> vector<2000x128xf32>
    %add3A_31 = arith.addf %dot_general3A_25, %dot_general3A_30 : vector<2000x128xf32>
    %get3A_32 = arith.constant 0 : index
    %get3A_33 = arith.constant 0 : index
    %get3A_34 = vector.load %arg7[%get3A_32, %get3A_33] : memref<1x128xf32, #tpu.memory_space<vmem>>, vector<1x128xf32>
    %add3A_35 = vector.broadcast %get3A_34 : vector<1x128xf32> to vector<2000x128xf32>
    %add3A_36 = arith.addf %add3A_31, %add3A_35 : vector<2000x128xf32>
    %max3A_37 = arith.constant 0.000000e+00 : f32
    %max3A_38 = vector.broadcast %max3A_37 : f32 to vector<2000x128xf32>
    %max3A_39 = arith.maximumf %add3A_36, %max3A_38 : vector<2000x128xf32>
    %swap3A = arith.constant 0 : index
    %swap3A_40 = arith.constant 0 : index
    %swap3A_41 = vector.load %arg8[%swap3A, %swap3A_40] : memref<2000x128xf32, #tpu.memory_space<vmem>>, vector<2000x128xf32>
    tpu.vector_store %arg8[%swap3A, %swap3A_40], %max3A_39 {strides = array<i32>} : memref<2000x128xf32, #tpu.memory_space<vmem>>, vector<2000x128xf32>,
    return
  }
  func.func @transform_0(%arg0: i32) -> (i32, i32) {
    %c0_i32 = arith.constant 0 : i32
    %c0_i32_0 = arith.constant 0 : i32
    return %arg0, %c0_i32 : i32, i32
  }
  func.func @transform_1(%arg0: i32) -> (i32, i32, i32) {
    %c0_i32 = arith.constant 0 : i32
    %c0_i32_0 = arith.constant 0 : i32
    %c0_i32_1 = arith.constant 0 : i32
    return %c0_i32, %arg0, %c0_i32_0 : i32, i32, i32
  }
  func.func @transform_2(%arg0: i32) -> (i32, i32) {
    %c0_i32 = arith.constant 0 : i32
    %c0_i32_0 = arith.constant 0 : i32
    return %arg0, %c0_i32 : i32, i32
  }
  func.func @transform_3(%arg0: i32) -> (i32, i32) {
    %c0_i32 = arith.constant 0 : i32
    %c0_i32_0 = arith.constant 0 : i32
    return %arg0, %c0_i32 : i32, i32
  }
  func.func @transform_4(%arg0: i32) -> (i32, i32) {
    %c0_i32 = arith.constant 0 : i32
    %c0_i32_0 = arith.constant 0 : i32
    %c0_i32_1 = arith.constant 0 : i32
    return %c0_i32, %c0_i32_0 : i32, i32
  }
  func.func @transform_5(%arg0: i32) -> (i32, i32) {
    %c0_i32 = arith.constant 0 : i32
    %c0_i32_0 = arith.constant 0 : i32
    %c0_i32_1 = arith.constant 0 : i32
    return %c0_i32, %c0_i32_0 : i32, i32
  }
  func.func @transform_6(%arg0: i32) -> (i32, i32) {
    %c0_i32 = arith.constant 0 : i32
    %c0_i32_0 = arith.constant 0 : i32
    %c0_i32_1 = arith.constant 0 : i32
    return %c0_i32, %c0_i32_0 : i32, i32
  }
  func.func @transform_7(%arg0: i32) -> (i32, i32) {
    %c0_i32 = arith.constant 0 : i32
    %c0_i32_0 = arith.constant 0 : i32
    return %arg0, %c0_i32 : i32, i32
  }
}

module attributes {stable_mosaic.version = 14 : i64} {
  func.func @_tc2_body(%arg0: i32, %arg1: memref<2000x128xf32, #tpu.memory_space<vmem>>, %arg2: memref<2x2000x128xf32, #tpu.memory_space<vmem>>, %arg3: memref<2000x1xf32, #tpu.memory_space<vmem>>, %arg4: memref<2000x1xf32, #tpu.memory_space<vmem>>, %arg5: memref<128x128xf32, #tpu.memory_space<vmem>>, %arg6: memref<128x128xf32, #tpu.memory_space<vmem>>, %arg7: memref<1x128xf32, #tpu.memory_space<vmem>>, %arg8: memref<128x1xf32, #tpu.memory_space<vmem>>, %arg9: memref<1x1xf32, #tpu.memory_space<vmem>>, %arg10: memref<2000x1xf32, #tpu.memory_space<vmem>>) attributes {dimension_semantics = [#tpu.dimension_semantics<arbitrary>], iteration_bounds = array<i64: 5>, scalar_prefetch = 0 : i64, scratch_operands = 0 : i64, tpu.core_type = #tpu.core_type<tc>, window_params = [{transform_indices = @transform_0, window_bounds = array<i64: 2000, 128>}, {transform_indices = @transform_1, window_bounds = array<i64: 2, 2000, 128>}, {transform_indices = @transform_2, window_bounds = array<i64: 2000, 1>}, {transform_indices = @transform_3, window_bounds = array<i64: 2000, 1>}, {pipeline_mode = #tpu.pipeline_mode<synchronous>, transform_indices = @transform_4, window_bounds = array<i64: 128, 128>}, {pipeline_mode = #tpu.pipeline_mode<synchronous>, transform_indices = @transform_5, window_bounds = array<i64: 128, 128>}, {pipeline_mode = #tpu.pipeline_mode<synchronous>, transform_indices = @transform_6, window_bounds = array<i64: 1, 128>}, {pipeline_mode = #tpu.pipeline_mode<synchronous>, transform_indices = @transform_7, window_bounds = array<i64: 128, 1>}, {pipeline_mode = #tpu.pipeline_mode<synchronous>, transform_indices = @transform_8, window_bounds = array<i64: 1, 1>}, {transform_indices = @transform_9, window_bounds = array<i64: 2000, 1>}]} {
    %get3A = arith.constant 0 : index
    %get3A_0 = arith.constant 0 : index
    %get3A_1 = vector.load %arg5[%get3A, %get3A_0] : memref<128x128xf32, #tpu.memory_space<vmem>>, vector<128x128xf32>
    %get3A_2 = arith.constant 0 : index
    %get3A_3 = arith.constant 0 : index
    %get3A_4 = vector.load %arg8[%get3A_2, %get3A_3] : memref<128x1xf32, #tpu.memory_space<vmem>>, vector<128x1xf32>
    %dot_general3A = arith.constant dense<0.000000e+00> : vector<128x1xf32>
    %dot_general3A_5 = tpu.matmul %get3A_1, %get3A_4, %dot_general3A {dimension_numbers = #tpu.dot_dimension_numbers<[1], [0], [0], [1], [0, 0, 1, 1], [], []>, transpose_lhs_hint = false} : vector<128x128xf32>, vector<128x1xf32>, vector<128x1xf32> -> vector<128x1xf32>
    %get3A_6 = arith.constant 0 : index
    %get3A_7 = arith.constant 0 : index
    %get3A_8 = vector.load %arg6[%get3A_6, %get3A_7] : memref<128x128xf32, #tpu.memory_space<vmem>>, vector<128x128xf32>
    %get3A_9 = arith.constant 0 : index
    %get3A_10 = arith.constant 0 : index
    %get3A_11 = vector.load %arg8[%get3A_9, %get3A_10] : memref<128x1xf32, #tpu.memory_space<vmem>>, vector<128x1xf32>
    %dot_general3A_12 = arith.constant dense<0.000000e+00> : vector<128x1xf32>
    %dot_general3A_13 = tpu.matmul %get3A_8, %get3A_11, %dot_general3A_12 {dimension_numbers = #tpu.dot_dimension_numbers<[1], [0], [0], [1], [0, 0, 1, 1], [], []>, transpose_lhs_hint = false} : vector<128x128xf32>, vector<128x1xf32>, vector<128x1xf32> -> vector<128x1xf32>
    %get3A_14 = arith.constant 0 : index
    %get3A_15 = arith.constant 0 : index
    %get3A_16 = vector.load %arg3[%get3A_14, %get3A_15] : memref<2000x1xf32, #tpu.memory_space<vmem>>, vector<2000x1xf32>
    %get3A_17 = arith.constant 0 : index
    %get3A_18 = arith.constant 0 : index
    %get3A_19 = vector.load %arg4[%get3A_17, %get3A_18] : memref<2000x1xf32, #tpu.memory_space<vmem>>, vector<2000x1xf32>
    %add3A = arith.addf %get3A_16, %get3A_19 : vector<2000x1xf32>
    %max3A = arith.constant 1.000000e+00 : f32
    %max3A_20 = vector.broadcast %max3A : f32 to vector<2000x1xf32>
    %max3A_21 = arith.maximumf %add3A, %max3A_20 : vector<2000x1xf32>
    %get3A_22 = arith.constant 0 : index
    %get3A_23 = arith.constant 0 : index
    %get3A_24 = arith.constant 0 : index
    %get3A_25 = vector.load %arg2[%get3A_22, %get3A_23, %get3A_24] : memref<2x2000x128xf32, #tpu.memory_space<vmem>>, vector<1x2000x128xf32>
    %get3A_26 = vector.shape_cast %get3A_25 : vector<1x2000x128xf32> to vector<2000x128xf32>
    %get3A_27 = arith.constant 1 : index
    %get3A_28 = arith.constant 0 : index
    %get3A_29 = arith.constant 0 : index
    %get3A_30 = vector.load %arg2[%get3A_27, %get3A_28, %get3A_29] : memref<2x2000x128xf32, #tpu.memory_space<vmem>>, vector<1x2000x128xf32>
    %get3A_31 = vector.shape_cast %get3A_30 : vector<1x2000x128xf32> to vector<2000x128xf32>
    %add3A_32 = arith.addf %get3A_26, %get3A_31 : vector<2000x128xf32>
    %div3A = vector.broadcast %max3A_21 : vector<2000x1xf32> to vector<2000x128xf32>
    %div3A_33 = arith.divf %add3A_32, %div3A : vector<2000x128xf32>
    %get3A_34 = arith.constant 0 : index
    %get3A_35 = arith.constant 0 : index
    %get3A_36 = vector.load %arg1[%get3A_34, %get3A_35] : memref<2000x128xf32, #tpu.memory_space<vmem>>, vector<2000x128xf32>
    %dot_general3A_37 = arith.constant dense<0.000000e+00> : vector<2000x1xf32>
    %dot_general3A_38 = tpu.matmul %get3A_36, %dot_general3A_5, %dot_general3A_37 {dimension_numbers = #tpu.dot_dimension_numbers<[1], [0], [0], [1], [0, 0, 1, 1], [], []>, transpose_lhs_hint = false} : vector<2000x128xf32>, vector<128x1xf32>, vector<2000x1xf32> -> vector<2000x1xf32>
    %dot_general3A_39 = arith.constant dense<0.000000e+00> : vector<2000x1xf32>
    %dot_general3A_40 = tpu.matmul %div3A_33, %dot_general3A_13, %dot_general3A_39 {dimension_numbers = #tpu.dot_dimension_numbers<[1], [0], [0], [1], [0, 0, 1, 1], [], []>, transpose_lhs_hint = false} : vector<2000x128xf32>, vector<128x1xf32>, vector<2000x1xf32> -> vector<2000x1xf32>
    %add3A_41 = arith.addf %dot_general3A_38, %dot_general3A_40 : vector<2000x1xf32>
    %get3A_42 = arith.constant 0 : index
    %get3A_43 = arith.constant 0 : index
    %get3A_44 = vector.load %arg7[%get3A_42, %get3A_43] : memref<1x128xf32, #tpu.memory_space<vmem>>, vector<1x128xf32>
    %get3A_45 = arith.constant 0 : index
    %get3A_46 = arith.constant 0 : index
    %get3A_47 = vector.load %arg8[%get3A_45, %get3A_46] : memref<128x1xf32, #tpu.memory_space<vmem>>, vector<128x1xf32>
    %dot_general3A_48 = arith.constant dense<0.000000e+00> : vector<1x1xf32>
    %dot_general3A_49 = tpu.matmul %get3A_44, %get3A_47, %dot_general3A_48 {dimension_numbers = #tpu.dot_dimension_numbers<[1], [0], [0], [1], [0, 0, 1, 1], [], []>, transpose_lhs_hint = false} : vector<1x128xf32>, vector<128x1xf32>, vector<1x1xf32> -> vector<1x1xf32>
    %add3A_50 = vector.broadcast %dot_general3A_49 : vector<1x1xf32> to vector<2000x1xf32>
    %add3A_51 = arith.addf %add3A_41, %add3A_50 : vector<2000x1xf32>
    %get3A_52 = arith.constant 0 : index
    %get3A_53 = arith.constant 0 : index
    %get3A_54 = vector.load %arg9[%get3A_52, %get3A_53] : memref<1x1xf32, #tpu.memory_space<vmem>>, vector<1x1xf32>
    %mul3A = arith.constant 5.000000e-01 : f32
    %mul3A_55 = vector.broadcast %mul3A : f32 to vector<1x1xf32>
    %mul3A_56 = arith.mulf %mul3A_55, %get3A_54 : vector<1x1xf32>
    %add3A_57 = vector.broadcast %mul3A_56 : vector<1x1xf32> to vector<2000x1xf32>
    %add3A_58 = arith.addf %add3A_51, %add3A_57 : vector<2000x1xf32>
    %swap3A = arith.constant 0 : index
    %swap3A_59 = arith.constant 0 : index
    %swap3A_60 = vector.load %arg10[%swap3A, %swap3A_59] : memref<2000x1xf32, #tpu.memory_space<vmem>>, vector<2000x1xf32>
    tpu.vector_store %arg10[%swap3A, %swap3A_59], %add3A_58 {strides = array<i32>} : memref<2000x1xf32, #tpu.memory_space<vmem>>, vector<2000x1xf32>,
    return
  }
  func.func @transform_0(%arg0: i32) -> (i32, i32) {
    %c0_i32 = arith.constant 0 : i32
    %c0_i32_0 = arith.constant 0 : i32
    return %arg0, %c0_i32 : i32, i32
  }
  func.func @transform_1(%arg0: i32) -> (i32, i32, i32) {
    %c0_i32 = arith.constant 0 : i32
    %c0_i32_0 = arith.constant 0 : i32
    %c0_i32_1 = arith.constant 0 : i32
    return %c0_i32, %arg0, %c0_i32_0 : i32, i32, i32
  }
  func.func @transform_2(%arg0: i32) -> (i32, i32) {
    %c0_i32 = arith.constant 0 : i32
    %c0_i32_0 = arith.constant 0 : i32
    return %arg0, %c0_i32 : i32, i32
  }
  func.func @transform_3(%arg0: i32) -> (i32, i32) {
    %c0_i32 = arith.constant 0 : i32
    %c0_i32_0 = arith.constant 0 : i32
    return %arg0, %c0_i32 : i32, i32
  }
  func.func @transform_4(%arg0: i32) -> (i32, i32) {
    %c0_i32 = arith.constant 0 : i32
    %c0_i32_0 = arith.constant 0 : i32
    %c0_i32_1 = arith.constant 0 : i32
    return %c0_i32, %c0_i32_0 : i32, i32
  }
  func.func @transform_5(%arg0: i32) -> (i32, i32) {
    %c0_i32 = arith.constant 0 : i32
    %c0_i32_0 = arith.constant 0 : i32
    %c0_i32_1 = arith.constant 0 : i32
    return %c0_i32, %c0_i32_0 : i32, i32
  }
  func.func @transform_6(%arg0: i32) -> (i32, i32) {
    %c0_i32 = arith.constant 0 : i32
    %c0_i32_0 = arith.constant 0 : i32
    %c0_i32_1 = arith.constant 0 : i32
    return %c0_i32, %c0_i32_0 : i32, i32
  }
  func.func @transform_7(%arg0: i32) -> (i32, i32) {
    %c0_i32 = arith.constant 0 : i32
    %c0_i32_0 = arith.constant 0 : i32
    %c0_i32_1 = arith.constant 0 : i32
    return %c0_i32, %c0_i32_0 : i32, i32
  }
  func.func @transform_8(%arg0: i32) -> (i32, i32) {
    %c0_i32 = arith.constant 0 : i32
    %c0_i32_0 = arith.constant 0 : i32
    %c0_i32_1 = arith.constant 0 : i32
    return %c0_i32, %c0_i32_0 : i32, i32
  }
  func.func @transform_9(%arg0: i32) -> (i32, i32) {
    %c0_i32 = arith.constant 0 : i32
    %c0_i32_0 = arith.constant 0 : i32
    return %arg0, %c0_i32 : i32, i32
  }
}

</mosaic_0001>

<sc_bundles>
// kernel: kernel.11.cloned.1.call-start
scs
__scs_entry_jumppad:
0x0: {  	(pc) =	sbr.rel $0x88, $3  }
0x1: {  	(tag) =	ssettag $0x0;
	lr =	simm.s32 $0x1  }
0x2: {  	[smem:$0x3F96] =	sst lr;
	_ =	strace $0xD0000000  }
0x3: {  	_ = 	snop  }
0x4: {  	_ = 	snop  }
0x5: {  	_ = 	snop  }
0x6: {  	_ = 	snop  }
0x7: {  	_ = 	snop  }
__scs_overlays_trampoline_lowered:
0x8: {  	[smem:$0x3FA5] =	sst s0  }
0x9: {  	[smem:$0x3FA6] =	sst s1  }
0xa: {  	[smem:$0x3FA7] =	sst s2  }
0xb: {  	[smem:$0x3FA8] =	sst s3  }
0xc: {  	[smem:$0x3FA9] =	sst s4  }
0xd: {  	[smem:$0x3FAA] =	sst s5  }
0xe: {  	[smem:$0x3FAB] =	sst s6  }
0xf: {  	[smem:$0x3FAC] =	sst s7  }
0x10: {  	[smem:$0x3FAD] =	sst s8  }
0x11: {  	[smem:$0x3FAE] =	sst s9;
	s0 =	simm.s32 @!p0 $0x0  }
0x12: {  	s1 =	sld [smem:$0x3F94];
	s0 =	simm.s32 @p0 $0x1  }
0x13: {  	[smem:$0x3FAF] =	sst s0;
	s0 =	simm.s32 @!p1 $0x0  }
0x14: {  	s2 =	sld [smem:$0x3F93];
	s0 =	simm.s32 @p1 $0x1  }
0x15: {  	[smem:$0x3FB0] =	sst s0;
	s0 =	simm.s32 @!p2 $0x0  }
0x16: {  	s3 =	sld [smem:$0x3FDB];
	s0 =	simm.s32 @p2 $0x1  }
0x17: {  	s4 =	simm.s32 $0x1BF5;
	[smem:$0x3FB2] =	sst s0  }
0x18: {  	s0 =	sld [smem:$0x3F95];
	_ =	swait.ge [sflag:s4], $0x0  }
0x19: {  	s7 =	sld [smem:$0x3F96]  }
0x1a: {  	s8 =	sadd.s32 $0xFFFFE003, lr  }
0x1b: {  	s9 =	sadd.s32 $0xFFFFFEF7, lr;
	s5 =	simm.s32 $0xFFFFFFFF;
	p2 =	slt.u32 s8, $0xFFFFF086  }
0x1c: {  	p1 =	slt.u32 s9, $0xF7A;
	s5 =	simm.s32 @!p2 $0x0  }
0x1d: {  	s5 =	simm.s32 @p1 $0x1;
	p0 =	seq.s32 s7, s2  }
0x1e: {  	s7 =	smul.u32 @!p0 $0xF7A, s2;
	p2 =	seq.s32 @!p0 s5, $0x0  }
0x1f: {  	s9 =	smul.u32 $0xF7A, s1;
	s8 =	simm.s32 @!p0 $0x1BF5;
	p2 =	por !p2, p0  }
0x20: {  	[sflag:s8] =	ssyncset.s32 @!p0 $0xFFFFF086;
	s6 =	sadd.s32 @!p0 s3, s7;
	s7 =	simm.s32 @!p0 $0x108  }
0x21: {  	s3 =	sadd.s32 s3, s9;
	s6 =	sadd.s32 @!p0 $0x88, s6;
	s7 =	simm.s32 @p2 $0x1082  }
0x22: {  	[simem:s7], [sflag:s8] =	dma.local @!p0 [hbm:s6], $0xF7A  }
0x23: {  	s9 =	sor.u32 $0xD0000000, s2;
	s6 =	simm.s32 $0x108;
	_ =	swait.ge @!p0 [sflag:s8], $0x0  }
0x24: {  	s3 =	sadd.s32 $0x88, s3;
	s6 =	simm.s32 @!p1 $0x1082;
	[sflag:s4] =	ssyncset.s32 $0xFFFFF086  }
0x25: {  	[simem:s6], [sflag:s4] =	dma.local [hbm:s3], $0xF7A  }
0x26: {  	[smem:$0x3F96] =	sst s1;
	(tag) =	ssettag s2;
	_ =	strace s9  }
0x27: {  	s1 =	sld [smem:$0x3FA6]  }
0x28: {  	s2 =	sld [smem:$0x3FA7]  }
0x29: {  	s4 =	sld [smem:$0x3FA9]  }
0x2a: {  	p0 =	seq.s32 s5, $0x0;
	s5 =	sld [smem:$0x3FAA]  }
0x2b: {  	s6 =	sld [smem:$0x3FAB]  }
0x2c: {  	s7 =	sld [smem:$0x3FAC]  }
0x2d: {  	s3 =	simm.s32 $0x108;
	s8 =	sld [smem:$0x3FAD]  }
0x2e: {  	s3 =	simm.s32 @!p0 $0x1082;
	s9 =	sld [smem:$0x3FAE]  }
0x2f: {  	lr =	sadd.s32 s0, s3;
	s0 =	sld [smem:$0x3FA5]  }
0x30: {  	s3 =	sld [smem:$0x3FA8]  }
0x31: {  	[smem:$0x3FB1] =	sst s10  }
0x32: {  	s10 =	sld [smem:$0x3FAF];
	_ =	sdelay $0x3  }
0x33: {  	p0 =	seq.s32 s10, $0x1;
	s10 =	sld [smem:$0x3FB1];
	_ =	sdelay $0x3  }
0x34: {  	[smem:$0x3FB1] =	sst s10  }
0x35: {  	s10 =	sld [smem:$0x3FB0];
	_ =	sdelay $0x3  }
0x36: {  	p1 =	seq.s32 s10, $0x1;
	s10 =	sld [smem:$0x3FB1];
	_ =	sdelay $0x3  }
0x37: {  	[smem:$0x3FB1] =	sst s10  }
0x38: {  	s10 =	sld [smem:$0x3FB2]  }
0x39: {  	_ = 	snop;
	(pc) =	sbr.ind lr, $3  }
0x3a: {  	_ = 	snop  }
0x3b: {  	_ = 	snop  }
0x3c: {  	p2 =	seq.s32 s10, $0x1;
	s10 =	sld [smem:$0x3FB1]  }
0x3d: {  	_ =	shalt  }
0x3e: {  	_ =	shalt  }
0x3f: {  	_ =	shalt  }
0x40: {  	_ =	shalt  }
0x41: {  	_ =	shalt  }
0x42: {  	_ =	shalt  }
0x43: {  	_ =	shalt  }
0x44: {  	_ =	shalt  }
0x45: {  	_ =	shalt  }
0x46: {  	_ =	shalt  }
0x47: {  	_ =	shalt  }
0x48: {  	_ =	shalt  }
0x49: {  	_ =	shalt  }
0x4a: {  	_ =	shalt  }
0x4b: {  	_ =	shalt  }
0x4c: {  	_ =	shalt  }
0x4d: {  	_ =	shalt  }
0x4e: {  	_ =	shalt  }
0x4f: {  	_ =	shalt  }
0x50: {  	_ =	shalt  }
0x51: {  	_ =	shalt  }
0x52: {  	_ =	shalt  }
0x53: {  	_ =	shalt  }
0x54: {  	_ =	shalt  }
0x55: {  	_ =	shalt  }
0x56: {  	_ =	shalt  }
0x57: {  	_ =	shalt  }
0x58: {  	_ =	shalt  }
0x59: {  	_ =	shalt  }
0x5a: {  	_ =	shalt  }
0x5b: {  	_ =	shalt  }
0x5c: {  	_ =	shalt  }
0x5d: {  	_ =	shalt  }
0x5e: {  	_ =	shalt  }
0x5f: {  	_ =	shalt  }
0x60: {  	_ =	shalt  }
0x61: {  	_ =	shalt  }
0x62: {  	_ =	shalt  }
0x63: {  	_ =	shalt  }
0x64: {  	_ =	shalt  }
0x65: {  	_ =	shalt  }
0x66: {  	_ =	shalt  }
0x67: {  	_ =	shalt  }
0x68: {  	_ =	shalt  }
0x69: {  	_ =	shalt  }
0x6a: {  	_ =	shalt  }
0x6b: {  	_ =	shalt  }
0x6c: {  	_ =	shalt  }
0x6d: {  	_ =	shalt  }
0x6e: {  	_ =	shalt  }
0x6f: {  	_ =	shalt  }
0x70: {  	_ =	shalt  }
0x71: {  	_ =	shalt  }
0x72: {  	_ =	shalt  }
0x73: {  	_ =	shalt  }
0x74: {  	_ =	shalt  }
0x75: {  	_ =	shalt  }
0x76: {  	_ =	shalt  }
0x77: {  	_ =	shalt  }
0x78: {  	_ =	shalt  }
0x79: {  	_ =	shalt  }
0x7a: {  	_ =	shalt  }
0x7b: {  	_ =	shalt  }
0x7c: {  	_ =	shalt  }
0x7d: {  	_ =	shalt  }
0x7e: {  	_ =	shalt  }
0x7f: {  	_ =	shalt  }
0x80: {  	_ =	shalt  }
0x81: {  	_ =	shalt  }
0x82: {  	_ =	shalt  }
0x83: {  	_ =	shalt  }
0x84: {  	_ =	shalt  }
0x85: {  	_ =	shalt  }
0x86: {  	_ =	shalt  }
0x87: {  	_ =	shalt  }
.Lfunc_end0:
.L_simem_size_0:
called_computation.1_lowered:
.L_overlay_start_0:
0x88: {  	s2 =	sld [smem:$0x3FD9]  }
0x89: {  	s3 =	sld [smem:$0x3FFE];
	_ =	sdelay $0x1  }
0x8a: {  	s1 =	srdreg.scid  }
0x8b: {  	s0 =	sand.u32 $0x1, s1  }
0x8c: {  	s17 =	sshll.u32 s0, $0xA;
	s2 =	sadd.s32 s3, s2  }
0x8d: {  	s2 =	sadd.s32 s2, s17  }
0x8e: {  	[smem:$0x3FBD] =	sst s2  }
0x8f: {  	_ = 	snop  }
0x90: {  	s18 =	sld [smem:$0x3FC9];
	(tm) =	ssettm $0x1  }
0x91: {  	s19 =	sld [smem:$0x3FFB];
	_ =	sdelay $0x3  }
0x92: {  	_ =	strace s19  }
0x93: {  	s2 =	sld [smem:$0x3FFC];
	_ =	sdelay $0x3  }
0x94: {  	_ =	strace s2  }
0x95: {  	s2 =	sld [smem:$0x3FFD];
	_ =	sdelay $0x3  }
0x96: {  	_ =	strace s2  }
0x97: {  	_ =	strace $0x8FFFFFFF  }
0x98: {  	s20 =	sld [smem:$0x3FDB];
	_ =	sdelay $0x1  }
0x99: {  	s4 =	simm.s32 $_scs_section_size  }
0x9a: {  	s5 =	simm.s32 $_size__tile_overlayer_lowered;
	s6 =	simm.s32 $_tile_overlayer_lowered  }
0x9b: {  	s7 =	simm.s32 $0x1BFF;
	s21 =	sshll.u32 s6, $0x1;
	s4 =	sadd.s32 s4, s20  }
0x9c: {  	s22 =	simm.s32 $0x0;
	s5 =	sshll.u32 s5, $0x1;
	s6 =	sadd.s32 s21, s4  }
0x9d: {  	[timem:s22], [sflag:s7] =	dma.local [hbm:s6], s5  }
0x9e: {  	_ =	swait.ge [sflag:s7], s5  }
0x9f: {  	s5 =	ssub.s32 $0x0, s5;
	[sflag:s7] =	ssyncset.done $0x0  }
0xa0: {  	[sflag:s7] =	ssyncadd.s32 s5;
	_ =	sdelay $0x1  }
0xa1: {  	s23 =	simm.s32 $0x1B8B  }
0xa2: {  	_ =	swait.ge [sflag:s23], $0x1  }
0xa3: {  	[sflag:s23] =	ssyncset.done $0x0  }
0xa4: {  	[sflag:s23] =	ssyncadd.s32 $0xFFFFFFFF  }
0xa5: {  	s5 =	sld [smem:$0x0]  }
0xa6: {  	s6 =	sand.u32 $0xFFFFFFFE, s1  }
0xa7: {  	p0 =	sne.s32 s1, s6  }
0xa8: {  	s6 =	sshll.u32 @p0 s6, $0xE  }
0xa9: {  	s6 =	sadd.s32 @p0 $0x11B8D, s6;
	s7 =	sshll.u32 @p0 s5, $0x11  }
0xaa: {  	s6 =	sor.u32 @p0 s7, s6  }
0xab: {  	[sflag:s6] =	ssyncadd.remote.s32 @p0 $0x1;
	_ =	sdelay $0x1  }
0xac: {  	s6 =	simm.s32 @p0 $0x1B8D  }
0xad: {  	_ =	swait.eq @p0 [sflag:s6], $0x1  }
0xae: {  	[sflag:s6] =	ssyncadd.s32 @p0 $0xFFFFFFFF  }
0xaf: {  	s7 =	sshll.u32 @!p0 s1, $0xE  }
0xb0: {  	s7 =	sor.u32 @!p0 $0x4000, s7;
	s6 =	simm.s32 @!p0 $0x1B8D  }
0xb1: {  	s5 =	sshll.u32 @!p0 s5, $0x11;
	s7 =	sadd.s32 @!p0 $0x11B8D, s7;
	_ =	swait.eq @!p0 [sflag:s6], $0x1  }
0xb2: {  	s5 =	sor.u32 @!p0 s5, s7;
	[sflag:s6] =	ssyncadd.s32 @!p0 $0xFFFFFFFF  }
0xb3: {  	s25 =	simm.s32 $0x1B8E;
	s24 =	sld [smem:$0x3FFE];
	[sflag:s5] =	ssyncadd.remote.s32 @!p0 $0x1  }
0xb4: {  	s26 =	simm.s32 $execute0_lowered;
	[smem:$0x3FD2] =	sst s25  }
0xb5: {  	s6 =	sshll.u32 s26, $0x1;
	_ =	strace $0x80000049;
	[dreg:$0x1] =	wrdreg $0xFFFFFFFF  }
0xb6: {  	s28 =	simm.s32 $_size_execute0_lowered;
	s4 =	sadd.s32 s4, s6;
	[dreg:$0x0] =	wrdreg $0x0  }
0xb7: {  	s6 =	sshll.u32 s28, $0x1;
	[dreg:$0x2] =	wrdreg s4  }
0xb8: {  	[dreg:$0x3] =	wrdreg s6  }
0xb9: {  	[dreg:$0x4] =	wrdreg $0xC0  }
0xba: {  	_ =	task [dreg:s22], $0x5FFFF  }
0xbb: {  	[dreg:$0x1] =	wrdreg $0xFFFFFFFF  }
0xbc: {  	[dreg:$0x0] =	wrdreg $0x60  }
0xbd: {  	[dreg:$0x2] =	wrdreg s24  }
0xbe: {  	[dreg:$0x3] =	wrdreg s18  }
0xbf: {  	[dreg:$0x4] =	wrdreg $0xA8000  }
0xc0: {  	[dreg:$0x5] =	wrdreg $0xA  }
0xc1: {  	_ =	task.clear_ibuf [dreg:s22], $0x6FFFF;
	_ =	strace $0x90000049  }
0xc2: {  	s29 =	simm.s32 $0xA;
	_ =	strace $0x8000004B  }
0xc3: {  	_ =	swait.ge [sflag:s29], $0x1  }
0xc4: {  	[sflag:s29] =	ssyncadd.s32 $0xFFFFFFFF  }
0xc5: {  	_ =	strace $0x9000004B  }
0xc6: {  	_ =	sfence  }
0xc7: {  	s30 =	sld [smem:$0x0];
	_ =	sdelay $0x2  }
0xc8: {  	s31 =	sshll.u32 s1, $0xD;
	s1 =	sshrl.u32 s1, $0x2  }
0xc9: {  	s4 =	sand.u32 $0x4000, s31;
	s1 =	sadd.s32 s1, s30  }
0xca: {  	s0 =	sor.u32 s4, s0;
	s1 =	sshll.u32 s1, $0x11  }
0xcb: {  	s0 =	sor.u32 s1, s0  }
0xcc: {  	s0 =	sadd.s32 $0x8F2B, s0  }
0xcd: {  	[sflag:s0] =	ssyncadd.remote.s32 $0x1  }
0xce: {  	_ =	sfence.sel $0xFFFF  }
0xcf: {  	[dreg:$0x0] =	wrdreg $0xFFFFFFFF;
	(pc) =	sbr.abs _section_cstart, $3  }
0xd0: {  	[dreg:$0x1] =	wrdreg $0xFFFFFFFF  }
0xd1: {  	_ =	task.clear_ibuf [dreg:s22], $0x2FFFF;
	_ =	strace $0x9FFFFFFF  }
0xd2: {  	(tm) =	ssettm $0x7FFFFFFF  }
0xd3: {  	_ =	shalt  }
tec
execute0_lowered:
.L_overlay_start_1:
0x0: {  	(tag) =	ssettag $0x1  }
0x1: {  	s5 =	rddreg [dreg:$0x0]  }
0x2: {  	s2 =	rddreg [dreg:$0x1]  }
0x3: {  	s3 =	rddreg [dreg:$0x2];
	s4 =	simm.s32 $0x0;
	s0 =	stileid.u32  }
0x4: {  	s6 =	srdreg.scid;
	s16 =	simm.s32 $0x80;
	s17 =	simm.s32 $0x2800  }
0x5: {  	s18 =	simm.s32 $0x6800;
	s19 =	simm.s32 $0x1;
	s7 =	smul.u32 $0x2780, s0  }
0x6: {  	s20 =	simm.s32 $0x2;
	s21 =	simm.s32 $0x1380;
	s11 =	smul.u32 $0x4F000, s0  }
0x7: {  	s28 =	simm.s32 $0x0;
	[smem:$0x7FF] =	sst s4;
	s14 =	smul.u32 $0x50, s0  }
0x8: {  	s6 =	sand.u32 $0x1, s6;
	s9 =	sadd.s32 $0xB800, s5;
	s31 =	smul.u32 $0x4E000, s0  }
0x9: {  	s10 =	sadd.s32 $0x1800, s5;
	s26 =	sshll.u32 s0, $0x6;
	s23 =	smul.u32 $0x2700, s0  }
0xa: {  	s25 =	sadd.s32 $0x138000, s3;
	p0 =	sne.s32 s0, $0xF;
	s8 =	smul.u32 $0x27100, s6  }
0xb: {  	_ =	strace $0x8000004A;
	s12 =	ssub.s32 $0x2, s6;
	s6 =	smul.u32 $0x500, s6  }
0xc: {  	s25 =	sshrl.u32 @!p0 s25, $0x3;
	s7 =	sadd.s32 s7, s5;
	s13 =	sshrl.u32 s12, $0x1  }
0xd: {  	s11 =	sshrl.u32 s11, $0x2;
	s15 =	sadd.s32 s8, s5;
	s12 =	ssub.s32 s12, s13  }
0xe: {  	s22 =	sadd.s32 s11, s3;
	s5 =	sadd.s32 $0x15800, s7;
	s29 =	sadd.s32 s14, s6  }
0xf: {  	s6 =	sor.u32 $0x1C03, s26;
	s14 =	sshrl.u32 s31, $0x2;
	s26 =	simm.s32 $0x2780  }
0x10: {  	s30 =	sshll.u32 s29, $0x4;
	s24 =	sadd.s32 s14, s3;
	s12 =	smax.u32 s12, $0x1  }
0x11: {  	s13 =	sshrl.u32 s22, $0x3;
	s14 =	simm.s32 $0x3;
	s22 =	simm.s32 $0x2700  }
0x12: {  	s7 =	sadd.s32 s9, s30;
	s8 =	sadd.s32 s10, s30;
	s11 =	sadd.s32 $0x280, s30  }
0x13: {  	s9 =	sadd.s32 s9, s11;
	s10 =	sadd.s32 s10, s11;
	s11 =	sadd.s32 $0x3D000, s15  }
0x14: {  	s24 =	sshrl.u32 s24, $0x3;
	s15 =	simm.s32 $0x1400;
	s23 =	sadd.s32 s23, s11  }
.LBB2_1:
0x15: {  	[spmem:s13], [sflag:s6] =	dma.local [hbm:s5], $0x2780  }
0x16: {  	_ =	swait.ge [sflag:s14], $0x2780  }
0x17: {  	[sflag:s14] =	ssyncset.done $0x0  }
0x18: {  	[sflag:s14] =	ssyncadd.s32 $0xFFFFD880  }
0x19: {  	[bflag:$0x0] =	sbarrier.arrive $0xFFFF  }
0x1a: {  	[tilespmem:s4], [sflag:$0x3] =	stream.linear.gather [hbm4b:s7+s4], $0x1400, $0x38;
	[tilespmem:$0x1E400] =	vst v63  }
0x1b: {  	_ =	swait.ge [sflag:s14], $0x1400  }
0x1c: {  	[sflag:s14] =	ssyncset.done $0x0  }
0x1d: {  	[sflag:s14] =	ssyncadd.s32 $0xFFFFEC00  }
0x1e: {  	[tilespmem:s15], [sflag:$0x3] =	stream.linear.gather [hbm4b:s8+s4], $0x1400, $0x38;
	[tilespmem:$0x1E400] =	vst v63  }
0x1f: {  	_ =	swait.ge [sflag:s14], $0x1400  }
0x20: {  	[sflag:s14] =	ssyncset.done $0x0  }
0x21: {  	[sflag:s14] =	ssyncadd.s32 $0xFFFFEC00  }
0x22: {  	[tilespmem:s17], [sflag:$0x1] =	stream.indirect.gather [hbm4b:s2+s16], $0x80, s4, s16, $0xb8;
	[tilespmem:$0x1E400] =	vst v63  }
0x23: {  	s29 =	simm.s32 $0x80  }
0x24: {  	[tilespmem:s18], [sflag:$0x2] =	stream.indirect.gather [hbm4b:s2+s16], $0x80, s29, s16, $0xb8;
	[tilespmem:$0x1E400] =	vst v63  }
0x25: {  	_ =	swait.ge [sflag:s19], $0x4000  }
0x26: {  	[sflag:s19] =	ssyncset.done $0x0  }
0x27: {  	s29 =	simm.s32 $0x1400;
	[sflag:s19] =	ssyncadd.s32 $0xFFFFC000  }
0x28: {  	[spmem:s3] =	stream.indirect.scatter.add.f32 [tilespmem:s17], [sflag:$0x3], $0x80, s29, s16, $0xb8;
	[tilespmem:$0x1E400] =	vst v63  }
0x29: {  	_ =	swait.ge [sflag:s14], $0x4000  }
0x2a: {  	[sflag:s14] =	ssyncset.done $0x0  }
0x2b: {  	s29 =	simm.s32 $0x100;
	[sflag:s14] =	ssyncadd.s32 $0xFFFFC000  }
0x2c: {  	[tilespmem:s17], [sflag:$0x1] =	stream.indirect.gather [hbm4b:s2+s16], $0x80, s29, s16, $0xb8;
	[tilespmem:$0x1E400] =	vst v63  }
0x2d: {  	_ =	swait.ge [sflag:s20], $0x4000  }
0x2e: {  	[sflag:s20] =	ssyncset.done $0x0  }
0x2f: {  	s29 =	simm.s32 $0x1480;
	[sflag:s20] =	ssyncadd.s32 $0xFFFFC000  }
0x30: {  	[spmem:s3] =	stream.indirect.scatter.add.f32 [tilespmem:s18], [sflag:$0x3], $0x80, s29, s16, $0xb8;
	[tilespmem:$0x1E400] =	vst v63  }
0x31: {  	_ =	swait.ge [sflag:s14], $0x4000  }
0x32: {  	s30 =	simm.s32 $0x800;
	s29 =	simm.s32 $0x100;
	[sflag:s14] =	ssyncset.done $0x0  }
.LBB2_2:
0x33: {  	s31 =	sadd.s32 $0x80, s29  }
0x34: {  	[sflag:s14] =	ssyncadd.s32 $0xFFFFC000;
	s0 =	smov.u32 s30;
	s1 =	sadd.s32 $0x400, s30  }
0x35: {  	[tilespmem:s18], [sflag:$0x2] =	stream.indirect.gather [hbm4b:s2+s16], $0x80, s31, s16, $0xb8;
	[tilespmem:$0x1E400] =	vst v63  }
0x36: {  	p1 =	sne.s32 s30, $0x4800;
	_ =	swait.ge [sflag:s19], $0x4000  }
0x37: {  	[sflag:s19] =	ssyncset.done $0x0  }
0x38: {  	s30 =	sadd.s32 $0x1400, s29;
	[sflag:s19] =	ssyncadd.s32 $0xFFFFC000  }
0x39: {  	[spmem:s3] =	stream.indirect.scatter.add.f32 [tilespmem:s17], [sflag:$0x3], $0x80, s30, s16, $0xb8;
	[tilespmem:$0x1E400] =	vst v63  }
0x3a: {  	_ =	swait.ge [sflag:s14], $0x4000  }
0x3b: {  	[sflag:s14] =	ssyncset.done $0x0  }
0x3c: {  	s30 =	sadd.s32 $0x100, s29;
	[sflag:s14] =	ssyncadd.s32 $0xFFFFC000  }
0x3d: {  	[tilespmem:s17], [sflag:$0x1] =	stream.indirect.gather [hbm4b:s2+s16], $0x80, s30, s16, $0xb8;
	[tilespmem:$0x1E400] =	vst v63  }
0x3e: {  	_ =	swait.ge [sflag:s20], $0x4000  }
.Ltmp0:
0x3f: {  	[sflag:s20] =	ssyncset.done $0x0;
	(pc) =	sbr.rel @p1 .LBB2_2-.Ltmp0, $4  }
0x40: {  	s29 =	sadd.s32 $0x1480, s29;
	[sflag:s20] =	ssyncadd.s32 $0xFFFFC000  }
0x41: {  	[spmem:s3] =	stream.indirect.scatter.add.f32 [tilespmem:s18], [sflag:$0x3], $0x80, s29, s16, $0xb8;
	[tilespmem:$0x1E400] =	vst v63  }
0x42: {  	_ =	swait.ge [sflag:s14], $0x4000  }
0x43: {  	s30 =	smov.u32 s1;
	s29 =	sshra.s32 s0, $0x2;
	[sflag:s14] =	ssyncset.done $0x0  }
0x44: {  	s0 =	sadd.s32 $0x80, s29;
	[sflag:s14] =	ssyncadd.s32 $0xFFFFC000  }
0x45: {  	[tilespmem:s18], [sflag:$0x2] =	stream.indirect.gather [hbm4b:s2+s16], $0x80, s0, s16, $0xb8;
	[tilespmem:$0x1E400] =	vst v63  }
0x46: {  	_ =	swait.ge [sflag:s19], $0x4000  }
0x47: {  	[sflag:s19] =	ssyncset.done $0x0  }
0x48: {  	s1 =	sadd.s32 $0x1400, s29;
	[sflag:s19] =	ssyncadd.s32 $0xFFFFC000  }
0x49: {  	[spmem:s3] =	stream.indirect.scatter.add.f32 [tilespmem:s17], [sflag:$0x3], $0x80, s1, s16, $0xb8;
	[tilespmem:$0x1E400] =	vst v63  }
0x4a: {  	_ =	swait.ge [sflag:s14], $0x4000  }
0x4b: {  	[sflag:s14] =	ssyncset.done $0x0  }
0x4c: {  	s31 =	sadd.s32 $0x100, s29;
	[sflag:s14] =	ssyncadd.s32 $0xFFFFC000  }
0x4d: {  	[tilespmem:s17], [sflag:$0x1] =	stream.indirect.gather [hbm4b:s2+s16], $0x80, s31, s16, $0xb8;
	[tilespmem:$0x1E400] =	vst v63  }
0x4e: {  	_ =	swait.ge [sflag:s20], $0x4000  }
0x4f: {  	[sflag:s20] =	ssyncset.done $0x0  }
0x50: {  	s1 =	sadd.s32 $0x1480, s29;
	[sflag:s20] =	ssyncadd.s32 $0xFFFFC000  }
0x51: {  	[spmem:s3] =	stream.indirect.scatter.add.f32 [tilespmem:s18], [sflag:$0x3], $0x80, s1, s16, $0xb8;
	[tilespmem:$0x1E400] =	vst v63  }
0x52: {  	_ =	swait.ge [sflag:s14], $0x4000  }
0x53: {  	[sflag:s14] =	ssyncset.done $0x0  }
0x54: {  	[sflag:s14] =	ssyncadd.s32 $0xFFFFC000  }
0x55: {  	[tilespmem:s18], [sflag:$0x2] =	stream.indirect.gather [hbm4b:s2+s16], $0x80, s21, s16, $0xb8;
	[tilespmem:$0x1E400] =	vst v63  }
0x56: {  	_ =	swait.ge [sflag:s19], $0x4000  }
0x57: {  	[sflag:s19] =	ssyncset.done $0x0  }
0x58: {  	[sflag:s19] =	ssyncadd.s32 $0xFFFFC000  }
0x59: {  	[spmem:s3] =	stream.indirect.scatter.add.f32 [tilespmem:s17], [sflag:$0x3], $0x80, s22, s16, $0xb8;
	[tilespmem:$0x1E400] =	vst v63  }
0x5a: {  	_ =	swait.ge [sflag:s14], $0x4000  }
0x5b: {  	[sflag:s14] =	ssyncset.done $0x0  }
0x5c: {  	[sflag:s14] =	ssyncadd.s32 $0xFFFFC000  }
0x5d: {  	_ =	swait.ge [sflag:s20], $0x4000  }
0x5e: {  	[sflag:s20] =	ssyncset.done $0x0  }
0x5f: {  	[sflag:s20] =	ssyncadd.s32 $0xFFFFC000  }
0x60: {  	[spmem:s3] =	stream.indirect.scatter.add.f32 [tilespmem:s18], [sflag:$0x3], $0x80, s26, s16, $0xb8;
	[tilespmem:$0x1E400] =	vst v63  }
0x61: {  	_ =	swait.ge [sflag:s14], $0x4000  }
0x62: {  	[sflag:s14] =	ssyncset.done $0x0  }
0x63: {  	s31 =	simm.s32 $0x0;
	[sflag:s14] =	ssyncadd.s32 $0xFFFFC000  }
0x64: {  	[tilespmem:s31], [sflag:$0x3] =	stream.linear.gather [hbm4b:s9+s31], $0x1400, $0x38;
	[tilespmem:$0x1E400] =	vst v63  }
0x65: {  	_ =	swait.ge [sflag:s14], $0x1400  }
0x66: {  	[sflag:s14] =	ssyncset.done $0x0  }
0x67: {  	[sflag:s14] =	ssyncadd.s32 $0xFFFFEC00  }
0x68: {  	[tilespmem:s15], [sflag:$0x3] =	stream.linear.gather [hbm4b:s10+s31], $0x1400, $0x38;
	[tilespmem:$0x1E400] =	vst v63  }
0x69: {  	_ =	swait.ge [sflag:s14], $0x1400  }
0x6a: {  	[sflag:s14] =	ssyncset.done $0x0  }
0x6b: {  	[sflag:s14] =	ssyncadd.s32 $0xFFFFEC00  }
0x6c: {  	[tilespmem:s17], [sflag:$0x1] =	stream.indirect.gather [hbm4b:s2+s16], $0x80, s31, s16, $0xb8;
	[tilespmem:$0x1E400] =	vst v63  }
0x6d: {  	s1 =	simm.s32 $0x80  }
0x6e: {  	[tilespmem:s18], [sflag:$0x2] =	stream.indirect.gather [hbm4b:s2+s16], $0x80, s1, s16, $0xb8;
	[tilespmem:$0x1E400] =	vst v63  }
0x6f: {  	_ =	swait.ge [sflag:s19], $0x4000  }
0x70: {  	[sflag:s19] =	ssyncset.done $0x0  }
0x71: {  	s31 =	simm.s32 $0x1400;
	[sflag:s19] =	ssyncadd.s32 $0xFFFFC000  }
0x72: {  	[spmem:s3] =	stream.indirect.scatter.add.f32 [tilespmem:s17], [sflag:$0x3], $0x80, s31, s16, $0xb8;
	[tilespmem:$0x1E400] =	vst v63  }
0x73: {  	_ =	swait.ge [sflag:s14], $0x4000  }
0x74: {  	[sflag:s14] =	ssyncset.done $0x0  }
0x75: {  	s1 =	simm.s32 $0x100;
	[sflag:s14] =	ssyncadd.s32 $0xFFFFC000  }
0x76: {  	[tilespmem:s17], [sflag:$0x1] =	stream.indirect.gather [hbm4b:s2+s16], $0x80, s1, s16, $0xb8;
	[tilespmem:$0x1E400] =	vst v63  }
0x77: {  	_ =	swait.ge [sflag:s20], $0x4000  }
0x78: {  	[sflag:s20] =	ssyncset.done $0x0  }
0x79: {  	s31 =	simm.s32 $0x1480;
	[sflag:s20] =	ssyncadd.s32 $0xFFFFC000  }
0x7a: {  	[spmem:s3] =	stream.indirect.scatter.add.f32 [tilespmem:s18], [sflag:$0x3], $0x80, s31, s16, $0xb8;
	[tilespmem:$0x1E400] =	vst v63  }
0x7b: {  	_ =	swait.ge [sflag:s14], $0x4000  }
0x7c: {  	s30 =	simm.s32 $0x800;
	s29 =	simm.s32 $0x100;
	[sflag:s14] =	ssyncset.done $0x0  }
.LBB2_4:
0x7d: {  	s0 =	sadd.s32 $0x80, s29  }
0x7e: {  	[sflag:s14] =	ssyncadd.s32 $0xFFFFC000;
	s1 =	smov.u32 s30;
	s31 =	sadd.s32 $0x400, s30  }
0x7f: {  	[tilespmem:s18], [sflag:$0x2] =	stream.indirect.gather [hbm4b:s2+s16], $0x80, s0, s16, $0xb8;
	[tilespmem:$0x1E400] =	vst v63  }
0x80: {  	p1 =	sne.s32 s30, $0x4800;
	_ =	swait.ge [sflag:s19], $0x4000  }
0x81: {  	[sflag:s19] =	ssyncset.done $0x0  }
0x82: {  	s0 =	sadd.s32 $0x1400, s29;
	[sflag:s19] =	ssyncadd.s32 $0xFFFFC000  }
0x83: {  	[spmem:s3] =	stream.indirect.scatter.add.f32 [tilespmem:s17], [sflag:$0x3], $0x80, s0, s16, $0xb8;
	[tilespmem:$0x1E400] =	vst v63  }
0x84: {  	_ =	swait.ge [sflag:s14], $0x4000  }
0x85: {  	[sflag:s14] =	ssyncset.done $0x0  }
0x86: {  	s0 =	sadd.s32 $0x100, s29;
	[sflag:s14] =	ssyncadd.s32 $0xFFFFC000  }
0x87: {  	[tilespmem:s17], [sflag:$0x1] =	stream.indirect.gather [hbm4b:s2+s16], $0x80, s0, s16, $0xb8;
	[tilespmem:$0x1E400] =	vst v63  }
0x88: {  	_ =	swait.ge [sflag:s20], $0x4000  }
.Ltmp1:
0x89: {  	[sflag:s20] =	ssyncset.done $0x0;
	(pc) =	sbr.rel @p1 .LBB2_4-.Ltmp1, $4  }
0x8a: {  	s0 =	sadd.s32 $0x1480, s29;
	[sflag:s20] =	ssyncadd.s32 $0xFFFFC000  }
0x8b: {  	[spmem:s3] =	stream.indirect.scatter.add.f32 [tilespmem:s18], [sflag:$0x3], $0x80, s0, s16, $0xb8;
	[tilespmem:$0x1E400] =	vst v63  }
0x8c: {  	_ =	swait.ge [sflag:s14], $0x4000  }
0x8d: {  	s30 =	smov.u32 s31;
	s29 =	sshra.s32 s1, $0x2;
	[sflag:s14] =	ssyncset.done $0x0  }
0x8e: {  	s0 =	sadd.s32 $0x80, s29;
	[sflag:s14] =	ssyncadd.s32 $0xFFFFC000  }
0x8f: {  	[tilespmem:s18], [sflag:$0x2] =	stream.indirect.gather [hbm4b:s2+s16], $0x80, s0, s16, $0xb8;
	[tilespmem:$0x1E400] =	vst v63  }
0x90: {  	_ =	swait.ge [sflag:s19], $0x4000  }
0x91: {  	[sflag:s19] =	ssyncset.done $0x0  }
0x92: {  	s1 =	sadd.s32 $0x1400, s29;
	[sflag:s19] =	ssyncadd.s32 $0xFFFFC000  }
0x93: {  	[spmem:s3] =	stream.indirect.scatter.add.f32 [tilespmem:s17], [sflag:$0x3], $0x80, s1, s16, $0xb8;
	[tilespmem:$0x1E400] =	vst v63  }
0x94: {  	_ =	swait.ge [sflag:s14], $0x4000  }
0x95: {  	[sflag:s14] =	ssyncset.done $0x0  }
0x96: {  	s30 =	sadd.s32 $0x100, s29;
	[sflag:s14] =	ssyncadd.s32 $0xFFFFC000  }
0x97: {  	[tilespmem:s17], [sflag:$0x1] =	stream.indirect.gather [hbm4b:s2+s16], $0x80, s30, s16, $0xb8;
	[tilespmem:$0x1E400] =	vst v63  }
0x98: {  	_ =	swait.ge [sflag:s20], $0x4000  }
0x99: {  	[sflag:s20] =	ssyncset.done $0x0  }
0x9a: {  	s31 =	sadd.s32 $0x1480, s29;
	[sflag:s20] =	ssyncadd.s32 $0xFFFFC000  }
0x9b: {  	[spmem:s3] =	stream.indirect.scatter.add.f32 [tilespmem:s18], [sflag:$0x3], $0x80, s31, s16, $0xb8;
	[tilespmem:$0x1E400] =	vst v63  }
0x9c: {  	_ =	swait.ge [sflag:s14], $0x4000  }
0x9d: {  	[sflag:s14] =	ssyncset.done $0x0  }
0x9e: {  	[sflag:s14] =	ssyncadd.s32 $0xFFFFC000  }
0x9f: {  	[tilespmem:s18], [sflag:$0x2] =	stream.indirect.gather [hbm4b:s2+s16], $0x80, s21, s16, $0xb8;
	[tilespmem:$0x1E400] =	vst v63  }
0xa0: {  	_ =	swait.ge [sflag:s19], $0x4000  }
0xa1: {  	[sflag:s19] =	ssyncset.done $0x0  }
0xa2: {  	[sflag:s19] =	ssyncadd.s32 $0xFFFFC000  }
0xa3: {  	[spmem:s3] =	stream.indirect.scatter.add.f32 [tilespmem:s17], [sflag:$0x3], $0x80, s22, s16, $0xb8;
	[tilespmem:$0x1E400] =	vst v63  }
0xa4: {  	_ =	swait.ge [sflag:s14], $0x4000  }
0xa5: {  	[sflag:s14] =	ssyncset.done $0x0  }
0xa6: {  	[sflag:s14] =	ssyncadd.s32 $0xFFFFC000  }
0xa7: {  	_ =	swait.ge [sflag:s20], $0x4000  }
0xa8: {  	[sflag:s20] =	ssyncset.done $0x0  }
0xa9: {  	[sflag:s20] =	ssyncadd.s32 $0xFFFFC000  }
0xaa: {  	[spmem:s3] =	stream.indirect.scatter.add.f32 [tilespmem:s18], [sflag:$0x3], $0x80, s26, s16, $0xb8;
	[tilespmem:$0x1E400] =	vst v63  }
0xab: {  	_ =	swait.ge [sflag:s14], $0x4000  }
0xac: {  	[sflag:s14] =	ssyncset.done $0x0  }
0xad: {  	[sflag:s14] =	ssyncadd.s32 $0xFFFFC000  }
0xae: {  	[bflag:$0x0] =	sbarrier.arrive $0xFFFF  }
0xaf: {  	[hbm:s23], [sflag:s6] =	dma.local [spmem:s24], $0x2700  }
0xb0: {  	_ =	swait.ge [sflag:s14], $0x2700  }
0xb1: {  	s28 =	sadd.s32 $0x1, s28;
	[sflag:s14] =	ssyncset.done $0x0  }
0xb2: {  	s0 =	sadd.s32 @!p0 $0x27000, s11;
	p1 =	sne.s32 s28, s12;
	[sflag:s14] =	ssyncadd.s32 $0xFFFFD900  }
0xb3: {  	[hbm:s0], [sflag:s6] =	dma.local @!p0 [spmem:s25], $0x100  }
.Ltmp2:
0xb4: {  	_ = 	snop;
	(pc) =	sbr.rel @p1 .LBB2_1-.Ltmp2, $4  }
0xb5: {  	s0 =	simm.s32 @!p0 $0x3  }
0xb6: {  	_ =	swait.ge @!p0 [sflag:s0], $0x100  }
0xb7: {  	[sflag:s0] =	ssyncset.done @!p0 $0x0  }
0xb8: {  	[sflag:s0] =	ssyncadd.s32 @!p0 $0xFFFFFF00  }
0xb9: {  	_ =	sfence.sel $0x180000  }
0xba: {  	[bflag:$0x0] =	sbarrier.arrive $0xFFFF  }
0xbb: {  	_ =	strace $0x9000004A  }
0xbc: {  	s0 =	stileid.u32;
	[bflag:$0x2] =	sbarrier.arrive $0xFFFF  }
0xbd: {  	p0 =	sne.s32 s0, $0x0;
	s0 =	rddreg [dreg:$0x3]  }
0xbe: {  	s0 =	sadd.s32 @!p0 $0x100000, s0  }
0xbf: {  	[sflag:s0] =	ssyncadd.tile.s32 @!p0 $0x1;
	_ =	shalt  }
.Lfunc_end2:
_tile_overlayer_lowered:
.L_overlay_start_2:
0xc0: {  	(tag) =	ssettag $0x2  }
0xc1: {  	s0 =	rddreg [dreg:$0x0];
	s2 =	stileid.u32  }
0xc2: {  	s1 =	rddreg [dreg:$0x1];
	p0 =	sne.s32 s2, $0x0  }
0xc3: {  	s3 =	rddreg [dreg:$0x2];
	[bflag:$0x3] =	sbarrier.arrive $0xFFFF;
	s2 =	simm.s32 @!p0 $0x1C03  }
0xc4: {  	[timem:s3], [sflag:s2] =	dma.local @!p0 [hbm:s0], s1  }
0xc5: {  	s0 =	simm.s32 @!p0 $0x3  }
0xc6: {  	_ =	swait.ge @!p0 [sflag:s0], s1  }
0xc7: {  	s1 =	ssub.s32 @!p0 $0x0, s1;
	[sflag:s0] =	ssyncset.done @!p0 $0x0  }
0xc8: {  	[sflag:s0] =	ssyncadd.s32 @!p0 s1  }
0xc9: {  	[bflag:$0x3] =	sbarrier.arrive $0xFFFF  }
0xca: {  	_ =	shalt  }

// kernel: kernel.14.cloned.1.call-start
scs
__scs_entry_jumppad:
0x0: {  	(pc) =	sbr.rel $0x88, $3  }
0x1: {  	(tag) =	ssettag $0x0;
	lr =	simm.s32 $0x1  }
0x2: {  	[smem:$0x3F96] =	sst lr;
	_ =	strace $0xD0000000  }
0x3: {  	_ = 	snop  }
0x4: {  	_ = 	snop  }
0x5: {  	_ = 	snop  }
0x6: {  	_ = 	snop  }
0x7: {  	_ = 	snop  }
__scs_overlays_trampoline_lowered:
0x8: {  	[smem:$0x3FA5] =	sst s0  }
0x9: {  	[smem:$0x3FA6] =	sst s1  }
0xa: {  	[smem:$0x3FA7] =	sst s2  }
0xb: {  	[smem:$0x3FA8] =	sst s3  }
0xc: {  	[smem:$0x3FA9] =	sst s4  }
0xd: {  	[smem:$0x3FAA] =	sst s5  }
0xe: {  	[smem:$0x3FAB] =	sst s6  }
0xf: {  	[smem:$0x3FAC] =	sst s7  }
0x10: {  	[smem:$0x3FAD] =	sst s8  }
0x11: {  	[smem:$0x3FAE] =	sst s9;
	s0 =	simm.s32 @!p0 $0x0  }
0x12: {  	s1 =	sld [smem:$0x3F94];
	s0 =	simm.s32 @p0 $0x1  }
0x13: {  	[smem:$0x3FAF] =	sst s0;
	s0 =	simm.s32 @!p1 $0x0  }
0x14: {  	s2 =	sld [smem:$0x3F93];
	s0 =	simm.s32 @p1 $0x1  }
0x15: {  	[smem:$0x3FB0] =	sst s0;
	s0 =	simm.s32 @!p2 $0x0  }
0x16: {  	s3 =	sld [smem:$0x3FDB];
	s0 =	simm.s32 @p2 $0x1  }
0x17: {  	s4 =	simm.s32 $0x1BF5;
	[smem:$0x3FB2] =	sst s0  }
0x18: {  	s0 =	sld [smem:$0x3F95];
	_ =	swait.ge [sflag:s4], $0x0  }
0x19: {  	s7 =	sld [smem:$0x3F96]  }
0x1a: {  	s8 =	sadd.s32 $0xFFFFE003, lr  }
0x1b: {  	s9 =	sadd.s32 $0xFFFFFEF7, lr;
	s5 =	simm.s32 $0xFFFFFFFF;
	p2 =	slt.u32 s8, $0xFFFFF086  }
0x1c: {  	p1 =	slt.u32 s9, $0xF7A;
	s5 =	simm.s32 @!p2 $0x0  }
0x1d: {  	s5 =	simm.s32 @p1 $0x1;
	p0 =	seq.s32 s7, s2  }
0x1e: {  	s7 =	smul.u32 @!p0 $0xF7A, s2;
	p2 =	seq.s32 @!p0 s5, $0x0  }
0x1f: {  	s9 =	smul.u32 $0xF7A, s1;
	s8 =	simm.s32 @!p0 $0x1BF5;
	p2 =	por !p2, p0  }
0x20: {  	[sflag:s8] =	ssyncset.s32 @!p0 $0xFFFFF086;
	s6 =	sadd.s32 @!p0 s3, s7;
	s7 =	simm.s32 @!p0 $0x108  }
0x21: {  	s3 =	sadd.s32 s3, s9;
	s6 =	sadd.s32 @!p0 $0x88, s6;
	s7 =	simm.s32 @p2 $0x1082  }
0x22: {  	[simem:s7], [sflag:s8] =	dma.local @!p0 [hbm:s6], $0xF7A  }
0x23: {  	s9 =	sor.u32 $0xD0000000, s2;
	s6 =	simm.s32 $0x108;
	_ =	swait.ge @!p0 [sflag:s8], $0x0  }
0x24: {  	s3 =	sadd.s32 $0x88, s3;
	s6 =	simm.s32 @!p1 $0x1082;
	[sflag:s4] =	ssyncset.s32 $0xFFFFF086  }
0x25: {  	[simem:s6], [sflag:s4] =	dma.local [hbm:s3], $0xF7A  }
0x26: {  	[smem:$0x3F96] =	sst s1;
	(tag) =	ssettag s2;
	_ =	strace s9  }
0x27: {  	s1 =	sld [smem:$0x3FA6]  }
0x28: {  	s2 =	sld [smem:$0x3FA7]  }
0x29: {  	s4 =	sld [smem:$0x3FA9]  }
0x2a: {  	p0 =	seq.s32 s5, $0x0;
	s5 =	sld [smem:$0x3FAA]  }
0x2b: {  	s6 =	sld [smem:$0x3FAB]  }
0x2c: {  	s7 =	sld [smem:$0x3FAC]  }
0x2d: {  	s3 =	simm.s32 $0x108;
	s8 =	sld [smem:$0x3FAD]  }
0x2e: {  	s3 =	simm.s32 @!p0 $0x1082;
	s9 =	sld [smem:$0x3FAE]  }
0x2f: {  	lr =	sadd.s32 s0, s3;
	s0 =	sld [smem:$0x3FA5]  }
0x30: {  	s3 =	sld [smem:$0x3FA8]  }
0x31: {  	[smem:$0x3FB1] =	sst s10  }
0x32: {  	s10 =	sld [smem:$0x3FAF];
	_ =	sdelay $0x3  }
0x33: {  	p0 =	seq.s32 s10, $0x1;
	s10 =	sld [smem:$0x3FB1];
	_ =	sdelay $0x3  }
0x34: {  	[smem:$0x3FB1] =	sst s10  }
0x35: {  	s10 =	sld [smem:$0x3FB0];
	_ =	sdelay $0x3  }
0x36: {  	p1 =	seq.s32 s10, $0x1;
	s10 =	sld [smem:$0x3FB1];
	_ =	sdelay $0x3  }
0x37: {  	[smem:$0x3FB1] =	sst s10  }
0x38: {  	s10 =	sld [smem:$0x3FB2]  }
0x39: {  	_ = 	snop;
	(pc) =	sbr.ind lr, $3  }
0x3a: {  	_ = 	snop  }
0x3b: {  	_ = 	snop  }
0x3c: {  	p2 =	seq.s32 s10, $0x1;
	s10 =	sld [smem:$0x3FB1]  }
0x3d: {  	_ =	shalt  }
0x3e: {  	_ =	shalt  }
0x3f: {  	_ =	shalt  }
0x40: {  	_ =	shalt  }
0x41: {  	_ =	shalt  }
0x42: {  	_ =	shalt  }
0x43: {  	_ =	shalt  }
0x44: {  	_ =	shalt  }
0x45: {  	_ =	shalt  }
0x46: {  	_ =	shalt  }
0x47: {  	_ =	shalt  }
0x48: {  	_ =	shalt  }
0x49: {  	_ =	shalt  }
0x4a: {  	_ =	shalt  }
0x4b: {  	_ =	shalt  }
0x4c: {  	_ =	shalt  }
0x4d: {  	_ =	shalt  }
0x4e: {  	_ =	shalt  }
0x4f: {  	_ =	shalt  }
0x50: {  	_ =	shalt  }
0x51: {  	_ =	shalt  }
0x52: {  	_ =	shalt  }
0x53: {  	_ =	shalt  }
0x54: {  	_ =	shalt  }
0x55: {  	_ =	shalt  }
0x56: {  	_ =	shalt  }
0x57: {  	_ =	shalt  }
0x58: {  	_ =	shalt  }
0x59: {  	_ =	shalt  }
0x5a: {  	_ =	shalt  }
0x5b: {  	_ =	shalt  }
0x5c: {  	_ =	shalt  }
0x5d: {  	_ =	shalt  }
0x5e: {  	_ =	shalt  }
0x5f: {  	_ =	shalt  }
0x60: {  	_ =	shalt  }
0x61: {  	_ =	shalt  }
0x62: {  	_ =	shalt  }
0x63: {  	_ =	shalt  }
0x64: {  	_ =	shalt  }
0x65: {  	_ =	shalt  }
0x66: {  	_ =	shalt  }
0x67: {  	_ =	shalt  }
0x68: {  	_ =	shalt  }
0x69: {  	_ =	shalt  }
0x6a: {  	_ =	shalt  }
0x6b: {  	_ =	shalt  }
0x6c: {  	_ =	shalt  }
0x6d: {  	_ =	shalt  }
0x6e: {  	_ =	shalt  }
0x6f: {  	_ =	shalt  }
0x70: {  	_ =	shalt  }
0x71: {  	_ =	shalt  }
0x72: {  	_ =	shalt  }
0x73: {  	_ =	shalt  }
0x74: {  	_ =	shalt  }
0x75: {  	_ =	shalt  }
0x76: {  	_ =	shalt  }
0x77: {  	_ =	shalt  }
0x78: {  	_ =	shalt  }
0x79: {  	_ =	shalt  }
0x7a: {  	_ =	shalt  }
0x7b: {  	_ =	shalt  }
0x7c: {  	_ =	shalt  }
0x7d: {  	_ =	shalt  }
0x7e: {  	_ =	shalt  }
0x7f: {  	_ =	shalt  }
0x80: {  	_ =	shalt  }
0x81: {  	_ =	shalt  }
0x82: {  	_ =	shalt  }
0x83: {  	_ =	shalt  }
0x84: {  	_ =	shalt  }
0x85: {  	_ =	shalt  }
0x86: {  	_ =	shalt  }
0x87: {  	_ =	shalt  }
.Lfunc_end0:
.L_simem_size_0:
called_computation.2_lowered:
.L_overlay_start_0:
0x88: {  	s2 =	sld [smem:$0x3FD9]  }
0x89: {  	s3 =	sld [smem:$0x3FFE];
	_ =	sdelay $0x1  }
0x8a: {  	s1 =	srdreg.scid  }
0x8b: {  	s0 =	sand.u32 $0x1, s1  }
0x8c: {  	s16 =	sshll.u32 s0, $0xA;
	s2 =	sadd.s32 s3, s2  }
0x8d: {  	s2 =	sadd.s32 s2, s16  }
0x8e: {  	[smem:$0x3FBD] =	sst s2  }
0x8f: {  	_ = 	snop  }
0x90: {  	(tm) =	ssettm $0x1  }
0x91: {  	s17 =	sld [smem:$0x3FFB];
	_ =	sdelay $0x3  }
0x92: {  	_ =	strace s17  }
0x93: {  	s2 =	sld [smem:$0x3FFC];
	_ =	sdelay $0x3  }
0x94: {  	_ =	strace s2  }
0x95: {  	s2 =	sld [smem:$0x3FFD];
	_ =	sdelay $0x3  }
0x96: {  	_ =	strace s2  }
0x97: {  	_ =	strace $0x8FFFFFFF  }
0x98: {  	s18 =	sld [smem:$0x3FDB];
	_ =	sdelay $0x1  }
0x99: {  	s19 =	simm.s32 $_scs_section_size  }
0x9a: {  	s4 =	simm.s32 $_size__tile_overlayer_lowered;
	s5 =	simm.s32 $_tile_overlayer_lowered  }
0x9b: {  	s22 =	simm.s32 $0x1BFF;
	s21 =	sshll.u32 s5, $0x1;
	s2 =	sadd.s32 s19, s18  }
0x9c: {  	s6 =	simm.s32 $0x0;
	s20 =	sshll.u32 s4, $0x1;
	s4 =	sadd.s32 s21, s2  }
0x9d: {  	[timem:s6], [sflag:s22] =	dma.local [hbm:s4], s20  }
0x9e: {  	_ =	swait.ge [sflag:s22], s20  }
0x9f: {  	s3 =	ssub.s32 $0x0, s20;
	[sflag:s22] =	ssyncset.done $0x0  }
0xa0: {  	[sflag:s22] =	ssyncadd.s32 s3;
	_ =	sdelay $0x1  }
0xa1: {  	s23 =	simm.s32 $0x1B8B  }
0xa2: {  	_ =	swait.ge [sflag:s23], $0x1  }
0xa3: {  	[sflag:s23] =	ssyncset.done $0x0  }
0xa4: {  	s25 =	simm.s32 $0x1B8E;
	s24 =	sld [smem:$0x3FFE];
	[sflag:s23] =	ssyncadd.s32 $0xFFFFFFFF  }
0xa5: {  	s26 =	simm.s32 $execute0_lowered;
	[smem:$0x3FD2] =	sst s25  }
0xa6: {  	s4 =	sshll.u32 s26, $0x1;
	_ =	strace $0x8000004C;
	[dreg:$0x1] =	wrdreg $0xFFFFFFFF  }
0xa7: {  	s28 =	simm.s32 $_size_execute0_lowered;
	s2 =	sadd.s32 s2, s4;
	[dreg:$0x0] =	wrdreg $0x0  }
0xa8: {  	s4 =	sshll.u32 s28, $0x1;
	[dreg:$0x2] =	wrdreg s2  }
0xa9: {  	[dreg:$0x3] =	wrdreg s4  }
0xaa: {  	[dreg:$0x4] =	wrdreg $0xC0  }
0xab: {  	_ =	task [dreg:s6], $0x5FFFF  }
0xac: {  	[dreg:$0x1] =	wrdreg $0xFFFFFFFF  }
0xad: {  	[dreg:$0x0] =	wrdreg $0x60  }
0xae: {  	[dreg:$0x2] =	wrdreg s24  }
0xaf: {  	[dreg:$0x3] =	wrdreg $0xA8000  }
0xb0: {  	[dreg:$0x4] =	wrdreg $0x9  }
0xb1: {  	_ =	task.clear_ibuf [dreg:s6], $0x5FFFF;
	_ =	strace $0x9000004C  }
0xb2: {  	s29 =	simm.s32 $0x9;
	_ =	strace $0x8000004E  }
0xb3: {  	_ =	swait.ge [sflag:s29], $0x1  }
0xb4: {  	[sflag:s29] =	ssyncadd.s32 $0xFFFFFFFF  }
0xb5: {  	_ =	strace $0x9000004E  }
0xb6: {  	_ =	sfence  }
0xb7: {  	s30 =	sld [smem:$0x0];
	_ =	sdelay $0x2  }
0xb8: {  	s31 =	sshll.u32 s1, $0xD;
	s1 =	sshrl.u32 s1, $0x2  }
0xb9: {  	s3 =	sand.u32 $0x4000, s31;
	s1 =	sadd.s32 s1, s30  }
0xba: {  	s0 =	sor.u32 s3, s0;
	s1 =	sshll.u32 s1, $0x11  }
0xbb: {  	s0 =	sor.u32 s1, s0  }
0xbc: {  	s0 =	sadd.s32 $0x8F2B, s0  }
0xbd: {  	[sflag:s0] =	ssyncadd.remote.s32 $0x1  }
0xbe: {  	_ =	sfence.sel $0xFFFF  }
0xbf: {  	[dreg:$0x0] =	wrdreg $0xFFFFFFFF;
	(pc) =	sbr.abs _section_cstart, $3  }
0xc0: {  	[dreg:$0x1] =	wrdreg $0xFFFFFFFF  }
0xc1: {  	_ =	task.clear_ibuf [dreg:s6], $0x2FFFF;
	_ =	strace $0x9FFFFFFF  }
0xc2: {  	(tm) =	ssettm $0x7FFFFFFF  }
0xc3: {  	_ =	shalt  }
tec
execute0_lowered:
.L_overlay_start_1:
0x0: {  	(tag) =	ssettag $0x1  }
0x1: {  	s5 =	rddreg [dreg:$0x0]  }
0x2: {  	s2 =	rddreg [dreg:$0x1]  }
0x3: {  	s3 =	simm.s32 $0x0;
	s0 =	stileid.u32;
	s4 =	srdreg.scid  }
0x4: {  	s16 =	simm.s32 $0x80;
	s17 =	simm.s32 $0x2800;
	s18 =	simm.s32 $0x6800  }
0x5: {  	s19 =	simm.s32 $0x1;
	s20 =	simm.s32 $0x2;
	s21 =	simm.s32 $0x1380  }
0x6: {  	s22 =	simm.s32 $0x2700;
	s28 =	simm.s32 $0x0;
	s6 =	smul.u32 $0x2780, s0  }
0x7: {  	[smem:$0x7FF] =	sst s3;
	s7 =	sand.u32 $0x1, s4;
	s11 =	smul.u32 $0x4F000, s0  }
0x8: {  	s9 =	sadd.s32 $0xB800, s5;
	s10 =	sadd.s32 $0x1800, s5;
	s14 =	smul.u32 $0x50, s0  }
0x9: {  	s4 =	sadd.s32 $0x3D000, s5;
	s29 =	sshll.u32 s0, $0x6;
	s31 =	smul.u32 $0x4E000, s0  }
0xa: {  	s23 =	smul.u32 $0x2700, s0;
	s25 =	sadd.s32 $0x138000, s2;
	p0 =	sne.s32 s0, $0xF  }
0xb: {  	_ =	strace $0x8000004D;
	s8 =	smul.u32 $0x27100, s7;
	s12 =	ssub.s32 $0x2, s7  }
0xc: {  	s7 =	smul.u32 $0x500, s7;
	s25 =	sshrl.u32 @!p0 s25, $0x3;
	s6 =	sadd.s32 s6, s5  }
0xd: {  	s13 =	sshrl.u32 s12, $0x1;
	s11 =	sshrl.u32 s11, $0x2;
	s15 =	sadd.s32 s8, s5  }
0xe: {  	s12 =	ssub.s32 s12, s13;
	s26 =	sadd.s32 s11, s2;
	s5 =	sadd.s32 $0x15800, s6  }
0xf: {  	s7 =	sadd.s32 s14, s7;
	s6 =	sor.u32 $0x1C03, s29;
	s14 =	sshrl.u32 s31, $0x2  }
0x10: {  	s30 =	sshll.u32 s7, $0x4;
	s24 =	sadd.s32 s14, s2;
	s12 =	smax.u32 s12, $0x1  }
0x11: {  	s13 =	sshrl.u32 s26, $0x3;
	s14 =	simm.s32 $0x3;
	s26 =	simm.s32 $0x2780  }
0x12: {  	s7 =	sadd.s32 s9, s30;
	s8 =	sadd.s32 s10, s30;
	s11 =	sadd.s32 $0x280, s30  }
0x13: {  	s9 =	sadd.s32 s9, s11;
	s10 =	sadd.s32 s10, s11;
	s11 =	sadd.s32 $0x64200, s15  }
0x14: {  	s24 =	sshrl.u32 s24, $0x3;
	s15 =	simm.s32 $0x1400;
	s23 =	sadd.s32 s23, s11  }
.LBB2_1:
0x15: {  	[spmem:s13], [sflag:s6] =	dma.local [hbm:s5], $0x2780  }
0x16: {  	_ =	swait.ge [sflag:s14], $0x2780  }
0x17: {  	[sflag:s14] =	ssyncset.done $0x0  }
0x18: {  	[sflag:s14] =	ssyncadd.s32 $0xFFFFD880  }
0x19: {  	[bflag:$0x0] =	sbarrier.arrive $0xFFFF  }
0x1a: {  	[tilespmem:s3], [sflag:$0x3] =	stream.linear.gather [hbm4b:s7+s3], $0x1400, $0x38;
	[tilespmem:$0x1E400] =	vst v63  }
0x1b: {  	_ =	swait.ge [sflag:s14], $0x1400  }
0x1c: {  	[sflag:s14] =	ssyncset.done $0x0  }
0x1d: {  	[sflag:s14] =	ssyncadd.s32 $0xFFFFEC00  }
0x1e: {  	[tilespmem:s15], [sflag:$0x3] =	stream.linear.gather [hbm4b:s8+s3], $0x1400, $0x38;
	[tilespmem:$0x1E400] =	vst v63  }
0x1f: {  	_ =	swait.ge [sflag:s14], $0x1400  }
0x20: {  	[sflag:s14] =	ssyncset.done $0x0  }
0x21: {  	[sflag:s14] =	ssyncadd.s32 $0xFFFFEC00  }
0x22: {  	[tilespmem:s17], [sflag:$0x1] =	stream.indirect.gather [hbm4b:s4+s16], $0x80, s3, s16, $0xb8;
	[tilespmem:$0x1E400] =	vst v63  }
0x23: {  	s29 =	simm.s32 $0x80  }
0x24: {  	[tilespmem:s18], [sflag:$0x2] =	stream.indirect.gather [hbm4b:s4+s16], $0x80, s29, s16, $0xb8;
	[tilespmem:$0x1E400] =	vst v63  }
0x25: {  	_ =	swait.ge [sflag:s19], $0x4000  }
0x26: {  	[sflag:s19] =	ssyncset.done $0x0  }
0x27: {  	s29 =	simm.s32 $0x1400;
	[sflag:s19] =	ssyncadd.s32 $0xFFFFC000  }
0x28: {  	[spmem:s2] =	stream.indirect.scatter.add.f32 [tilespmem:s17], [sflag:$0x3], $0x80, s29, s16, $0xb8;
	[tilespmem:$0x1E400] =	vst v63  }
0x29: {  	_ =	swait.ge [sflag:s14], $0x4000  }
0x2a: {  	[sflag:s14] =	ssyncset.done $0x0  }
0x2b: {  	s29 =	simm.s32 $0x100;
	[sflag:s14] =	ssyncadd.s32 $0xFFFFC000  }
0x2c: {  	[tilespmem:s17], [sflag:$0x1] =	stream.indirect.gather [hbm4b:s4+s16], $0x80, s29, s16, $0xb8;
	[tilespmem:$0x1E400] =	vst v63  }
0x2d: {  	_ =	swait.ge [sflag:s20], $0x4000  }
0x2e: {  	[sflag:s20] =	ssyncset.done $0x0  }
0x2f: {  	s29 =	simm.s32 $0x1480;
	[sflag:s20] =	ssyncadd.s32 $0xFFFFC000  }
0x30: {  	[spmem:s2] =	stream.indirect.scatter.add.f32 [tilespmem:s18], [sflag:$0x3], $0x80, s29, s16, $0xb8;
	[tilespmem:$0x1E400] =	vst v63  }
0x31: {  	_ =	swait.ge [sflag:s14], $0x4000  }
0x32: {  	s30 =	simm.s32 $0x800;
	s29 =	simm.s32 $0x100;
	[sflag:s14] =	ssyncset.done $0x0  }
.LBB2_2:
0x33: {  	s31 =	sadd.s32 $0x80, s29  }
0x34: {  	[sflag:s14] =	ssyncadd.s32 $0xFFFFC000;
	s0 =	smov.u32 s30;
	s1 =	sadd.s32 $0x400, s30  }
0x35: {  	[tilespmem:s18], [sflag:$0x2] =	stream.indirect.gather [hbm4b:s4+s16], $0x80, s31, s16, $0xb8;
	[tilespmem:$0x1E400] =	vst v63  }
0x36: {  	p1 =	sne.s32 s30, $0x4800;
	_ =	swait.ge [sflag:s19], $0x4000  }
0x37: {  	[sflag:s19] =	ssyncset.done $0x0  }
0x38: {  	s30 =	sadd.s32 $0x1400, s29;
	[sflag:s19] =	ssyncadd.s32 $0xFFFFC000  }
0x39: {  	[spmem:s2] =	stream.indirect.scatter.add.f32 [tilespmem:s17], [sflag:$0x3], $0x80, s30, s16, $0xb8;
	[tilespmem:$0x1E400] =	vst v63  }
0x3a: {  	_ =	swait.ge [sflag:s14], $0x4000  }
0x3b: {  	[sflag:s14] =	ssyncset.done $0x0  }
0x3c: {  	s30 =	sadd.s32 $0x100, s29;
	[sflag:s14] =	ssyncadd.s32 $0xFFFFC000  }
0x3d: {  	[tilespmem:s17], [sflag:$0x1] =	stream.indirect.gather [hbm4b:s4+s16], $0x80, s30, s16, $0xb8;
	[tilespmem:$0x1E400] =	vst v63  }
0x3e: {  	_ =	swait.ge [sflag:s20], $0x4000  }
.Ltmp0:
0x3f: {  	[sflag:s20] =	ssyncset.done $0x0;
	(pc) =	sbr.rel @p1 .LBB2_2-.Ltmp0, $4  }
0x40: {  	s29 =	sadd.s32 $0x1480, s29;
	[sflag:s20] =	ssyncadd.s32 $0xFFFFC000  }
0x41: {  	[spmem:s2] =	stream.indirect.scatter.add.f32 [tilespmem:s18], [sflag:$0x3], $0x80, s29, s16, $0xb8;
	[tilespmem:$0x1E400] =	vst v63  }
0x42: {  	_ =	swait.ge [sflag:s14], $0x4000  }
0x43: {  	s30 =	smov.u32 s1;
	s29 =	sshra.s32 s0, $0x2;
	[sflag:s14] =	ssyncset.done $0x0  }
0x44: {  	s0 =	sadd.s32 $0x80, s29;
	[sflag:s14] =	ssyncadd.s32 $0xFFFFC000  }
0x45: {  	[tilespmem:s18], [sflag:$0x2] =	stream.indirect.gather [hbm4b:s4+s16], $0x80, s0, s16, $0xb8;
	[tilespmem:$0x1E400] =	vst v63  }
0x46: {  	_ =	swait.ge [sflag:s19], $0x4000  }
0x47: {  	[sflag:s19] =	ssyncset.done $0x0  }
0x48: {  	s1 =	sadd.s32 $0x1400, s29;
	[sflag:s19] =	ssyncadd.s32 $0xFFFFC000  }
0x49: {  	[spmem:s2] =	stream.indirect.scatter.add.f32 [tilespmem:s17], [sflag:$0x3], $0x80, s1, s16, $0xb8;
	[tilespmem:$0x1E400] =	vst v63  }
0x4a: {  	_ =	swait.ge [sflag:s14], $0x4000  }
0x4b: {  	[sflag:s14] =	ssyncset.done $0x0  }
0x4c: {  	s31 =	sadd.s32 $0x100, s29;
	[sflag:s14] =	ssyncadd.s32 $0xFFFFC000  }
0x4d: {  	[tilespmem:s17], [sflag:$0x1] =	stream.indirect.gather [hbm4b:s4+s16], $0x80, s31, s16, $0xb8;
	[tilespmem:$0x1E400] =	vst v63  }
0x4e: {  	_ =	swait.ge [sflag:s20], $0x4000  }
0x4f: {  	[sflag:s20] =	ssyncset.done $0x0  }
0x50: {  	s1 =	sadd.s32 $0x1480, s29;
	[sflag:s20] =	ssyncadd.s32 $0xFFFFC000  }
0x51: {  	[spmem:s2] =	stream.indirect.scatter.add.f32 [tilespmem:s18], [sflag:$0x3], $0x80, s1, s16, $0xb8;
	[tilespmem:$0x1E400] =	vst v63  }
0x52: {  	_ =	swait.ge [sflag:s14], $0x4000  }
0x53: {  	[sflag:s14] =	ssyncset.done $0x0  }
0x54: {  	[sflag:s14] =	ssyncadd.s32 $0xFFFFC000  }
0x55: {  	[tilespmem:s18], [sflag:$0x2] =	stream.indirect.gather [hbm4b:s4+s16], $0x80, s21, s16, $0xb8;
	[tilespmem:$0x1E400] =	vst v63  }
0x56: {  	_ =	swait.ge [sflag:s19], $0x4000  }
0x57: {  	[sflag:s19] =	ssyncset.done $0x0  }
0x58: {  	[sflag:s19] =	ssyncadd.s32 $0xFFFFC000  }
0x59: {  	[spmem:s2] =	stream.indirect.scatter.add.f32 [tilespmem:s17], [sflag:$0x3], $0x80, s22, s16, $0xb8;
	[tilespmem:$0x1E400] =	vst v63  }
0x5a: {  	_ =	swait.ge [sflag:s14], $0x4000  }
0x5b: {  	[sflag:s14] =	ssyncset.done $0x0  }
0x5c: {  	[sflag:s14] =	ssyncadd.s32 $0xFFFFC000  }
0x5d: {  	_ =	swait.ge [sflag:s20], $0x4000  }
0x5e: {  	[sflag:s20] =	ssyncset.done $0x0  }
0x5f: {  	[sflag:s20] =	ssyncadd.s32 $0xFFFFC000  }
0x60: {  	[spmem:s2] =	stream.indirect.scatter.add.f32 [tilespmem:s18], [sflag:$0x3], $0x80, s26, s16, $0xb8;
	[tilespmem:$0x1E400] =	vst v63  }
0x61: {  	_ =	swait.ge [sflag:s14], $0x4000  }
0x62: {  	[sflag:s14] =	ssyncset.done $0x0  }
0x63: {  	s31 =	simm.s32 $0x0;
	[sflag:s14] =	ssyncadd.s32 $0xFFFFC000  }
0x64: {  	[tilespmem:s31], [sflag:$0x3] =	stream.linear.gather [hbm4b:s9+s31], $0x1400, $0x38;
	[tilespmem:$0x1E400] =	vst v63  }
0x65: {  	_ =	swait.ge [sflag:s14], $0x1400  }
0x66: {  	[sflag:s14] =	ssyncset.done $0x0  }
0x67: {  	[sflag:s14] =	ssyncadd.s32 $0xFFFFEC00  }
0x68: {  	[tilespmem:s15], [sflag:$0x3] =	stream.linear.gather [hbm4b:s10+s31], $0x1400, $0x38;
	[tilespmem:$0x1E400] =	vst v63  }
0x69: {  	_ =	swait.ge [sflag:s14], $0x1400  }
0x6a: {  	[sflag:s14] =	ssyncset.done $0x0  }
0x6b: {  	[sflag:s14] =	ssyncadd.s32 $0xFFFFEC00  }
0x6c: {  	[tilespmem:s17], [sflag:$0x1] =	stream.indirect.gather [hbm4b:s4+s16], $0x80, s31, s16, $0xb8;
	[tilespmem:$0x1E400] =	vst v63  }
0x6d: {  	s1 =	simm.s32 $0x80  }
0x6e: {  	[tilespmem:s18], [sflag:$0x2] =	stream.indirect.gather [hbm4b:s4+s16], $0x80, s1, s16, $0xb8;
	[tilespmem:$0x1E400] =	vst v63  }
0x6f: {  	_ =	swait.ge [sflag:s19], $0x4000  }
0x70: {  	[sflag:s19] =	ssyncset.done $0x0  }
0x71: {  	s31 =	simm.s32 $0x1400;
	[sflag:s19] =	ssyncadd.s32 $0xFFFFC000  }
0x72: {  	[spmem:s2] =	stream.indirect.scatter.add.f32 [tilespmem:s17], [sflag:$0x3], $0x80, s31, s16, $0xb8;
	[tilespmem:$0x1E400] =	vst v63  }
0x73: {  	_ =	swait.ge [sflag:s14], $0x4000  }
0x74: {  	[sflag:s14] =	ssyncset.done $0x0  }
0x75: {  	s1 =	simm.s32 $0x100;
	[sflag:s14] =	ssyncadd.s32 $0xFFFFC000  }
0x76: {  	[tilespmem:s17], [sflag:$0x1] =	stream.indirect.gather [hbm4b:s4+s16], $0x80, s1, s16, $0xb8;
	[tilespmem:$0x1E400] =	vst v63  }
0x77: {  	_ =	swait.ge [sflag:s20], $0x4000  }
0x78: {  	[sflag:s20] =	ssyncset.done $0x0  }
0x79: {  	s31 =	simm.s32 $0x1480;
	[sflag:s20] =	ssyncadd.s32 $0xFFFFC000  }
0x7a: {  	[spmem:s2] =	stream.indirect.scatter.add.f32 [tilespmem:s18], [sflag:$0x3], $0x80, s31, s16, $0xb8;
	[tilespmem:$0x1E400] =	vst v63  }
0x7b: {  	_ =	swait.ge [sflag:s14], $0x4000  }
0x7c: {  	s30 =	simm.s32 $0x800;
	s29 =	simm.s32 $0x100;
	[sflag:s14] =	ssyncset.done $0x0  }
.LBB2_4:
0x7d: {  	s0 =	sadd.s32 $0x80, s29  }
0x7e: {  	[sflag:s14] =	ssyncadd.s32 $0xFFFFC000;
	s1 =	smov.u32 s30;
	s31 =	sadd.s32 $0x400, s30  }
0x7f: {  	[tilespmem:s18], [sflag:$0x2] =	stream.indirect.gather [hbm4b:s4+s16], $0x80, s0, s16, $0xb8;
	[tilespmem:$0x1E400] =	vst v63  }
0x80: {  	p1 =	sne.s32 s30, $0x4800;
	_ =	swait.ge [sflag:s19], $0x4000  }
0x81: {  	[sflag:s19] =	ssyncset.done $0x0  }
0x82: {  	s0 =	sadd.s32 $0x1400, s29;
	[sflag:s19] =	ssyncadd.s32 $0xFFFFC000  }
0x83: {  	[spmem:s2] =	stream.indirect.scatter.add.f32 [tilespmem:s17], [sflag:$0x3], $0x80, s0, s16, $0xb8;
	[tilespmem:$0x1E400] =	vst v63  }
0x84: {  	_ =	swait.ge [sflag:s14], $0x4000  }
0x85: {  	[sflag:s14] =	ssyncset.done $0x0  }
0x86: {  	s0 =	sadd.s32 $0x100, s29;
	[sflag:s14] =	ssyncadd.s32 $0xFFFFC000  }
0x87: {  	[tilespmem:s17], [sflag:$0x1] =	stream.indirect.gather [hbm4b:s4+s16], $0x80, s0, s16, $0xb8;
	[tilespmem:$0x1E400] =	vst v63  }
0x88: {  	_ =	swait.ge [sflag:s20], $0x4000  }
.Ltmp1:
0x89: {  	[sflag:s20] =	ssyncset.done $0x0;
	(pc) =	sbr.rel @p1 .LBB2_4-.Ltmp1, $4  }
0x8a: {  	s0 =	sadd.s32 $0x1480, s29;
	[sflag:s20] =	ssyncadd.s32 $0xFFFFC000  }
0x8b: {  	[spmem:s2] =	stream.indirect.scatter.add.f32 [tilespmem:s18], [sflag:$0x3], $0x80, s0, s16, $0xb8;
	[tilespmem:$0x1E400] =	vst v63  }
0x8c: {  	_ =	swait.ge [sflag:s14], $0x4000  }
0x8d: {  	s30 =	smov.u32 s31;
	s29 =	sshra.s32 s1, $0x2;
	[sflag:s14] =	ssyncset.done $0x0  }
0x8e: {  	s0 =	sadd.s32 $0x80, s29;
	[sflag:s14] =	ssyncadd.s32 $0xFFFFC000  }
0x8f: {  	[tilespmem:s18], [sflag:$0x2] =	stream.indirect.gather [hbm4b:s4+s16], $0x80, s0, s16, $0xb8;
	[tilespmem:$0x1E400] =	vst v63  }
0x90: {  	_ =	swait.ge [sflag:s19], $0x4000  }
0x91: {  	[sflag:s19] =	ssyncset.done $0x0  }
0x92: {  	s1 =	sadd.s32 $0x1400, s29;
	[sflag:s19] =	ssyncadd.s32 $0xFFFFC000  }
0x93: {  	[spmem:s2] =	stream.indirect.scatter.add.f32 [tilespmem:s17], [sflag:$0x3], $0x80, s1, s16, $0xb8;
	[tilespmem:$0x1E400] =	vst v63  }
0x94: {  	_ =	swait.ge [sflag:s14], $0x4000  }
0x95: {  	[sflag:s14] =	ssyncset.done $0x0  }
0x96: {  	s30 =	sadd.s32 $0x100, s29;
	[sflag:s14] =	ssyncadd.s32 $0xFFFFC000  }
0x97: {  	[tilespmem:s17], [sflag:$0x1] =	stream.indirect.gather [hbm4b:s4+s16], $0x80, s30, s16, $0xb8;
	[tilespmem:$0x1E400] =	vst v63  }
0x98: {  	_ =	swait.ge [sflag:s20], $0x4000  }
0x99: {  	[sflag:s20] =	ssyncset.done $0x0  }
0x9a: {  	s31 =	sadd.s32 $0x1480, s29;
	[sflag:s20] =	ssyncadd.s32 $0xFFFFC000  }
0x9b: {  	[spmem:s2] =	stream.indirect.scatter.add.f32 [tilespmem:s18], [sflag:$0x3], $0x80, s31, s16, $0xb8;
	[tilespmem:$0x1E400] =	vst v63  }
0x9c: {  	_ =	swait.ge [sflag:s14], $0x4000  }
0x9d: {  	[sflag:s14] =	ssyncset.done $0x0  }
0x9e: {  	[sflag:s14] =	ssyncadd.s32 $0xFFFFC000  }
0x9f: {  	[tilespmem:s18], [sflag:$0x2] =	stream.indirect.gather [hbm4b:s4+s16], $0x80, s21, s16, $0xb8;
	[tilespmem:$0x1E400] =	vst v63  }
0xa0: {  	_ =	swait.ge [sflag:s19], $0x4000  }
0xa1: {  	[sflag:s19] =	ssyncset.done $0x0  }
0xa2: {  	[sflag:s19] =	ssyncadd.s32 $0xFFFFC000  }
0xa3: {  	[spmem:s2] =	stream.indirect.scatter.add.f32 [tilespmem:s17], [sflag:$0x3], $0x80, s22, s16, $0xb8;
	[tilespmem:$0x1E400] =	vst v63  }
0xa4: {  	_ =	swait.ge [sflag:s14], $0x4000  }
0xa5: {  	[sflag:s14] =	ssyncset.done $0x0  }
0xa6: {  	[sflag:s14] =	ssyncadd.s32 $0xFFFFC000  }
0xa7: {  	_ =	swait.ge [sflag:s20], $0x4000  }
0xa8: {  	[sflag:s20] =	ssyncset.done $0x0  }
0xa9: {  	[sflag:s20] =	ssyncadd.s32 $0xFFFFC000  }
0xaa: {  	[spmem:s2] =	stream.indirect.scatter.add.f32 [tilespmem:s18], [sflag:$0x3], $0x80, s26, s16, $0xb8;
	[tilespmem:$0x1E400] =	vst v63  }
0xab: {  	_ =	swait.ge [sflag:s14], $0x4000  }
0xac: {  	[sflag:s14] =	ssyncset.done $0x0  }
0xad: {  	[sflag:s14] =	ssyncadd.s32 $0xFFFFC000  }
0xae: {  	[bflag:$0x0] =	sbarrier.arrive $0xFFFF  }
0xaf: {  	[hbm:s23], [sflag:s6] =	dma.local [spmem:s24], $0x2700  }
0xb0: {  	_ =	swait.ge [sflag:s14], $0x2700  }
0xb1: {  	s28 =	sadd.s32 $0x1, s28;
	[sflag:s14] =	ssyncset.done $0x0  }
0xb2: {  	s0 =	sadd.s32 @!p0 $0x27000, s11;
	p1 =	sne.s32 s28, s12;
	[sflag:s14] =	ssyncadd.s32 $0xFFFFD900  }
0xb3: {  	[hbm:s0], [sflag:s6] =	dma.local @!p0 [spmem:s25], $0x100  }
.Ltmp2:
0xb4: {  	_ = 	snop;
	(pc) =	sbr.rel @p1 .LBB2_1-.Ltmp2, $4  }
0xb5: {  	s0 =	simm.s32 @!p0 $0x3  }
0xb6: {  	_ =	swait.ge @!p0 [sflag:s0], $0x100  }
0xb7: {  	[sflag:s0] =	ssyncset.done @!p0 $0x0  }
0xb8: {  	[sflag:s0] =	ssyncadd.s32 @!p0 $0xFFFFFF00  }
0xb9: {  	_ =	sfence.sel $0x180000  }
0xba: {  	[bflag:$0x0] =	sbarrier.arrive $0xFFFF  }
0xbb: {  	_ =	strace $0x9000004D  }
0xbc: {  	s0 =	stileid.u32;
	[bflag:$0x2] =	sbarrier.arrive $0xFFFF  }
0xbd: {  	p0 =	sne.s32 s0, $0x0;
	s0 =	rddreg [dreg:$0x2]  }
0xbe: {  	s0 =	sadd.s32 @!p0 $0x100000, s0  }
0xbf: {  	[sflag:s0] =	ssyncadd.tile.s32 @!p0 $0x1;
	_ =	shalt  }
.Lfunc_end2:
_tile_overlayer_lowered:
.L_overlay_start_2:
0xc0: {  	(tag) =	ssettag $0x2  }
0xc1: {  	s0 =	rddreg [dreg:$0x0];
	s2 =	stileid.u32  }
0xc2: {  	s1 =	rddreg [dreg:$0x1];
	p0 =	sne.s32 s2, $0x0  }
0xc3: {  	s3 =	rddreg [dreg:$0x2];
	[bflag:$0x3] =	sbarrier.arrive $0xFFFF;
	s2 =	simm.s32 @!p0 $0x1C03  }
0xc4: {  	[timem:s3], [sflag:s2] =	dma.local @!p0 [hbm:s0], s1  }
0xc5: {  	s0 =	simm.s32 @!p0 $0x3  }
0xc6: {  	_ =	swait.ge @!p0 [sflag:s0], s1  }
0xc7: {  	s1 =	ssub.s32 @!p0 $0x0, s1;
	[sflag:s0] =	ssyncset.done @!p0 $0x0  }
0xc8: {  	[sflag:s0] =	ssyncadd.s32 @!p0 s1  }
0xc9: {  	[bflag:$0x3] =	sbarrier.arrive $0xFFFF  }
0xca: {  	_ =	shalt  }

// kernel: kernel.17.cloned.1.call-start
scs
__scs_entry_jumppad:
0x0: {  	(pc) =	sbr.rel $0x88, $3  }
0x1: {  	(tag) =	ssettag $0x0;
	lr =	simm.s32 $0x1  }
0x2: {  	[smem:$0x3F96] =	sst lr;
	_ =	strace $0xD0000000  }
0x3: {  	_ = 	snop  }
0x4: {  	_ = 	snop  }
0x5: {  	_ = 	snop  }
0x6: {  	_ = 	snop  }
0x7: {  	_ = 	snop  }
__scs_overlays_trampoline_lowered:
0x8: {  	[smem:$0x3FA5] =	sst s0  }
0x9: {  	[smem:$0x3FA6] =	sst s1  }
0xa: {  	[smem:$0x3FA7] =	sst s2  }
0xb: {  	[smem:$0x3FA8] =	sst s3  }
0xc: {  	[smem:$0x3FA9] =	sst s4  }
0xd: {  	[smem:$0x3FAA] =	sst s5  }
0xe: {  	[smem:$0x3FAB] =	sst s6  }
0xf: {  	[smem:$0x3FAC] =	sst s7  }
0x10: {  	[smem:$0x3FAD] =	sst s8  }
0x11: {  	[smem:$0x3FAE] =	sst s9;
	s0 =	simm.s32 @!p0 $0x0  }
0x12: {  	s1 =	sld [smem:$0x3F94];
	s0 =	simm.s32 @p0 $0x1  }
0x13: {  	[smem:$0x3FAF] =	sst s0;
	s0 =	simm.s32 @!p1 $0x0  }
0x14: {  	s2 =	sld [smem:$0x3F93];
	s0 =	simm.s32 @p1 $0x1  }
0x15: {  	[smem:$0x3FB0] =	sst s0;
	s0 =	simm.s32 @!p2 $0x0  }
0x16: {  	s3 =	sld [smem:$0x3FDB];
	s0 =	simm.s32 @p2 $0x1  }
0x17: {  	s4 =	simm.s32 $0x1BF5;
	[smem:$0x3FB2] =	sst s0  }
0x18: {  	s0 =	sld [smem:$0x3F95];
	_ =	swait.ge [sflag:s4], $0x0  }
0x19: {  	s7 =	sld [smem:$0x3F96]  }
0x1a: {  	s8 =	sadd.s32 $0xFFFFE003, lr  }
0x1b: {  	s9 =	sadd.s32 $0xFFFFFEF7, lr;
	s5 =	simm.s32 $0xFFFFFFFF;
	p2 =	slt.u32 s8, $0xFFFFF086  }
0x1c: {  	p1 =	slt.u32 s9, $0xF7A;
	s5 =	simm.s32 @!p2 $0x0  }
0x1d: {  	s5 =	simm.s32 @p1 $0x1;
	p0 =	seq.s32 s7, s2  }
0x1e: {  	s7 =	smul.u32 @!p0 $0xF7A, s2;
	p2 =	seq.s32 @!p0 s5, $0x0  }
0x1f: {  	s9 =	smul.u32 $0xF7A, s1;
	s8 =	simm.s32 @!p0 $0x1BF5;
	p2 =	por !p2, p0  }
0x20: {  	[sflag:s8] =	ssyncset.s32 @!p0 $0xFFFFF086;
	s6 =	sadd.s32 @!p0 s3, s7;
	s7 =	simm.s32 @!p0 $0x108  }
0x21: {  	s3 =	sadd.s32 s3, s9;
	s6 =	sadd.s32 @!p0 $0x88, s6;
	s7 =	simm.s32 @p2 $0x1082  }
0x22: {  	[simem:s7], [sflag:s8] =	dma.local @!p0 [hbm:s6], $0xF7A  }
0x23: {  	s9 =	sor.u32 $0xD0000000, s2;
	s6 =	simm.s32 $0x108;
	_ =	swait.ge @!p0 [sflag:s8], $0x0  }
0x24: {  	s3 =	sadd.s32 $0x88, s3;
	s6 =	simm.s32 @!p1 $0x1082;
	[sflag:s4] =	ssyncset.s32 $0xFFFFF086  }
0x25: {  	[simem:s6], [sflag:s4] =	dma.local [hbm:s3], $0xF7A  }
0x26: {  	[smem:$0x3F96] =	sst s1;
	(tag) =	ssettag s2;
	_ =	strace s9  }
0x27: {  	s1 =	sld [smem:$0x3FA6]  }
0x28: {  	s2 =	sld [smem:$0x3FA7]  }
0x29: {  	s4 =	sld [smem:$0x3FA9]  }
0x2a: {  	p0 =	seq.s32 s5, $0x0;
	s5 =	sld [smem:$0x3FAA]  }
0x2b: {  	s6 =	sld [smem:$0x3FAB]  }
0x2c: {  	s7 =	sld [smem:$0x3FAC]  }
0x2d: {  	s3 =	simm.s32 $0x108;
	s8 =	sld [smem:$0x3FAD]  }
0x2e: {  	s3 =	simm.s32 @!p0 $0x1082;
	s9 =	sld [smem:$0x3FAE]  }
0x2f: {  	lr =	sadd.s32 s0, s3;
	s0 =	sld [smem:$0x3FA5]  }
0x30: {  	s3 =	sld [smem:$0x3FA8]  }
0x31: {  	[smem:$0x3FB1] =	sst s10  }
0x32: {  	s10 =	sld [smem:$0x3FAF];
	_ =	sdelay $0x3  }
0x33: {  	p0 =	seq.s32 s10, $0x1;
	s10 =	sld [smem:$0x3FB1];
	_ =	sdelay $0x3  }
0x34: {  	[smem:$0x3FB1] =	sst s10  }
0x35: {  	s10 =	sld [smem:$0x3FB0];
	_ =	sdelay $0x3  }
0x36: {  	p1 =	seq.s32 s10, $0x1;
	s10 =	sld [smem:$0x3FB1];
	_ =	sdelay $0x3  }
0x37: {  	[smem:$0x3FB1] =	sst s10  }
0x38: {  	s10 =	sld [smem:$0x3FB2]  }
0x39: {  	_ = 	snop;
	(pc) =	sbr.ind lr, $3  }
0x3a: {  	_ = 	snop  }
0x3b: {  	_ = 	snop  }
0x3c: {  	p2 =	seq.s32 s10, $0x1;
	s10 =	sld [smem:$0x3FB1]  }
0x3d: {  	_ =	shalt  }
0x3e: {  	_ =	shalt  }
0x3f: {  	_ =	shalt  }
0x40: {  	_ =	shalt  }
0x41: {  	_ =	shalt  }
0x42: {  	_ =	shalt  }
0x43: {  	_ =	shalt  }
0x44: {  	_ =	shalt  }
0x45: {  	_ =	shalt  }
0x46: {  	_ =	shalt  }
0x47: {  	_ =	shalt  }
0x48: {  	_ =	shalt  }
0x49: {  	_ =	shalt  }
0x4a: {  	_ =	shalt  }
0x4b: {  	_ =	shalt  }
0x4c: {  	_ =	shalt  }
0x4d: {  	_ =	shalt  }
0x4e: {  	_ =	shalt  }
0x4f: {  	_ =	shalt  }
0x50: {  	_ =	shalt  }
0x51: {  	_ =	shalt  }
0x52: {  	_ =	shalt  }
0x53: {  	_ =	shalt  }
0x54: {  	_ =	shalt  }
0x55: {  	_ =	shalt  }
0x56: {  	_ =	shalt  }
0x57: {  	_ =	shalt  }
0x58: {  	_ =	shalt  }
0x59: {  	_ =	shalt  }
0x5a: {  	_ =	shalt  }
0x5b: {  	_ =	shalt  }
0x5c: {  	_ =	shalt  }
0x5d: {  	_ =	shalt  }
0x5e: {  	_ =	shalt  }
0x5f: {  	_ =	shalt  }
0x60: {  	_ =	shalt  }
0x61: {  	_ =	shalt  }
0x62: {  	_ =	shalt  }
0x63: {  	_ =	shalt  }
0x64: {  	_ =	shalt  }
0x65: {  	_ =	shalt  }
0x66: {  	_ =	shalt  }
0x67: {  	_ =	shalt  }
0x68: {  	_ =	shalt  }
0x69: {  	_ =	shalt  }
0x6a: {  	_ =	shalt  }
0x6b: {  	_ =	shalt  }
0x6c: {  	_ =	shalt  }
0x6d: {  	_ =	shalt  }
0x6e: {  	_ =	shalt  }
0x6f: {  	_ =	shalt  }
0x70: {  	_ =	shalt  }
0x71: {  	_ =	shalt  }
0x72: {  	_ =	shalt  }
0x73: {  	_ =	shalt  }
0x74: {  	_ =	shalt  }
0x75: {  	_ =	shalt  }
0x76: {  	_ =	shalt  }
0x77: {  	_ =	shalt  }
0x78: {  	_ =	shalt  }
0x79: {  	_ =	shalt  }
0x7a: {  	_ =	shalt  }
0x7b: {  	_ =	shalt  }
0x7c: {  	_ =	shalt  }
0x7d: {  	_ =	shalt  }
0x7e: {  	_ =	shalt  }
0x7f: {  	_ =	shalt  }
0x80: {  	_ =	shalt  }
0x81: {  	_ =	shalt  }
0x82: {  	_ =	shalt  }
0x83: {  	_ =	shalt  }
0x84: {  	_ =	shalt  }
0x85: {  	_ =	shalt  }
0x86: {  	_ =	shalt  }
0x87: {  	_ =	shalt  }
.Lfunc_end0:
.L_simem_size_0:
called_computation.3_lowered:
.L_overlay_start_0:
0x88: {  	s2 =	sld [smem:$0x3FD9]  }
0x89: {  	s3 =	sld [smem:$0x3FFE];
	_ =	sdelay $0x1  }
0x8a: {  	s1 =	srdreg.scid  }
0x8b: {  	s0 =	sand.u32 $0x1, s1  }
0x8c: {  	s17 =	sshll.u32 s0, $0xA;
	s2 =	sadd.s32 s3, s2  }
0x8d: {  	s2 =	sadd.s32 s2, s17  }
0x8e: {  	[smem:$0x3FBD] =	sst s2  }
0x8f: {  	_ = 	snop  }
0x90: {  	s2 =	sld [smem:$0x3FD0];
	(tm) =	ssettm $0x1  }
0x91: {  	s18 =	sld [smem:$0x3FFB];
	_ =	sdelay $0x3  }
0x92: {  	_ =	strace s18  }
0x93: {  	s3 =	sld [smem:$0x3FFC];
	_ =	sdelay $0x3  }
0x94: {  	_ =	strace s3  }
0x95: {  	s3 =	sld [smem:$0x3FFD];
	_ =	sdelay $0x3  }
0x96: {  	_ =	strace s3  }
0x97: {  	_ =	strace $0x8FFFFFFF  }
0x98: {  	s19 =	sld [smem:$0x3FDB];
	_ =	sdelay $0x1  }
0x99: {  	s4 =	simm.s32 $_scs_section_size  }
0x9a: {  	s5 =	simm.s32 $_size__tile_overlayer_lowered;
	s6 =	simm.s32 $_tile_overlayer_lowered  }
0x9b: {  	s22 =	simm.s32 $0x1BFF;
	s21 =	sshll.u32 s6, $0x1;
	s3 =	sadd.s32 s4, s19  }
0x9c: {  	s7 =	simm.s32 $0x0;
	s20 =	sshll.u32 s5, $0x1;
	s5 =	sadd.s32 s21, s3  }
0x9d: {  	[timem:s7], [sflag:s22] =	dma.local [hbm:s5], s20  }
0x9e: {  	_ =	swait.ge [sflag:s22], s20  }
0x9f: {  	s4 =	ssub.s32 $0x0, s20;
	[sflag:s22] =	ssyncset.done $0x0  }
0xa0: {  	[sflag:s22] =	ssyncadd.s32 s4;
	_ =	sdelay $0x1  }
0xa1: {  	s23 =	simm.s32 $0x1B8B  }
0xa2: {  	_ =	swait.ge [sflag:s23], $0x1  }
0xa3: {  	[sflag:s23] =	ssyncset.done $0x0  }
0xa4: {  	s25 =	simm.s32 $0x1B8E;
	s24 =	sld [smem:$0x3FFE];
	[sflag:s23] =	ssyncadd.s32 $0xFFFFFFFF  }
0xa5: {  	s26 =	simm.s32 $execute0_lowered;
	[smem:$0x3FD2] =	sst s25  }
0xa6: {  	s5 =	sshll.u32 s26, $0x1;
	_ =	strace $0x8000004F;
	[dreg:$0x1] =	wrdreg $0xFFFFFFFF  }
0xa7: {  	s28 =	simm.s32 $_size_execute0_lowered;
	s3 =	sadd.s32 s3, s5;
	[dreg:$0x0] =	wrdreg $0x0  }
0xa8: {  	s5 =	sshll.u32 s28, $0x1;
	[dreg:$0x2] =	wrdreg s3  }
0xa9: {  	[dreg:$0x3] =	wrdreg s5  }
0xaa: {  	[dreg:$0x4] =	wrdreg $0xC0  }
0xab: {  	_ =	task [dreg:s7], $0x5FFFF  }
0xac: {  	[dreg:$0x1] =	wrdreg $0xFFFFFFFF  }
0xad: {  	[dreg:$0x0] =	wrdreg $0x60  }
0xae: {  	[dreg:$0x2] =	wrdreg s2  }
0xaf: {  	[dreg:$0x3] =	wrdreg s24  }
0xb0: {  	[dreg:$0x4] =	wrdreg $0x77800  }
0xb1: {  	[dreg:$0x5] =	wrdreg $0x9  }
0xb2: {  	_ =	task.clear_ibuf [dreg:s7], $0x6FFFF;
	_ =	strace $0x9000004F  }
0xb3: {  	s29 =	simm.s32 $0x9;
	_ =	strace $0x80000051  }
0xb4: {  	_ =	swait.ge [sflag:s29], $0x1  }
0xb5: {  	[sflag:s29] =	ssyncadd.s32 $0xFFFFFFFF  }
0xb6: {  	_ =	strace $0x90000051  }
0xb7: {  	_ =	sfence  }
0xb8: {  	s30 =	sld [smem:$0x0];
	_ =	sdelay $0x2  }
0xb9: {  	s31 =	sshll.u32 s1, $0xD;
	s1 =	sshrl.u32 s1, $0x2  }
0xba: {  	s3 =	sand.u32 $0x4000, s31;
	s1 =	sadd.s32 s1, s30  }
0xbb: {  	s0 =	sor.u32 s3, s0;
	s1 =	sshll.u32 s1, $0x11  }
0xbc: {  	s0 =	sor.u32 s1, s0  }
0xbd: {  	s0 =	sadd.s32 $0x8F2B, s0  }
0xbe: {  	[sflag:s0] =	ssyncadd.remote.s32 $0x1  }
0xbf: {  	_ =	sfence.sel $0xFFFF  }
0xc0: {  	[dreg:$0x0] =	wrdreg $0xFFFFFFFF;
	(pc) =	sbr.abs _section_cstart, $3  }
0xc1: {  	[dreg:$0x1] =	wrdreg $0xFFFFFFFF  }
0xc2: {  	_ =	task.clear_ibuf [dreg:s7], $0x2FFFF;
	_ =	strace $0x9FFFFFFF  }
0xc3: {  	(tm) =	ssettm $0x7FFFFFFF  }
tec
execute0_lowered:
.L_overlay_start_1:
0x0: {  	(tag) =	ssettag $0x1  }
0x1: {  	s1 =	rddreg [dreg:$0x0]  }
0x2: {  	s4 =	rddreg [dreg:$0x1]  }
0x3: {  	s2 =	rddreg [dreg:$0x2];
	s3 =	srdreg.scid  }
0x4: {  	s0 =	rddreg [dreg:$0x3];
	s8 =	stileid.u32;
	s9 =	simm.s32 $0x1000  }
0x5: {  	s10 =	simm.s32 $0x80;
	s11 =	simm.s32 $0x1;
	s12 =	simm.s32 $0x4000  }
0x6: {  	s13 =	simm.s32 $0x0;
	s5 =	sand.u32 $0x1, s3;
	s3 =	simm.s32 $0x0  }
0x7: {  	s6 =	sshll.u32 s8, $0xA;
	p0 =	sne.s32 s8, $0x0;
	s7 =	sshll.u32 s5, $0x9  }
0x8: {  	s8 =	simm.s32 $0x2;
	s5 =	ssub.s32 $0x2, s5;
	s6 =	sor.u32 s7, s6  }
0x9: {  	[smem:$0x7FF] =	sst s3;
	s30 =	sshrl.u32 s5, $0x1;
	s6 =	sadd.s32 s6, s4  }
0xa: {  	_ =	strace $0x80000050;
	s31 =	ssub.s32 s5, s30;
	s4 =	sadd.s32 $0xB2400, s6  }
0xb: {  	s5 =	sadd.s32 $0xB6400, s6;
	s6 =	sadd.s32 $0x1800, s6;
	s7 =	smax.u32 s31, $0x1  }
.LBB2_1:
0xc: {  	s14 =	simm.s32 @!p0 $0x0;
	s15 =	simm.s32 @!p0 $0x5000  }
0xd: {  	[tilespmem:s15], [sflag:$0x2] =	stream.linear.gather @!p0 [hbm4b:s1+s14], $0x2780, $0x38;
	[tilespmem:$0x79F8] =	vst v63  }
0xe: {  	s14 =	simm.s32 @!p0 $0x2  }
0xf: {  	_ =	swait.ge @!p0 [sflag:s14], $0x2780  }
0x10: {  	[sflag:s14] =	ssyncset.done @!p0 $0x0  }
0x11: {  	[sflag:s14] =	ssyncadd.s32 @!p0 $0xFFFFD880  }
0x12: {  	[spmem:s2] =	stream.linear.scatter @!p0 [tilespmem:s15], [sflag:$0x2], $0x2780, $0x38;
	[tilespmem:$0x79F8] =	vst v63  }
0x13: {  	_ =	swait.ge @!p0 [sflag:s14], $0x2780  }
0x14: {  	[sflag:s14] =	ssyncset.done @!p0 $0x0  }
0x15: {  	[sflag:s14] =	ssyncadd.s32 @!p0 $0xFFFFD880  }
0x16: {  	[tilespmem:s3], [sflag:$0x2] =	stream.linear.gather [hbm4b:s4+s3], $0xC80, $0x38;
	[tilespmem:$0x79F8] =	vst v63  }
0x17: {  	_ =	swait.ge [sflag:s8], $0xC80  }
0x18: {  	[sflag:s8] =	ssyncset.done $0x0  }
0x19: {  	[sflag:s8] =	ssyncadd.s32 $0xFFFFF380  }
0x1a: {  	[tilespmem:s9], [sflag:$0x2] =	stream.linear.gather [hbm4b:s5+s3], $0xC80, $0x38;
	[tilespmem:$0x79F8] =	vst v63  }
0x1b: {  	_ =	swait.ge [sflag:s8], $0xC80  }
0x1c: {  	s30 =	simm.s32 $0x0;
	[sflag:s8] =	ssyncset.done $0x0  }
0x1d: {  	s31 =	simm.s32 $0x2000;
	s16 =	simm.s32 $0x1000;
	[sflag:s8] =	ssyncadd.s32 $0xFFFFF380  }
0x1e: {  	s15 =	simm.s32 $0x3000;
	s14 =	simm.s32 $0x200;
	[bflag:$0x0] =	sbarrier.arrive $0xFFFF  }
0x1f: {  	[tilespmem:s31], [sflag:$0x1] =	stream.indirect.gather [spmem:s2], $0x1, s30, s10, $0xb8;
	[tilespmem:$0x79F8] =	vst v63  }
.LBB2_2:
0x20: {  	[tilespmem:s15], [sflag:$0x1] =	stream.indirect.gather [spmem:s2], $0x1, s16, s10, $0xb8;
	[tilespmem:$0x79F8] =	vst v63  }
0x21: {  	s15 =	smov.u32 s14;
	p1 =	sne.s32 s14, $0x3000  }
.Ltmp0:
0x22: {  	s14 =	sadd.s32 $0x200, s14;
	(pc) =	sbr.rel @p1 .LBB2_2-.Ltmp0, $4  }
0x23: {  	s16 =	sshra.s32 s15, $0x2  }
0x24: {  	s15 =	sadd.s32 $0x2000, s16  }
0x25: {  	[tilespmem:s15], [sflag:$0x1] =	stream.indirect.gather [spmem:s2], $0x1, s16, s10, $0xb8;
	[tilespmem:$0x79F8] =	vst v63  }
0x26: {  	s15 =	sadd.s32 $0x3000, s16;
	s16 =	sadd.s32 $0x1000, s16  }
0x27: {  	[tilespmem:s15], [sflag:$0x1] =	stream.indirect.gather [spmem:s2], $0x1, s16, s10, $0xb8;
	[tilespmem:$0x79F8] =	vst v63  }
0x28: {  	_ =	swait.ge [sflag:s11], $0xC80  }
0x29: {  	[sflag:s11] =	ssyncset.done $0x0  }
0x2a: {  	[sflag:s11] =	ssyncadd.s32 $0xFFFFF380  }
0x2b: {  	_ =	swait.ge [sflag:s11], $0xC80  }
0x2c: {  	[sflag:s11] =	ssyncset.done $0x0  }
0x2d: {  	s14 =	simm.s32 $0x0;
	[sflag:s11] =	ssyncadd.s32 $0xFFFFF380  }
0x2e: {  	v0 =	vld [tilespmem:s14+$0x2070]  }
0x2f: {  	v1 =	vld [tilespmem:s14+$0x3070]  }
0x30: {  	v2 =	vld [tilespmem:s14+$0x2000]  }
0x31: {  	v3 =	vld [tilespmem:s14+$0x3000]  }
0x32: {  	v4 =	vld [tilespmem:s14+$0x2010]  }
0x33: {  	v5 =	vld [tilespmem:s14+$0x3010]  }
0x34: {  	v6 =	vld [tilespmem:s14+$0x2020]  }
0x35: {  	v7 =	vld [tilespmem:s14+$0x2030]  }
0x36: {  	v0 =	vadd.f32 v1, v0;
	v1 =	vld [tilespmem:s14+$0x3020]  }
0x37: {  	v8 =	vld [tilespmem:s14+$0x3030]  }
0x38: {  	v9 =	vld [tilespmem:s14+$0x3040];
	v2 =	vadd.f32 v3, v2  }
0x39: {  	[tilespmem:s14+$0x4070] =	vst v0;
	v0 =	vadd.f32 v5, v4;
	v5 =	vld [tilespmem:s14+$0x2040]  }
0x3a: {  	v3 =	vld [tilespmem:s14+$0x3050];
	[tilespmem:s14+$0x4000] =	vst v2  }
0x3b: {  	v2 =	vld [tilespmem:s14+$0x2050];
	[tilespmem:s14+$0x4010] =	vst v0;
	v0 =	vadd.f32 v1, v6  }
0x3c: {  	v4 =	vld [tilespmem:s14+$0x3060];
	v6 =	vadd.f32 v8, v7  }
0x3d: {  	s15 =	simm.s32 $0x80;
	[tilespmem:s14+$0x4020] =	vst v0;
	v0 =	vld [tilespmem:s14+$0x2060]  }
0x3e: {  	s16 =	simm.s32 $0x400;
	v5 =	vadd.f32 v9, v5;
	v1 =	vld [tilespmem:s15+$0x2070];
	[tilespmem:s14+$0x4030] =	vst v6  }
.LBB2_4:
0x3f: {  	p1 =	sne.s32 s16, $0x3000;
	v6 =	vld [tilespmem:s15+$0x3070]  }
0x40: {  	v7 =	vld [tilespmem:s15+$0x2000];
	[tilespmem:s14+$0x4040] =	vst v5;
	v2 =	vadd.f32 v3, v2  }
0x41: {  	v3 =	vld [tilespmem:s15+$0x3000]  }
0x42: {  	v5 =	vld [tilespmem:s15+$0x2010];
	[tilespmem:s14+$0x4050] =	vst v2;
	v0 =	vadd.f32 v4, v0  }
0x43: {  	v2 =	vld [tilespmem:s15+$0x3010]  }
0x44: {  	v4 =	vld [tilespmem:s15+$0x2020];
	v1 =	vadd.f32 v6, v1;
	[tilespmem:s14+$0x4060] =	vst v0;
	s14 =	smov.u32 s15  }
0x45: {  	v0 =	vld [tilespmem:s14+$0x3020]  }
0x46: {  	v3 =	vadd.f32 v3, v7;
	v6 =	vld [tilespmem:s14+$0x2030];
	[tilespmem:s14+$0x4070] =	vst v1  }
0x47: {  	v1 =	vld [tilespmem:s14+$0x3030]  }
0x48: {  	[tilespmem:s14+$0x4000] =	vst v3;
	v2 =	vadd.f32 v2, v5;
	v5 =	vld [tilespmem:s14+$0x2040]  }
0x49: {  	v7 =	vld [tilespmem:s14+$0x3040]  }
.Ltmp1:
0x4a: {  	[tilespmem:s14+$0x4010] =	vst v2;
	v0 =	vadd.f32 v0, v4;
	v2 =	vld [tilespmem:s14+$0x2050];
	(pc) =	sbr.rel @p1 .LBB2_4-.Ltmp1, $4  }
0x4b: {  	v3 =	vld [tilespmem:s14+$0x3050]  }
0x4c: {  	[tilespmem:s14+$0x4020] =	vst v0;
	v6 =	vadd.f32 v1, v6;
	v0 =	vld [tilespmem:s14+$0x2060]  }
0x4d: {  	s15 =	sshra.s32 s16, $0x2;
	v4 =	vld [tilespmem:s14+$0x3060]  }
0x4e: {  	s16 =	sadd.s32 $0x200, s16;
	v1 =	vld [tilespmem:s15+$0x2070];
	[tilespmem:s14+$0x4030] =	vst v6;
	v5 =	vadd.f32 v7, v5  }
0x4f: {  	v6 =	vld [tilespmem:s15+$0x3070]  }
0x50: {  	v7 =	vld [tilespmem:s15+$0x2000];
	[tilespmem:s14+$0x4040] =	vst v5;
	v2 =	vadd.f32 v3, v2  }
0x51: {  	v51 =	vld [tilespmem:s15+$0x3000]  }
0x52: {  	v5 =	vld [tilespmem:s15+$0x2010];
	[tilespmem:s14+$0x4050] =	vst v2;
	v0 =	vadd.f32 v4, v0  }
0x53: {  	v2 =	vld [tilespmem:s15+$0x3010]  }
0x54: {  	v52 =	vld [tilespmem:s15+$0x2020];
	[tilespmem:s14+$0x4060] =	vst v0  }
0x55: {  	v54 =	vld [tilespmem:s15+$0x3020]  }
0x56: {  	v55 =	vld [tilespmem:s15+$0x2030]  }
0x57: {  	v56 =	vld [tilespmem:s15+$0x3030]  }
0x58: {  	v57 =	vld [tilespmem:s15+$0x2040]  }
0x59: {  	v58 =	vld [tilespmem:s15+$0x3040]  }
0x5a: {  	v59 =	vld [tilespmem:s15+$0x2050]  }
0x5b: {  	v53 =	vadd.f32 v6, v1;
	v60 =	vld [tilespmem:s15+$0x3050]  }
0x5c: {  	v61 =	vld [tilespmem:s15+$0x2060];
	v3 =	vadd.f32 v51, v7  }
0x5d: {  	v62 =	vld [tilespmem:s15+$0x3060];
	[tilespmem:s15+$0x4070] =	vst v53;
	v2 =	vadd.f32 v2, v5  }
0x5e: {  	[tilespmem:s15+$0x4000] =	vst v3;
	v1 =	vadd.f32 v54, v52  }
0x5f: {  	[tilespmem:s15+$0x4010] =	vst v2;
	v0 =	vadd.f32 v56, v55  }
0x60: {  	v3 =	vadd.f32 v58, v57;
	[tilespmem:s15+$0x4020] =	vst v1  }
0x61: {  	v63 =	vadd.f32 v60, v59;
	[tilespmem:s15+$0x4030] =	vst v0  }
0x62: {  	s13 =	sadd.s32 $0x1, s13;
	[tilespmem:s15+$0x4040] =	vst v3;
	v1 =	vadd.f32 v62, v61  }
0x63: {  	p1 =	sne.s32 s13, s7;
	[tilespmem:s15+$0x4050] =	vst v63  }
.Ltmp2:
0x64: {  	[tilespmem:s15+$0x4060] =	vst v1;
	(pc) =	sbr.rel @p1 .LBB2_1-.Ltmp2, $4  }
0x65: {  	[hbm4b:s6+s3] =	stream.linear.scatter [tilespmem:s12], [sflag:$0x2], $0xC80, $0x38;
	[tilespmem:$0x79F8] =	vst v63  }
0x66: {  	_ =	swait.ge [sflag:s8], $0xC80  }
0x67: {  	[sflag:s8] =	ssyncset.done $0x0  }
0x68: {  	[sflag:s8] =	ssyncadd.s32 $0xFFFFF380  }
0x69: {  	_ =	sfence.sel $0x180000  }
0x6a: {  	[bflag:$0x0] =	sbarrier.arrive $0xFFFF  }
0x6b: {  	_ =	strace $0x90000050  }
0x6c: {  	s0 =	sadd.s32 @!p0 $0x100000, s0;
	[bflag:$0x2] =	sbarrier.arrive $0xFFFF  }
0x6d: {  	[sflag:s0] =	ssyncadd.tile.s32 @!p0 $0x1;
	_ =	shalt  }
.Lfunc_end2:
_tile_overlayer_lowered:
.L_overlay_start_2:
0x6e: {  	(tag) =	ssettag $0x2  }
0x6f: {  	s0 =	rddreg [dreg:$0x0];
	s2 =	stileid.u32  }
0x70: {  	s1 =	rddreg [dreg:$0x1];
	p0 =	sne.s32 s2, $0x0  }
0x71: {  	s3 =	rddreg [dreg:$0x2];
	[bflag:$0x3] =	sbarrier.arrive $0xFFFF;
	s2 =	simm.s32 @!p0 $0x1C02  }
0x72: {  	[timem:s3], [sflag:s2] =	dma.local @!p0 [hbm:s0], s1  }
0x73: {  	s0 =	simm.s32 @!p0 $0x2  }
0x74: {  	_ =	swait.ge @!p0 [sflag:s0], s1  }
0x75: {  	s1 =	ssub.s32 @!p0 $0x0, s1;
	[sflag:s0] =	ssyncset.done @!p0 $0x0  }
0x76: {  	[sflag:s0] =	ssyncadd.s32 @!p0 s1  }
0x77: {  	[bflag:$0x3] =	sbarrier.arrive $0xFFFF  }
0x78: {  	_ =	shalt  }

// kernel: kernel.8.cloned.1.call-start
scs
__scs_entry_jumppad:
0x0: {  	(pc) =	sbr.rel $0x88, $3  }
0x1: {  	(tag) =	ssettag $0x0;
	lr =	simm.s32 $0x1  }
0x2: {  	[smem:$0x3F96] =	sst lr;
	_ =	strace $0xD0000000  }
0x3: {  	_ = 	snop  }
0x4: {  	_ = 	snop  }
0x5: {  	_ = 	snop  }
0x6: {  	_ = 	snop  }
0x7: {  	_ = 	snop  }
__scs_overlays_trampoline_lowered:
0x8: {  	[smem:$0x3FA5] =	sst s0  }
0x9: {  	[smem:$0x3FA6] =	sst s1  }
0xa: {  	[smem:$0x3FA7] =	sst s2  }
0xb: {  	[smem:$0x3FA8] =	sst s3  }
0xc: {  	[smem:$0x3FA9] =	sst s4  }
0xd: {  	[smem:$0x3FAA] =	sst s5  }
0xe: {  	[smem:$0x3FAB] =	sst s6  }
0xf: {  	[smem:$0x3FAC] =	sst s7  }
0x10: {  	[smem:$0x3FAD] =	sst s8  }
0x11: {  	[smem:$0x3FAE] =	sst s9;
	s0 =	simm.s32 @!p0 $0x0  }
0x12: {  	s1 =	sld [smem:$0x3F94];
	s0 =	simm.s32 @p0 $0x1  }
0x13: {  	[smem:$0x3FAF] =	sst s0;
	s0 =	simm.s32 @!p1 $0x0  }
0x14: {  	s2 =	sld [smem:$0x3F93];
	s0 =	simm.s32 @p1 $0x1  }
0x15: {  	[smem:$0x3FB0] =	sst s0;
	s0 =	simm.s32 @!p2 $0x0  }
0x16: {  	s3 =	sld [smem:$0x3FDB];
	s0 =	simm.s32 @p2 $0x1  }
0x17: {  	s4 =	simm.s32 $0x1BF5;
	[smem:$0x3FB2] =	sst s0  }
0x18: {  	s0 =	sld [smem:$0x3F95];
	_ =	swait.ge [sflag:s4], $0x0  }
0x19: {  	s7 =	sld [smem:$0x3F96]  }
0x1a: {  	s8 =	sadd.s32 $0xFFFFE003, lr  }
0x1b: {  	s9 =	sadd.s32 $0xFFFFFEF7, lr;
	s5 =	simm.s32 $0xFFFFFFFF;
	p2 =	slt.u32 s8, $0xFFFFF086  }
0x1c: {  	p1 =	slt.u32 s9, $0xF7A;
	s5 =	simm.s32 @!p2 $0x0  }
0x1d: {  	s5 =	simm.s32 @p1 $0x1;
	p0 =	seq.s32 s7, s2  }
0x1e: {  	s7 =	smul.u32 @!p0 $0xF7A, s2;
	p2 =	seq.s32 @!p0 s5, $0x0  }
0x1f: {  	s9 =	smul.u32 $0xF7A, s1;
	s8 =	simm.s32 @!p0 $0x1BF5;
	p2 =	por !p2, p0  }
0x20: {  	[sflag:s8] =	ssyncset.s32 @!p0 $0xFFFFF086;
	s6 =	sadd.s32 @!p0 s3, s7;
	s7 =	simm.s32 @!p0 $0x108  }
0x21: {  	s3 =	sadd.s32 s3, s9;
	s6 =	sadd.s32 @!p0 $0x88, s6;
	s7 =	simm.s32 @p2 $0x1082  }
0x22: {  	[simem:s7], [sflag:s8] =	dma.local @!p0 [hbm:s6], $0xF7A  }
0x23: {  	s9 =	sor.u32 $0xD0000000, s2;
	s6 =	simm.s32 $0x108;
	_ =	swait.ge @!p0 [sflag:s8], $0x0  }
0x24: {  	s3 =	sadd.s32 $0x88, s3;
	s6 =	simm.s32 @!p1 $0x1082;
	[sflag:s4] =	ssyncset.s32 $0xFFFFF086  }
0x25: {  	[simem:s6], [sflag:s4] =	dma.local [hbm:s3], $0xF7A  }
0x26: {  	[smem:$0x3F96] =	sst s1;
	(tag) =	ssettag s2;
	_ =	strace s9  }
0x27: {  	s1 =	sld [smem:$0x3FA6]  }
0x28: {  	s2 =	sld [smem:$0x3FA7]  }
0x29: {  	s4 =	sld [smem:$0x3FA9]  }
0x2a: {  	p0 =	seq.s32 s5, $0x0;
	s5 =	sld [smem:$0x3FAA]  }
0x2b: {  	s6 =	sld [smem:$0x3FAB]  }
0x2c: {  	s7 =	sld [smem:$0x3FAC]  }
0x2d: {  	s3 =	simm.s32 $0x108;
	s8 =	sld [smem:$0x3FAD]  }
0x2e: {  	s3 =	simm.s32 @!p0 $0x1082;
	s9 =	sld [smem:$0x3FAE]  }
0x2f: {  	lr =	sadd.s32 s0, s3;
	s0 =	sld [smem:$0x3FA5]  }
0x30: {  	s3 =	sld [smem:$0x3FA8]  }
0x31: {  	[smem:$0x3FB1] =	sst s10  }
0x32: {  	s10 =	sld [smem:$0x3FAF];
	_ =	sdelay $0x3  }
0x33: {  	p0 =	seq.s32 s10, $0x1;
	s10 =	sld [smem:$0x3FB1];
	_ =	sdelay $0x3  }
0x34: {  	[smem:$0x3FB1] =	sst s10  }
0x35: {  	s10 =	sld [smem:$0x3FB0];
	_ =	sdelay $0x3  }
0x36: {  	p1 =	seq.s32 s10, $0x1;
	s10 =	sld [smem:$0x3FB1];
	_ =	sdelay $0x3  }
0x37: {  	[smem:$0x3FB1] =	sst s10  }
0x38: {  	s10 =	sld [smem:$0x3FB2]  }
0x39: {  	_ = 	snop;
	(pc) =	sbr.ind lr, $3  }
0x3a: {  	_ = 	snop  }
0x3b: {  	_ = 	snop  }
0x3c: {  	p2 =	seq.s32 s10, $0x1;
	s10 =	sld [smem:$0x3FB1]  }
0x3d: {  	_ =	shalt  }
0x3e: {  	_ =	shalt  }
0x3f: {  	_ =	shalt  }
0x40: {  	_ =	shalt  }
0x41: {  	_ =	shalt  }
0x42: {  	_ =	shalt  }
0x43: {  	_ =	shalt  }
0x44: {  	_ =	shalt  }
0x45: {  	_ =	shalt  }
0x46: {  	_ =	shalt  }
0x47: {  	_ =	shalt  }
0x48: {  	_ =	shalt  }
0x49: {  	_ =	shalt  }
0x4a: {  	_ =	shalt  }
0x4b: {  	_ =	shalt  }
0x4c: {  	_ =	shalt  }
0x4d: {  	_ =	shalt  }
0x4e: {  	_ =	shalt  }
0x4f: {  	_ =	shalt  }
0x50: {  	_ =	shalt  }
0x51: {  	_ =	shalt  }
0x52: {  	_ =	shalt  }
0x53: {  	_ =	shalt  }
0x54: {  	_ =	shalt  }
0x55: {  	_ =	shalt  }
0x56: {  	_ =	shalt  }
0x57: {  	_ =	shalt  }
0x58: {  	_ =	shalt  }
0x59: {  	_ =	shalt  }
0x5a: {  	_ =	shalt  }
0x5b: {  	_ =	shalt  }
0x5c: {  	_ =	shalt  }
0x5d: {  	_ =	shalt  }
0x5e: {  	_ =	shalt  }
0x5f: {  	_ =	shalt  }
0x60: {  	_ =	shalt  }
0x61: {  	_ =	shalt  }
0x62: {  	_ =	shalt  }
0x63: {  	_ =	shalt  }
0x64: {  	_ =	shalt  }
0x65: {  	_ =	shalt  }
0x66: {  	_ =	shalt  }
0x67: {  	_ =	shalt  }
0x68: {  	_ =	shalt  }
0x69: {  	_ =	shalt  }
0x6a: {  	_ =	shalt  }
0x6b: {  	_ =	shalt  }
0x6c: {  	_ =	shalt  }
0x6d: {  	_ =	shalt  }
0x6e: {  	_ =	shalt  }
0x6f: {  	_ =	shalt  }
0x70: {  	_ =	shalt  }
0x71: {  	_ =	shalt  }
0x72: {  	_ =	shalt  }
0x73: {  	_ =	shalt  }
0x74: {  	_ =	shalt  }
0x75: {  	_ =	shalt  }
0x76: {  	_ =	shalt  }
0x77: {  	_ =	shalt  }
0x78: {  	_ =	shalt  }
0x79: {  	_ =	shalt  }
0x7a: {  	_ =	shalt  }
0x7b: {  	_ =	shalt  }
0x7c: {  	_ =	shalt  }
0x7d: {  	_ =	shalt  }
0x7e: {  	_ =	shalt  }
0x7f: {  	_ =	shalt  }
0x80: {  	_ =	shalt  }
0x81: {  	_ =	shalt  }
0x82: {  	_ =	shalt  }
0x83: {  	_ =	shalt  }
0x84: {  	_ =	shalt  }
0x85: {  	_ =	shalt  }
0x86: {  	_ =	shalt  }
0x87: {  	_ =	shalt  }
.Lfunc_end0:
.L_simem_size_0:
called_computation_lowered:
.L_overlay_start_0:
0x88: {  	s2 =	sld [smem:$0x3FD9]  }
0x89: {  	s3 =	sld [smem:$0x3FFE];
	_ =	sdelay $0x1  }
0x8a: {  	s1 =	srdreg.scid  }
0x8b: {  	s0 =	sand.u32 $0x1, s1  }
0x8c: {  	s17 =	sshll.u32 s0, $0xA;
	s2 =	sadd.s32 s3, s2  }
0x8d: {  	s2 =	sadd.s32 s2, s17  }
0x8e: {  	[smem:$0x3FBD] =	sst s2  }
0x8f: {  	_ = 	snop  }
0x90: {  	s2 =	sld [smem:$0x3FD0];
	(tm) =	ssettm $0x1  }
0x91: {  	s18 =	sld [smem:$0x3FFB];
	_ =	sdelay $0x3  }
0x92: {  	_ =	strace s18  }
0x93: {  	s3 =	sld [smem:$0x3FFC];
	_ =	sdelay $0x3  }
0x94: {  	_ =	strace s3  }
0x95: {  	s3 =	sld [smem:$0x3FFD];
	_ =	sdelay $0x3  }
0x96: {  	_ =	strace s3  }
0x97: {  	_ =	strace $0x8FFFFFFF  }
0x98: {  	s19 =	sld [smem:$0x3FDB];
	_ =	sdelay $0x1  }
0x99: {  	s4 =	simm.s32 $_scs_section_size  }
0x9a: {  	s5 =	simm.s32 $_size__tile_overlayer_lowered;
	s6 =	simm.s32 $_tile_overlayer_lowered  }
0x9b: {  	s22 =	simm.s32 $0x1BFF;
	s21 =	sshll.u32 s6, $0x1;
	s3 =	sadd.s32 s4, s19  }
0x9c: {  	s7 =	simm.s32 $0x0;
	s20 =	sshll.u32 s5, $0x1;
	s5 =	sadd.s32 s21, s3  }
0x9d: {  	[timem:s7], [sflag:s22] =	dma.local [hbm:s5], s20  }
0x9e: {  	_ =	swait.ge [sflag:s22], s20  }
0x9f: {  	s4 =	ssub.s32 $0x0, s20;
	[sflag:s22] =	ssyncset.done $0x0  }
0xa0: {  	[sflag:s22] =	ssyncadd.s32 s4;
	_ =	sdelay $0x1  }
0xa1: {  	s23 =	simm.s32 $0x1B8B  }
0xa2: {  	_ =	swait.ge [sflag:s23], $0x1  }
0xa3: {  	[sflag:s23] =	ssyncset.done $0x0  }
0xa4: {  	s25 =	simm.s32 $0x1B8E;
	s24 =	sld [smem:$0x3FFE];
	[sflag:s23] =	ssyncadd.s32 $0xFFFFFFFF  }
0xa5: {  	s26 =	simm.s32 $execute0_lowered;
	[smem:$0x3FD2] =	sst s25  }
0xa6: {  	s5 =	sshll.u32 s26, $0x1;
	_ =	strace $0x80000046;
	[dreg:$0x1] =	wrdreg $0xFFFFFFFF  }
0xa7: {  	s28 =	simm.s32 $_size_execute0_lowered;
	s3 =	sadd.s32 s3, s5;
	[dreg:$0x0] =	wrdreg $0x0  }
0xa8: {  	s5 =	sshll.u32 s28, $0x1;
	[dreg:$0x2] =	wrdreg s3  }
0xa9: {  	[dreg:$0x3] =	wrdreg s5  }
0xaa: {  	[dreg:$0x4] =	wrdreg $0xC0  }
0xab: {  	_ =	task [dreg:s7], $0x5FFFF  }
0xac: {  	[dreg:$0x1] =	wrdreg $0xFFFFFFFF  }
0xad: {  	[dreg:$0x0] =	wrdreg $0x60  }
0xae: {  	[dreg:$0x2] =	wrdreg s24  }
0xaf: {  	[dreg:$0x3] =	wrdreg s2  }
0xb0: {  	[dreg:$0x4] =	wrdreg $0x2E000  }
0xb1: {  	[dreg:$0x5] =	wrdreg $0x9  }
0xb2: {  	_ =	task.clear_ibuf [dreg:s7], $0x6FFFF;
	_ =	strace $0x90000046  }
0xb3: {  	s29 =	simm.s32 $0x9;
	_ =	strace $0x80000048  }
0xb4: {  	_ =	swait.ge [sflag:s29], $0x1  }
0xb5: {  	[sflag:s29] =	ssyncadd.s32 $0xFFFFFFFF  }
0xb6: {  	_ =	strace $0x90000048  }
0xb7: {  	_ =	sfence  }
0xb8: {  	s30 =	sld [smem:$0x0];
	_ =	sdelay $0x2  }
0xb9: {  	s31 =	sshll.u32 s1, $0xD;
	s1 =	sshrl.u32 s1, $0x2  }
0xba: {  	s3 =	sand.u32 $0x4000, s31;
	s1 =	sadd.s32 s1, s30  }
0xbb: {  	s0 =	sor.u32 s3, s0;
	s1 =	sshll.u32 s1, $0x11  }
0xbc: {  	s0 =	sor.u32 s1, s0  }
0xbd: {  	s0 =	sadd.s32 $0x8F2B, s0  }
0xbe: {  	[sflag:s0] =	ssyncadd.remote.s32 $0x1  }
0xbf: {  	_ =	sfence.sel $0xFFFF  }
0xc0: {  	[dreg:$0x0] =	wrdreg $0xFFFFFFFF;
	(pc) =	sbr.abs _section_cstart, $3  }
0xc1: {  	[dreg:$0x1] =	wrdreg $0xFFFFFFFF  }
0xc2: {  	_ =	task.clear_ibuf [dreg:s7], $0x2FFFF;
	_ =	strace $0x9FFFFFFF  }
0xc3: {  	(tm) =	ssettm $0x7FFFFFFF  }
tec
execute0_lowered:
.L_overlay_start_1:
0x0: {  	(tag) =	ssettag $0x1  }
0x1: {  	s4 =	rddreg [dreg:$0x0]  }
0x2: {  	s7 =	rddreg [dreg:$0x1]  }
0x3: {  	s1 =	rddreg [dreg:$0x2];
	s2 =	srdreg.scid  }
0x4: {  	s0 =	rddreg [dreg:$0x3];
	s3 =	simm.s32 $0x0;
	s5 =	sand.u32 $0x1, s2  }
0x5: {  	s13 =	simm.s32 $0x80;
	s2 =	stileid.u32;
	s6 =	smul.u32 $0x5000, s5  }
0x6: {  	s14 =	simm.s32 $0x2800;
	s15 =	simm.s32 $0x2880;
	s8 =	smul.u32 $0x500, s2  }
0x7: {  	s16 =	simm.s32 $0x2B80;
	[smem:$0x7FF] =	sst s3;
	s9 =	smul.u32 $0x9E0, s2  }
0x8: {  	s17 =	simm.s32 $0x0;
	_ =	strace $0x80000047;
	s10 =	smul.u32 $0x270, s2  }
0x9: {  	s28 =	ssub.s32 $0x2, s5;
	s12 =	smul.u32 $0x2710, s5;
	p0 =	sne.s32 s2, $0xF  }
0xa: {  	s11 =	sshrl.u32 s28, $0x1;
	s6 =	sadd.s32 s8, s6;
	s9 =	sshrl.u32 s9, $0x2  }
0xb: {  	s11 =	ssub.s32 s28, s11;
	s30 =	sadd.s32 s10, s12;
	s31 =	sshrl.u32 s12, $0x3  }
0xc: {  	s12 =	simm.s32 $0x1;
	s29 =	sadd.s32 s6, s4;
	s4 =	sadd.s32 s9, s1  }
0xd: {  	s6 =	sadd.s32 s10, s1;
	s8 =	sshrl.u32 s30, $0x3;
	s9 =	sadd.s32 s7, s31  }
0xe: {  	s10 =	smax.u32 s11, $0x1;
	s11 =	simm.s32 $0x2900;
	s5 =	sadd.s32 $0x1800, s29  }
0xf: {  	v0 =	vimm.f32 $1.000000000e+00;
	v1 =	vimm.f32 $0.0e+00;
	s7 =	sadd.s32 s7, s8;
	s8 =	sadd.s32 $0x2700, s1;
	s9 =	sadd.s32 $0x4E0, s9  }
.LBB2_1:
0x10: {  	[tilespmem:$0x2880] =	vst v0  }
0x11: {  	[tilespmem:$0x2890] =	vst v0  }
0x12: {  	[tilespmem:$0x28A0] =	vst v0  }
0x13: {  	[tilespmem:$0x28B0] =	vst v0  }
0x14: {  	[tilespmem:$0x28C0] =	vst v0  }
0x15: {  	[tilespmem:$0x28D0] =	vst v0  }
0x16: {  	[tilespmem:$0x28E0] =	vst v0  }
0x17: {  	[tilespmem:$0x28F0] =	vst v0  }
0x18: {  	[tilespmem:$0x2900] =	vst v1  }
0x19: {  	[tilespmem:$0x2910] =	vst v1  }
0x1a: {  	[tilespmem:$0x2920] =	vst v1  }
0x1b: {  	[tilespmem:$0x2930] =	vst v1  }
0x1c: {  	[tilespmem:$0x2940] =	vst v1  }
0x1d: {  	[tilespmem:$0x2950] =	vst v1  }
0x1e: {  	[tilespmem:$0x2960] =	vst v1  }
0x1f: {  	[tilespmem:$0x2970] =	vst v1  }
0x20: {  	[tilespmem:$0x2980] =	vst v1  }
0x21: {  	[tilespmem:$0x2990] =	vst v1  }
0x22: {  	[tilespmem:$0x29A0] =	vst v1  }
0x23: {  	[tilespmem:$0x29B0] =	vst v1  }
0x24: {  	[tilespmem:$0x29C0] =	vst v1  }
0x25: {  	[tilespmem:$0x29D0] =	vst v1  }
0x26: {  	[tilespmem:$0x29E0] =	vst v1  }
0x27: {  	[tilespmem:$0x29F0] =	vst v1  }
0x28: {  	[tilespmem:$0x2A00] =	vst v1  }
0x29: {  	[tilespmem:$0x2A10] =	vst v1  }
0x2a: {  	[tilespmem:$0x2A20] =	vst v1  }
0x2b: {  	[tilespmem:$0x2A30] =	vst v1  }
0x2c: {  	[tilespmem:$0x2A40] =	vst v1  }
0x2d: {  	[tilespmem:$0x2A50] =	vst v1  }
0x2e: {  	[tilespmem:$0x2A60] =	vst v1  }
0x2f: {  	[tilespmem:$0x2A70] =	vst v1  }
0x30: {  	[tilespmem:$0x2A80] =	vst v1  }
0x31: {  	[tilespmem:$0x2A90] =	vst v1  }
0x32: {  	[tilespmem:$0x2AA0] =	vst v1  }
0x33: {  	[tilespmem:$0x2AB0] =	vst v1  }
0x34: {  	[tilespmem:$0x2AC0] =	vst v1  }
0x35: {  	[tilespmem:$0x2AD0] =	vst v1  }
0x36: {  	[tilespmem:$0x2AE0] =	vst v1  }
0x37: {  	[tilespmem:$0x2AF0] =	vst v1  }
0x38: {  	[tilespmem:$0x2B00] =	vst v1  }
0x39: {  	[tilespmem:$0x2B10] =	vst v1  }
0x3a: {  	[tilespmem:$0x2B20] =	vst v1  }
0x3b: {  	[tilespmem:$0x2B30] =	vst v1  }
0x3c: {  	[tilespmem:$0x2B40] =	vst v1  }
0x3d: {  	[tilespmem:$0x2B50] =	vst v1  }
0x3e: {  	[tilespmem:$0x2B60] =	vst v1  }
0x3f: {  	[tilespmem:$0x2B68] =	vst v1  }
0x40: {  	[spmem:s4] =	stream.linear.scatter [tilespmem:s11], [sflag:$0x1], $0x278, $0x38;
	[tilespmem:$0x3078] =	vst v63  }
0x41: {  	_ =	swait.ge [sflag:s12], $0x278  }
0x42: {  	[sflag:s12] =	ssyncset.done $0x0  }
0x43: {  	[sflag:s12] =	ssyncadd.s32 $0xFFFFFD88  }
0x44: {  	[tilespmem:s3], [sflag:$0x1] =	stream.linear.gather [hbm4b:s5+s3], $0x2800, $0x38;
	[tilespmem:$0x3078] =	vst v63  }
0x45: {  	_ =	swait.ge [sflag:s12], $0x2800  }
0x46: {  	[sflag:s12] =	ssyncset.done $0x0  }
0x47: {  	[sflag:s12] =	ssyncadd.s32 $0xFFFFD800  }
0x48: {  	s18 =	simm.s32 $0x0;
	[bflag:$0x0] =	sbarrier.arrive $0xFFFF  }
0x49: {  	v2 =	vld [tilespmem:s18+$0x0];
	_ =	sdelay $0x4  }
0x4a: {  	[tilespmem:$0x2800] =	vst v2  }
0x4b: {  	v2 =	vld [tilespmem:s18+$0x10];
	_ =	sdelay $0x4  }
0x4c: {  	[tilespmem:$0x2810] =	vst v2  }
0x4d: {  	v2 =	vld [tilespmem:s18+$0x20];
	_ =	sdelay $0x4  }
0x4e: {  	[tilespmem:$0x2820] =	vst v2  }
0x4f: {  	v2 =	vld [tilespmem:s18+$0x30];
	_ =	sdelay $0x4  }
0x50: {  	[tilespmem:$0x2830] =	vst v2  }
0x51: {  	v2 =	vld [tilespmem:s18+$0x40];
	_ =	sdelay $0x4  }
0x52: {  	[tilespmem:$0x2840] =	vst v2  }
0x53: {  	v2 =	vld [tilespmem:s18+$0x50];
	_ =	sdelay $0x4  }
0x54: {  	[tilespmem:$0x2850] =	vst v2  }
0x55: {  	v2 =	vld [tilespmem:s18+$0x60];
	_ =	sdelay $0x4  }
0x56: {  	[tilespmem:$0x2860] =	vst v2  }
0x57: {  	v2 =	vld [tilespmem:s18+$0x70];
	_ =	sdelay $0x4  }
0x58: {  	[tilespmem:$0x2870] =	vst v2  }
0x59: {  	[spmem:s1] =	stream.indirect.scatter.add.f32 [tilespmem:s15], [sflag:$0x1], $0x1, s14, s13, $0xb8;
	[tilespmem:$0x3078] =	vst v63  }
0x5a: {  	_ =	swait.ge [sflag:s12], $0x80  }
0x5b: {  	s20 =	simm.s32 $0x400;
	s18 =	simm.s32 $0x200;
	[sflag:s12] =	ssyncset.done $0x0  }
.LBB2_2:
0x5c: {  	s21 =	sshra.s32 s18, $0x2  }
0x5d: {  	[sflag:s12] =	ssyncadd.s32 $0xFFFFFF80;
	s18 =	smov.u32 s20;
	s19 =	sadd.s32 $0x200, s20  }
0x5e: {  	p1 =	sne.s32 s20, $0x9E00;
	v2 =	vld [tilespmem:s21+$0x0];
	_ =	sdelay $0x4  }
0x5f: {  	[tilespmem:$0x2800] =	vst v2  }
0x60: {  	v2 =	vld [tilespmem:s21+$0x10];
	_ =	sdelay $0x4  }
0x61: {  	[tilespmem:$0x2810] =	vst v2  }
0x62: {  	v2 =	vld [tilespmem:s21+$0x20];
	_ =	sdelay $0x4  }
0x63: {  	[tilespmem:$0x2820] =	vst v2  }
0x64: {  	v2 =	vld [tilespmem:s21+$0x30];
	_ =	sdelay $0x4  }
0x65: {  	[tilespmem:$0x2830] =	vst v2  }
0x66: {  	v2 =	vld [tilespmem:s21+$0x40];
	_ =	sdelay $0x4  }
0x67: {  	[tilespmem:$0x2840] =	vst v2  }
0x68: {  	v2 =	vld [tilespmem:s21+$0x50];
	_ =	sdelay $0x4  }
0x69: {  	[tilespmem:$0x2850] =	vst v2  }
0x6a: {  	v2 =	vld [tilespmem:s21+$0x60];
	_ =	sdelay $0x4  }
0x6b: {  	[tilespmem:$0x2860] =	vst v2  }
0x6c: {  	v2 =	vld [tilespmem:s21+$0x70];
	_ =	sdelay $0x3  }
.Ltmp0:
0x6d: {  	(pc) =	sbr.rel @p1 .LBB2_2-.Ltmp0, $4  }
0x6e: {  	[tilespmem:$0x2870] =	vst v2  }
0x6f: {  	[spmem:s1] =	stream.indirect.scatter.add.f32 [tilespmem:s15], [sflag:$0x1], $0x1, s14, s13, $0xb8;
	[tilespmem:$0x3078] =	vst v63  }
0x70: {  	_ =	swait.ge [sflag:s12], $0x80  }
0x71: {  	s20 =	smov.u32 s19;
	[sflag:s12] =	ssyncset.done $0x0  }
0x72: {  	s18 =	sshra.s32 s18, $0x2;
	[sflag:s12] =	ssyncadd.s32 $0xFFFFFF80  }
0x73: {  	v2 =	vld [tilespmem:s18+$0x0];
	_ =	sdelay $0x4  }
0x74: {  	[tilespmem:$0x2800] =	vst v2  }
0x75: {  	v2 =	vld [tilespmem:s18+$0x10];
	_ =	sdelay $0x4  }
0x76: {  	[tilespmem:$0x2810] =	vst v2  }
0x77: {  	v2 =	vld [tilespmem:s18+$0x20];
	_ =	sdelay $0x4  }
0x78: {  	[tilespmem:$0x2820] =	vst v2  }
0x79: {  	v2 =	vld [tilespmem:s18+$0x30];
	_ =	sdelay $0x4  }
0x7a: {  	[tilespmem:$0x2830] =	vst v2  }
0x7b: {  	v2 =	vld [tilespmem:s18+$0x40];
	_ =	sdelay $0x4  }
0x7c: {  	[tilespmem:$0x2840] =	vst v2  }
0x7d: {  	v2 =	vld [tilespmem:s18+$0x50];
	_ =	sdelay $0x4  }
0x7e: {  	[tilespmem:$0x2850] =	vst v2  }
0x7f: {  	v2 =	vld [tilespmem:s18+$0x60];
	_ =	sdelay $0x4  }
0x80: {  	[tilespmem:$0x2860] =	vst v2  }
0x81: {  	v2 =	vld [tilespmem:s18+$0x70];
	_ =	sdelay $0x4  }
0x82: {  	[tilespmem:$0x2870] =	vst v2  }
0x83: {  	[spmem:s1] =	stream.indirect.scatter.add.f32 [tilespmem:s15], [sflag:$0x1], $0x1, s14, s13, $0xb8;
	[tilespmem:$0x3078] =	vst v63  }
0x84: {  	_ =	swait.ge [sflag:s12], $0x80  }
0x85: {  	[sflag:s12] =	ssyncset.done $0x0  }
0x86: {  	[sflag:s12] =	ssyncadd.s32 $0xFFFFFF80  }
0x87: {  	[bflag:$0x0] =	sbarrier.arrive $0xFFFF  }
0x88: {  	[tilespmem:s16], [sflag:$0x1] =	stream.linear.gather [spmem:s6], $0x270, $0x38;
	[tilespmem:$0x3078] =	vst v63  }
0x89: {  	_ =	swait.ge [sflag:s12], $0x270  }
0x8a: {  	[sflag:s12] =	ssyncset.done $0x0  }
0x8b: {  	[sflag:s12] =	ssyncadd.s32 $0xFFFFFD90  }
0x8c: {  	[hbm4b:s7+s3] =	stream.linear.scatter [tilespmem:s16], [sflag:$0x1], $0x270, $0x38;
	[tilespmem:$0x3078] =	vst v63  }
0x8d: {  	_ =	swait.ge [sflag:s12], $0x270  }
0x8e: {  	[sflag:s12] =	ssyncset.done $0x0  }
0x8f: {  	s19 =	simm.s32 @!p0 $0x1;
	s18 =	simm.s32 @!p0 $0x2B80;
	[sflag:s12] =	ssyncadd.s32 $0xFFFFFD90  }
0x90: {  	[tilespmem:s18], [sflag:$0x1] =	stream.linear.gather @!p0 [spmem:s8], $0x10, $0x38;
	[tilespmem:$0x3078] =	vst v63  }
0x91: {  	s17 =	sadd.s32 $0x1, s17;
	_ =	swait.ge @!p0 [sflag:s19], $0x10  }
0x92: {  	p1 =	sne.s32 s17, s10;
	[sflag:s19] =	ssyncset.done @!p0 $0x0  }
.Ltmp1:
0x93: {  	s20 =	simm.s32 @!p0 $0x0;
	[sflag:s19] =	ssyncadd.s32 @!p0 $0xFFFFFFF0;
	(pc) =	sbr.rel @p1 .LBB2_1-.Ltmp1, $4  }
0x94: {  	[hbm4b:s9+s20] =	stream.linear.scatter @!p0 [tilespmem:s18], [sflag:$0x1], $0x10, $0x38;
	[tilespmem:$0x3078] =	vst v63  }
0x95: {  	_ =	swait.ge @!p0 [sflag:s19], $0x10  }
0x96: {  	[sflag:s19] =	ssyncset.done @!p0 $0x0  }
0x97: {  	[sflag:s19] =	ssyncadd.s32 @!p0 $0xFFFFFFF0  }
0x98: {  	_ =	sfence.sel $0x180000  }
0x99: {  	[bflag:$0x0] =	sbarrier.arrive $0xFFFF  }
0x9a: {  	p0 =	sne.s32 s2, $0x0;
	_ =	strace $0x90000047  }
0x9b: {  	s0 =	sadd.s32 @!p0 $0x100000, s0;
	[bflag:$0x2] =	sbarrier.arrive $0xFFFF  }
0x9c: {  	[sflag:s0] =	ssyncadd.tile.s32 @!p0 $0x1;
	_ =	shalt  }
.Lfunc_end2:
_tile_overlayer_lowered:
.L_overlay_start_2:
0x9d: {  	(tag) =	ssettag $0x2  }
0x9e: {  	s0 =	rddreg [dreg:$0x0];
	s2 =	stileid.u32  }
0x9f: {  	s1 =	rddreg [dreg:$0x1];
	p0 =	sne.s32 s2, $0x0  }
0xa0: {  	s3 =	rddreg [dreg:$0x2];
	[bflag:$0x3] =	sbarrier.arrive $0xFFFF;
	s2 =	simm.s32 @!p0 $0x1C01  }
0xa1: {  	[timem:s3], [sflag:s2] =	dma.local @!p0 [hbm:s0], s1  }
0xa2: {  	s0 =	simm.s32 @!p0 $0x1  }
0xa3: {  	_ =	swait.ge @!p0 [sflag:s0], s1  }
0xa4: {  	s1 =	ssub.s32 @!p0 $0x0, s1;
	[sflag:s0] =	ssyncset.done @!p0 $0x0  }
0xa5: {  	[sflag:s0] =	ssyncadd.s32 @!p0 s1  }
0xa6: {  	[bflag:$0x3] =	sbarrier.arrive $0xFFFF  }
0xa7: {  	_ =	shalt  }

</sc_bundles>
